<compile_context>
chip_gen: v7x
topology: tpu7x:2x2x1
jax: 0.10.2.dev20260603
libtpu: 0.0.44.dev20260713+nightly
codegen_flags: <defaults>
</compile_context>

<pallas_src>
import functools
import jax
import jax.numpy as jnp
from jax import lax
from jax.experimental import pallas as pl
from jax.experimental.pallas import tpu as pltpu
from jax.experimental.pallas import tpu_sc as plsc

_NC = 2
_NS = 16
_NW = _NC * _NS
_CHUNK = 8
_LANES = 16


def _sc_body(batch, num_types, dim, emb_hbm, out_hbm, buf, sem):
    c = lax.axis_index("c")
    s = lax.axis_index("s")
    wid = s * _NC + c
    rows_per_tile = batch // _NW
    pltpu.async_copy(emb_hbm, buf.at[:, 0, :], sem).wait()
    nvec = dim // _LANES
    regs = [
        buf[t, 0, pl.ds(l * _LANES, _LANES)]
        for t in range(num_types)
        for l in range(nvec)
    ]

    def _rep(r, carry):
        for t in range(num_types):
            for l in range(nvec):
                buf[t, r, pl.ds(l * _LANES, _LANES)] = regs[t * nvec + l]
        return carry

    lax.fori_loop(1, _CHUNK, _rep, 0)

    base = wid * rows_per_tile
    outs = [
        pltpu.async_copy(
            buf, out_hbm.at[:, pl.ds(base + i * _CHUNK, _CHUNK), :], sem
        )
        for i in range(rows_per_tile // _CHUNK)
    ]
    for cp in outs:
        cp.wait()


def kernel(action_mask, embedding):
    batch = action_mask.shape[0]
    num_types, dim = embedding.shape
    mesh = plsc.VectorSubcoreMesh(core_axis_name="c", subcore_axis_name="s")
    body = functools.partial(_sc_body, batch, num_types, dim)
    run = pl.kernel(
        body,
        out_type=jax.ShapeDtypeStruct((num_types, batch, dim), embedding.dtype),
        mesh=mesh,
        scratch_types=[
            pltpu.VMEM((num_types, _CHUNK, dim), embedding.dtype),
            pltpu.SemaphoreType.DMA,
        ],
        compiler_params=pltpu.CompilerParams(use_tc_tiling_on_sc=True),
    )
    return run(embedding).transpose(1, 0, 2)

# --- scband reference (transcript-rebuilt; emitter-appended) ---
"""Pipeline reference for scband-vectorized-embedding-84413287236429 (READ-ONLY COPY).

The authoritative reference and input builder live on the scoring server;
editing this copy changes nothing except your own understanding.
"""

import jax, jax.numpy as jnp
import numpy as np

NUM_TYPES = 12
DIM_EMBEDDING = 128
BATCH = 16384

def setup_inputs(seed: int = 0) -> dict:
    key = jax.random.key(seed)
    k1, k2 = jax.random.split(key)
    action_mask = jax.random.uniform(k1, (BATCH, NUM_TYPES), dtype=jnp.float32)
    # nn.Embedding default init: N(0, 1)
    embedding = jax.random.normal(k2, (NUM_TYPES, DIM_EMBEDDING), dtype=jnp.float32)
    return {"action_mask": action_mask, "embedding": embedding}

def reference(action_mask, embedding):
    batch_size = action_mask.shape[0]
    # indices[:, i] = i for i in 0..11 (the module fills each column with its state-type id)
    indices = jnp.broadcast_to(jnp.arange(NUM_TYPES, dtype=jnp.int32)[None, :], (batch_size, NUM_TYPES))
    # embedding lookup (gather)
    return jnp.take(embedding, indices, axis=0)

if __name__ == "__main__":
    import jax
    _d = setup_inputs()
    print(jax.jit(kernel)(*tuple(_d.values())))

</pallas_src>

<mosaic_0001>
#map = affine_map<(d0, d1) -> (0, 0)>
#map1 = affine_map<(d0, d1) -> (0, 0, 0)>
module attributes {stable_mosaic.version = 14 : i64} {
  func.func @_sc_body(%arg0: i32, %arg1: i32, %arg2: memref<12x128xf32, #tpu.memory_space<hbm>>, %arg3: memref<12x16384x128xf32, #tpu.memory_space<hbm>>, %arg4: memref<12x8x128xf32, #tpu.memory_space<vmem>>, %arg5: memref<!tpu.dma_semaphore, #tpu.memory_space<semaphore_mem>>) attributes {dimension_semantics = [#tpu.dimension_semantics<core_parallel>, #tpu.dimension_semantics<subcore_parallel>], iteration_bounds = array<i64: 2, 16>, scalar_prefetch = 0 : i64, scratch_operands = 2 : i64, tpu.core_type = #tpu.core_type<sc_vector_subcore>, window_params = [{transform_indices = #map}, {transform_indices = #map1}]} {
    %mul3A = arith.constant 2 : i32
    %mul3A_0 = arith.muli %arg1, %mul3A : i32
    %add3A = arith.addi %mul3A_0, %arg0 : i32
    %dma_start3A = arith.constant 0 : i32
    %dma_start3A_1 = arith.constant 0 : i32
    %dma_start3A_2 = arith.constant 0 : i32
    %dma_start3A_3 = tpu.memref_slice %arg4[%dma_start3A_1, %dma_start3A, %dma_start3A_2] : memref<12x8x128xf32, #tpu.memory_space<vmem>> -> memref<12x1x128xf32, #tpu.memory_space<vmem>>
    %dma_start3A_4 = tpu.memref_squeeze %dma_start3A_3 : memref<12x1x128xf32, #tpu.memory_space<vmem>> -> memref<12x128xf32, #tpu.memory_space<vmem>>
    %dma_start3A_5 = arith.constant 0 : i32
    %dma_start3A_6 = arith.constant 0 : i32
    %dma_start3A_7 = tpu.memref_slice %arg4[%dma_start3A_5, %dma_start3A, %dma_start3A_6] : memref<12x8x128xf32, #tpu.memory_space<vmem>> -> memref<12x1x128xf32, #tpu.memory_space<vmem>>
    %dma_start3A_8 = tpu.memref_squeeze %dma_start3A_7 : memref<12x1x128xf32, #tpu.memory_space<vmem>> -> memref<12x128xf32, #tpu.memory_space<vmem>>
    tpu.enqueue_dma source(%arg2 : memref<12x128xf32, #tpu.memory_space<hbm>>) target(%dma_start3A_8 : memref<12x128xf32, #tpu.memory_space<vmem>>) target_semaphore(%arg5 : memref<!tpu.dma_semaphore, #tpu.memory_space<semaphore_mem>>)
    %dma_wait3A = arith.constant 0 : i32
    %dma_wait3A_9 = arith.constant 0 : i32
    %dma_wait3A_10 = arith.constant 0 : i32
    %dma_wait3A_11 = tpu.memref_slice %arg4[%dma_wait3A_9, %dma_wait3A, %dma_wait3A_10] : memref<12x8x128xf32, #tpu.memory_space<vmem>> -> memref<12x1x128xf32, #tpu.memory_space<vmem>>
    %dma_wait3A_12 = tpu.memref_squeeze %dma_wait3A_11 : memref<12x1x128xf32, #tpu.memory_space<vmem>> -> memref<12x128xf32, #tpu.memory_space<vmem>>
    %dma_wait3A_13 = arith.constant 0 : i32
    %dma_wait3A_14 = arith.constant 0 : i32
    %dma_wait3A_15 = tpu.memref_slice %arg4[%dma_wait3A_13, %dma_wait3A, %dma_wait3A_14] : memref<12x8x128xf32, #tpu.memory_space<vmem>> -> memref<12x1x128xf32, #tpu.memory_space<vmem>>
    %dma_wait3A_16 = tpu.memref_squeeze %dma_wait3A_15 : memref<12x1x128xf32, #tpu.memory_space<vmem>> -> memref<12x128xf32, #tpu.memory_space<vmem>>
    tpu.wait_dma2 semaphore(%arg5 : memref<!tpu.dma_semaphore, #tpu.memory_space<semaphore_mem>>) src(%arg2 : memref<12x128xf32, #tpu.memory_space<hbm>>) dst(%dma_wait3A_16 : memref<12x128xf32, #tpu.memory_space<vmem>>)
    %get3A = arith.constant 0 : i32
    %get3A_17 = arith.constant 0 : i32
    %get3A_18 = arith.index_cast %get3A : i32 to index
    %get3A_19 = arith.index_cast %get3A_17 : i32 to index
    %get3A_20 = arith.constant 0 : index
    %get3A_21 = tpu.vector_load %arg4[%get3A_18, %get3A_19, %get3A_20] {strides = array<i32>} : memref<12x8x128xf32, #tpu.memory_space<vmem>>, vector<1x1x16xf32>,
    %get3A_22 = vector.shape_cast %get3A_21 : vector<1x1x16xf32> to vector<16xf32>
    %get3A_23 = arith.constant 0 : i32
    %get3A_24 = arith.constant 0 : i32
    %get3A_25 = arith.index_cast %get3A_23 : i32 to index
    %get3A_26 = arith.index_cast %get3A_24 : i32 to index
    %get3A_27 = arith.constant 16 : index
    %get3A_28 = tpu.vector_load %arg4[%get3A_25, %get3A_26, %get3A_27] {strides = array<i32>} : memref<12x8x128xf32, #tpu.memory_space<vmem>>, vector<1x1x16xf32>,
    %get3A_29 = vector.shape_cast %get3A_28 : vector<1x1x16xf32> to vector<16xf32>
    %get3A_30 = arith.constant 0 : i32
    %get3A_31 = arith.constant 0 : i32
    %get3A_32 = arith.index_cast %get3A_30 : i32 to index
    %get3A_33 = arith.index_cast %get3A_31 : i32 to index
    %get3A_34 = arith.constant 32 : index
    %get3A_35 = tpu.vector_load %arg4[%get3A_32, %get3A_33, %get3A_34] {strides = array<i32>} : memref<12x8x128xf32, #tpu.memory_space<vmem>>, vector<1x1x16xf32>,
    %get3A_36 = vector.shape_cast %get3A_35 : vector<1x1x16xf32> to vector<16xf32>
    %get3A_37 = arith.constant 0 : i32
    %get3A_38 = arith.constant 0 : i32
    %get3A_39 = arith.index_cast %get3A_37 : i32 to index
    %get3A_40 = arith.index_cast %get3A_38 : i32 to index
    %get3A_41 = arith.constant 48 : index
    %get3A_42 = tpu.vector_load %arg4[%get3A_39, %get3A_40, %get3A_41] {strides = array<i32>} : memref<12x8x128xf32, #tpu.memory_space<vmem>>, vector<1x1x16xf32>,
    %get3A_43 = vector.shape_cast %get3A_42 : vector<1x1x16xf32> to vector<16xf32>
    %get3A_44 = arith.constant 0 : i32
    %get3A_45 = arith.constant 0 : i32
    %get3A_46 = arith.index_cast %get3A_44 : i32 to index
    %get3A_47 = arith.index_cast %get3A_45 : i32 to index
    %get3A_48 = arith.constant 64 : index
    %get3A_49 = tpu.vector_load %arg4[%get3A_46, %get3A_47, %get3A_48] {strides = array<i32>} : memref<12x8x128xf32, #tpu.memory_space<vmem>>, vector<1x1x16xf32>,
    %get3A_50 = vector.shape_cast %get3A_49 : vector<1x1x16xf32> to vector<16xf32>
    %get3A_51 = arith.constant 0 : i32
    %get3A_52 = arith.constant 0 : i32
    %get3A_53 = arith.index_cast %get3A_51 : i32 to index
    %get3A_54 = arith.index_cast %get3A_52 : i32 to index
    %get3A_55 = arith.constant 80 : index
    %get3A_56 = tpu.vector_load %arg4[%get3A_53, %get3A_54, %get3A_55] {strides = array<i32>} : memref<12x8x128xf32, #tpu.memory_space<vmem>>, vector<1x1x16xf32>,
    %get3A_57 = vector.shape_cast %get3A_56 : vector<1x1x16xf32> to vector<16xf32>
    %get3A_58 = arith.constant 0 : i32
    %get3A_59 = arith.constant 0 : i32
    %get3A_60 = arith.index_cast %get3A_58 : i32 to index
    %get3A_61 = arith.index_cast %get3A_59 : i32 to index
    %get3A_62 = arith.constant 96 : index
    %get3A_63 = tpu.vector_load %arg4[%get3A_60, %get3A_61, %get3A_62] {strides = array<i32>} : memref<12x8x128xf32, #tpu.memory_space<vmem>>, vector<1x1x16xf32>,
    %get3A_64 = vector.shape_cast %get3A_63 : vector<1x1x16xf32> to vector<16xf32>
    %get3A_65 = arith.constant 0 : i32
    %get3A_66 = arith.constant 0 : i32
    %get3A_67 = arith.index_cast %get3A_65 : i32 to index
    %get3A_68 = arith.index_cast %get3A_66 : i32 to index
    %get3A_69 = arith.constant 112 : index
    %get3A_70 = tpu.vector_load %arg4[%get3A_67, %get3A_68, %get3A_69] {strides = array<i32>} : memref<12x8x128xf32, #tpu.memory_space<vmem>>, vector<1x1x16xf32>,
    %get3A_71 = vector.shape_cast %get3A_70 : vector<1x1x16xf32> to vector<16xf32>
    %get3A_72 = arith.constant 1 : i32
    %get3A_73 = arith.constant 0 : i32
    %get3A_74 = arith.index_cast %get3A_72 : i32 to index
    %get3A_75 = arith.index_cast %get3A_73 : i32 to index
    %get3A_76 = arith.constant 0 : index
    %get3A_77 = tpu.vector_load %arg4[%get3A_74, %get3A_75, %get3A_76] {strides = array<i32>} : memref<12x8x128xf32, #tpu.memory_space<vmem>>, vector<1x1x16xf32>,
    %get3A_78 = vector.shape_cast %get3A_77 : vector<1x1x16xf32> to vector<16xf32>
    %get3A_79 = arith.constant 1 : i32
    %get3A_80 = arith.constant 0 : i32
    %get3A_81 = arith.index_cast %get3A_79 : i32 to index
    %get3A_82 = arith.index_cast %get3A_80 : i32 to index
    %get3A_83 = arith.constant 16 : index
    %get3A_84 = tpu.vector_load %arg4[%get3A_81, %get3A_82, %get3A_83] {strides = array<i32>} : memref<12x8x128xf32, #tpu.memory_space<vmem>>, vector<1x1x16xf32>,
    %get3A_85 = vector.shape_cast %get3A_84 : vector<1x1x16xf32> to vector<16xf32>
    %get3A_86 = arith.constant 1 : i32
    %get3A_87 = arith.constant 0 : i32
    %get3A_88 = arith.index_cast %get3A_86 : i32 to index
    %get3A_89 = arith.index_cast %get3A_87 : i32 to index
    %get3A_90 = arith.constant 32 : index
    %get3A_91 = tpu.vector_load %arg4[%get3A_88, %get3A_89, %get3A_90] {strides = array<i32>} : memref<12x8x128xf32, #tpu.memory_space<vmem>>, vector<1x1x16xf32>,
    %get3A_92 = vector.shape_cast %get3A_91 : vector<1x1x16xf32> to vector<16xf32>
    %get3A_93 = arith.constant 1 : i32
    %get3A_94 = arith.constant 0 : i32
    %get3A_95 = arith.index_cast %get3A_93 : i32 to index
    %get3A_96 = arith.index_cast %get3A_94 : i32 to index
    %get3A_97 = arith.constant 48 : index
    %get3A_98 = tpu.vector_load %arg4[%get3A_95, %get3A_96, %get3A_97] {strides = array<i32>} : memref<12x8x128xf32, #tpu.memory_space<vmem>>, vector<1x1x16xf32>,
    %get3A_99 = vector.shape_cast %get3A_98 : vector<1x1x16xf32> to vector<16xf32>
    %get3A_100 = arith.constant 1 : i32
    %get3A_101 = arith.constant 0 : i32
    %get3A_102 = arith.index_cast %get3A_100 : i32 to index
    %get3A_103 = arith.index_cast %get3A_101 : i32 to index
    %get3A_104 = arith.constant 64 : index
    %get3A_105 = tpu.vector_load %arg4[%get3A_102, %get3A_103, %get3A_104] {strides = array<i32>} : memref<12x8x128xf32, #tpu.memory_space<vmem>>, vector<1x1x16xf32>,
    %get3A_106 = vector.shape_cast %get3A_105 : vector<1x1x16xf32> to vector<16xf32>
    %get3A_107 = arith.constant 1 : i32
    %get3A_108 = arith.constant 0 : i32
    %get3A_109 = arith.index_cast %get3A_107 : i32 to index
    %get3A_110 = arith.index_cast %get3A_108 : i32 to index
    %get3A_111 = arith.constant 80 : index
    %get3A_112 = tpu.vector_load %arg4[%get3A_109, %get3A_110, %get3A_111] {strides = array<i32>} : memref<12x8x128xf32, #tpu.memory_space<vmem>>, vector<1x1x16xf32>,
    %get3A_113 = vector.shape_cast %get3A_112 : vector<1x1x16xf32> to vector<16xf32>
    %get3A_114 = arith.constant 1 : i32
    %get3A_115 = arith.constant 0 : i32
    %get3A_116 = arith.index_cast %get3A_114 : i32 to index
    %get3A_117 = arith.index_cast %get3A_115 : i32 to index
    %get3A_118 = arith.constant 96 : index
    %get3A_119 = tpu.vector_load %arg4[%get3A_116, %get3A_117, %get3A_118] {strides = array<i32>} : memref<12x8x128xf32, #tpu.memory_space<vmem>>, vector<1x1x16xf32>,
    %get3A_120 = vector.shape_cast %get3A_119 : vector<1x1x16xf32> to vector<16xf32>
    %get3A_121 = arith.constant 1 : i32
    %get3A_122 = arith.constant 0 : i32
    %get3A_123 = arith.index_cast %get3A_121 : i32 to index
    %get3A_124 = arith.index_cast %get3A_122 : i32 to index
    %get3A_125 = arith.constant 112 : index
    %get3A_126 = tpu.vector_load %arg4[%get3A_123, %get3A_124, %get3A_125] {strides = array<i32>} : memref<12x8x128xf32, #tpu.memory_space<vmem>>, vector<1x1x16xf32>,
    %get3A_127 = vector.shape_cast %get3A_126 : vector<1x1x16xf32> to vector<16xf32>
    %get3A_128 = arith.constant 2 : i32
    %get3A_129 = arith.constant 0 : i32
    %get3A_130 = arith.index_cast %get3A_128 : i32 to index
    %get3A_131 = arith.index_cast %get3A_129 : i32 to index
    %get3A_132 = arith.constant 0 : index
    %get3A_133 = tpu.vector_load %arg4[%get3A_130, %get3A_131, %get3A_132] {strides = array<i32>} : memref<12x8x128xf32, #tpu.memory_space<vmem>>, vector<1x1x16xf32>,
    %get3A_134 = vector.shape_cast %get3A_133 : vector<1x1x16xf32> to vector<16xf32>
    %get3A_135 = arith.constant 2 : i32
    %get3A_136 = arith.constant 0 : i32
    %get3A_137 = arith.index_cast %get3A_135 : i32 to index
    %get3A_138 = arith.index_cast %get3A_136 : i32 to index
    %get3A_139 = arith.constant 16 : index
    %get3A_140 = tpu.vector_load %arg4[%get3A_137, %get3A_138, %get3A_139] {strides = array<i32>} : memref<12x8x128xf32, #tpu.memory_space<vmem>>, vector<1x1x16xf32>,
    %get3A_141 = vector.shape_cast %get3A_140 : vector<1x1x16xf32> to vector<16xf32>
    %get3A_142 = arith.constant 2 : i32
    %get3A_143 = arith.constant 0 : i32
    %get3A_144 = arith.index_cast %get3A_142 : i32 to index
    %get3A_145 = arith.index_cast %get3A_143 : i32 to index
    %get3A_146 = arith.constant 32 : index
    %get3A_147 = tpu.vector_load %arg4[%get3A_144, %get3A_145, %get3A_146] {strides = array<i32>} : memref<12x8x128xf32, #tpu.memory_space<vmem>>, vector<1x1x16xf32>,
    %get3A_148 = vector.shape_cast %get3A_147 : vector<1x1x16xf32> to vector<16xf32>
    %get3A_149 = arith.constant 2 : i32
    %get3A_150 = arith.constant 0 : i32
    %get3A_151 = arith.index_cast %get3A_149 : i32 to index
    %get3A_152 = arith.index_cast %get3A_150 : i32 to index
    %get3A_153 = arith.constant 48 : index
    %get3A_154 = tpu.vector_load %arg4[%get3A_151, %get3A_152, %get3A_153] {strides = array<i32>} : memref<12x8x128xf32, #tpu.memory_space<vmem>>, vector<1x1x16xf32>,
    %get3A_155 = vector.shape_cast %get3A_154 : vector<1x1x16xf32> to vector<16xf32>
    %get3A_156 = arith.constant 2 : i32
    %get3A_157 = arith.constant 0 : i32
    %get3A_158 = arith.index_cast %get3A_156 : i32 to index
    %get3A_159 = arith.index_cast %get3A_157 : i32 to index
    %get3A_160 = arith.constant 64 : index
    %get3A_161 = tpu.vector_load %arg4[%get3A_158, %get3A_159, %get3A_160] {strides = array<i32>} : memref<12x8x128xf32, #tpu.memory_space<vmem>>, vector<1x1x16xf32>,
    %get3A_162 = vector.shape_cast %get3A_161 : vector<1x1x16xf32> to vector<16xf32>
    %get3A_163 = arith.constant 2 : i32
    %get3A_164 = arith.constant 0 : i32
    %get3A_165 = arith.index_cast %get3A_163 : i32 to index
    %get3A_166 = arith.index_cast %get3A_164 : i32 to index
    %get3A_167 = arith.constant 80 : index
    %get3A_168 = tpu.vector_load %arg4[%get3A_165, %get3A_166, %get3A_167] {strides = array<i32>} : memref<12x8x128xf32, #tpu.memory_space<vmem>>, vector<1x1x16xf32>,
    %get3A_169 = vector.shape_cast %get3A_168 : vector<1x1x16xf32> to vector<16xf32>
    %get3A_170 = arith.constant 2 : i32
    %get3A_171 = arith.constant 0 : i32
    %get3A_172 = arith.index_cast %get3A_170 : i32 to index
    %get3A_173 = arith.index_cast %get3A_171 : i32 to index
    %get3A_174 = arith.constant 96 : index
    %get3A_175 = tpu.vector_load %arg4[%get3A_172, %get3A_173, %get3A_174] {strides = array<i32>} : memref<12x8x128xf32, #tpu.memory_space<vmem>>, vector<1x1x16xf32>,
    %get3A_176 = vector.shape_cast %get3A_175 : vector<1x1x16xf32> to vector<16xf32>
    %get3A_177 = arith.constant 2 : i32
    %get3A_178 = arith.constant 0 : i32
    %get3A_179 = arith.index_cast %get3A_177 : i32 to index
    %get3A_180 = arith.index_cast %get3A_178 : i32 to index
    %get3A_181 = arith.constant 112 : index
    %get3A_182 = tpu.vector_load %arg4[%get3A_179, %get3A_180, %get3A_181] {strides = array<i32>} : memref<12x8x128xf32, #tpu.memory_space<vmem>>, vector<1x1x16xf32>,
    %get3A_183 = vector.shape_cast %get3A_182 : vector<1x1x16xf32> to vector<16xf32>
    %get3A_184 = arith.constant 3 : i32
    %get3A_185 = arith.constant 0 : i32
    %get3A_186 = arith.index_cast %get3A_184 : i32 to index
    %get3A_187 = arith.index_cast %get3A_185 : i32 to index
    %get3A_188 = arith.constant 0 : index
    %get3A_189 = tpu.vector_load %arg4[%get3A_186, %get3A_187, %get3A_188] {strides = array<i32>} : memref<12x8x128xf32, #tpu.memory_space<vmem>>, vector<1x1x16xf32>,
    %get3A_190 = vector.shape_cast %get3A_189 : vector<1x1x16xf32> to vector<16xf32>
    %get3A_191 = arith.constant 3 : i32
    %get3A_192 = arith.constant 0 : i32
    %get3A_193 = arith.index_cast %get3A_191 : i32 to index
    %get3A_194 = arith.index_cast %get3A_192 : i32 to index
    %get3A_195 = arith.constant 16 : index
    %get3A_196 = tpu.vector_load %arg4[%get3A_193, %get3A_194, %get3A_195] {strides = array<i32>} : memref<12x8x128xf32, #tpu.memory_space<vmem>>, vector<1x1x16xf32>,
    %get3A_197 = vector.shape_cast %get3A_196 : vector<1x1x16xf32> to vector<16xf32>
    %get3A_198 = arith.constant 3 : i32
    %get3A_199 = arith.constant 0 : i32
    %get3A_200 = arith.index_cast %get3A_198 : i32 to index
    %get3A_201 = arith.index_cast %get3A_199 : i32 to index
    %get3A_202 = arith.constant 32 : index
    %get3A_203 = tpu.vector_load %arg4[%get3A_200, %get3A_201, %get3A_202] {strides = array<i32>} : memref<12x8x128xf32, #tpu.memory_space<vmem>>, vector<1x1x16xf32>,
    %get3A_204 = vector.shape_cast %get3A_203 : vector<1x1x16xf32> to vector<16xf32>
    %get3A_205 = arith.constant 3 : i32
    %get3A_206 = arith.constant 0 : i32
    %get3A_207 = arith.index_cast %get3A_205 : i32 to index
    %get3A_208 = arith.index_cast %get3A_206 : i32 to index
    %get3A_209 = arith.constant 48 : index
    %get3A_210 = tpu.vector_load %arg4[%get3A_207, %get3A_208, %get3A_209] {strides = array<i32>} : memref<12x8x128xf32, #tpu.memory_space<vmem>>, vector<1x1x16xf32>,
    %get3A_211 = vector.shape_cast %get3A_210 : vector<1x1x16xf32> to vector<16xf32>
    %get3A_212 = arith.constant 3 : i32
    %get3A_213 = arith.constant 0 : i32
    %get3A_214 = arith.index_cast %get3A_212 : i32 to index
    %get3A_215 = arith.index_cast %get3A_213 : i32 to index
    %get3A_216 = arith.constant 64 : index
    %get3A_217 = tpu.vector_load %arg4[%get3A_214, %get3A_215, %get3A_216] {strides = array<i32>} : memref<12x8x128xf32, #tpu.memory_space<vmem>>, vector<1x1x16xf32>,
    %get3A_218 = vector.shape_cast %get3A_217 : vector<1x1x16xf32> to vector<16xf32>
    %get3A_219 = arith.constant 3 : i32
    %get3A_220 = arith.constant 0 : i32
    %get3A_221 = arith.index_cast %get3A_219 : i32 to index
    %get3A_222 = arith.index_cast %get3A_220 : i32 to index
    %get3A_223 = arith.constant 80 : index
    %get3A_224 = tpu.vector_load %arg4[%get3A_221, %get3A_222, %get3A_223] {strides = array<i32>} : memref<12x8x128xf32, #tpu.memory_space<vmem>>, vector<1x1x16xf32>,
    %get3A_225 = vector.shape_cast %get3A_224 : vector<1x1x16xf32> to vector<16xf32>
    %get3A_226 = arith.constant 3 : i32
    %get3A_227 = arith.constant 0 : i32
    %get3A_228 = arith.index_cast %get3A_226 : i32 to index
    %get3A_229 = arith.index_cast %get3A_227 : i32 to index
    %get3A_230 = arith.constant 96 : index
    %get3A_231 = tpu.vector_load %arg4[%get3A_228, %get3A_229, %get3A_230] {strides = array<i32>} : memref<12x8x128xf32, #tpu.memory_space<vmem>>, vector<1x1x16xf32>,
    %get3A_232 = vector.shape_cast %get3A_231 : vector<1x1x16xf32> to vector<16xf32>
    %get3A_233 = arith.constant 3 : i32
    %get3A_234 = arith.constant 0 : i32
    %get3A_235 = arith.index_cast %get3A_233 : i32 to index
    %get3A_236 = arith.index_cast %get3A_234 : i32 to index
    %get3A_237 = arith.constant 112 : index
    %get3A_238 = tpu.vector_load %arg4[%get3A_235, %get3A_236, %get3A_237] {strides = array<i32>} : memref<12x8x128xf32, #tpu.memory_space<vmem>>, vector<1x1x16xf32>,
    %get3A_239 = vector.shape_cast %get3A_238 : vector<1x1x16xf32> to vector<16xf32>
    %get3A_240 = arith.constant 4 : i32
    %get3A_241 = arith.constant 0 : i32
    %get3A_242 = arith.index_cast %get3A_240 : i32 to index
    %get3A_243 = arith.index_cast %get3A_241 : i32 to index
    %get3A_244 = arith.constant 0 : index
    %get3A_245 = tpu.vector_load %arg4[%get3A_242, %get3A_243, %get3A_244] {strides = array<i32>} : memref<12x8x128xf32, #tpu.memory_space<vmem>>, vector<1x1x16xf32>,
    %get3A_246 = vector.shape_cast %get3A_245 : vector<1x1x16xf32> to vector<16xf32>
    %get3A_247 = arith.constant 4 : i32
    %get3A_248 = arith.constant 0 : i32
    %get3A_249 = arith.index_cast %get3A_247 : i32 to index
    %get3A_250 = arith.index_cast %get3A_248 : i32 to index
    %get3A_251 = arith.constant 16 : index
    %get3A_252 = tpu.vector_load %arg4[%get3A_249, %get3A_250, %get3A_251] {strides = array<i32>} : memref<12x8x128xf32, #tpu.memory_space<vmem>>, vector<1x1x16xf32>,
    %get3A_253 = vector.shape_cast %get3A_252 : vector<1x1x16xf32> to vector<16xf32>
    %get3A_254 = arith.constant 4 : i32
    %get3A_255 = arith.constant 0 : i32
    %get3A_256 = arith.index_cast %get3A_254 : i32 to index
    %get3A_257 = arith.index_cast %get3A_255 : i32 to index
    %get3A_258 = arith.constant 32 : index
    %get3A_259 = tpu.vector_load %arg4[%get3A_256, %get3A_257, %get3A_258] {strides = array<i32>} : memref<12x8x128xf32, #tpu.memory_space<vmem>>, vector<1x1x16xf32>,
    %get3A_260 = vector.shape_cast %get3A_259 : vector<1x1x16xf32> to vector<16xf32>
    %get3A_261 = arith.constant 4 : i32
    %get3A_262 = arith.constant 0 : i32
    %get3A_263 = arith.index_cast %get3A_261 : i32 to index
    %get3A_264 = arith.index_cast %get3A_262 : i32 to index
    %get3A_265 = arith.constant 48 : index
    %get3A_266 = tpu.vector_load %arg4[%get3A_263, %get3A_264, %get3A_265] {strides = array<i32>} : memref<12x8x128xf32, #tpu.memory_space<vmem>>, vector<1x1x16xf32>,
    %get3A_267 = vector.shape_cast %get3A_266 : vector<1x1x16xf32> to vector<16xf32>
    %get3A_268 = arith.constant 4 : i32
    %get3A_269 = arith.constant 0 : i32
    %get3A_270 = arith.index_cast %get3A_268 : i32 to index
    %get3A_271 = arith.index_cast %get3A_269 : i32 to index
    %get3A_272 = arith.constant 64 : index
    %get3A_273 = tpu.vector_load %arg4[%get3A_270, %get3A_271, %get3A_272] {strides = array<i32>} : memref<12x8x128xf32, #tpu.memory_space<vmem>>, vector<1x1x16xf32>,
    %get3A_274 = vector.shape_cast %get3A_273 : vector<1x1x16xf32> to vector<16xf32>
    %get3A_275 = arith.constant 4 : i32
    %get3A_276 = arith.constant 0 : i32
    %get3A_277 = arith.index_cast %get3A_275 : i32 to index
    %get3A_278 = arith.index_cast %get3A_276 : i32 to index
    %get3A_279 = arith.constant 80 : index
    %get3A_280 = tpu.vector_load %arg4[%get3A_277, %get3A_278, %get3A_279] {strides = array<i32>} : memref<12x8x128xf32, #tpu.memory_space<vmem>>, vector<1x1x16xf32>,
    %get3A_281 = vector.shape_cast %get3A_280 : vector<1x1x16xf32> to vector<16xf32>
    %get3A_282 = arith.constant 4 : i32
    %get3A_283 = arith.constant 0 : i32
    %get3A_284 = arith.index_cast %get3A_282 : i32 to index
    %get3A_285 = arith.index_cast %get3A_283 : i32 to index
    %get3A_286 = arith.constant 96 : index
    %get3A_287 = tpu.vector_load %arg4[%get3A_284, %get3A_285, %get3A_286] {strides = array<i32>} : memref<12x8x128xf32, #tpu.memory_space<vmem>>, vector<1x1x16xf32>,
    %get3A_288 = vector.shape_cast %get3A_287 : vector<1x1x16xf32> to vector<16xf32>
    %get3A_289 = arith.constant 4 : i32
    %get3A_290 = arith.constant 0 : i32
    %get3A_291 = arith.index_cast %get3A_289 : i32 to index
    %get3A_292 = arith.index_cast %get3A_290 : i32 to index
    %get3A_293 = arith.constant 112 : index
    %get3A_294 = tpu.vector_load %arg4[%get3A_291, %get3A_292, %get3A_293] {strides = array<i32>} : memref<12x8x128xf32, #tpu.memory_space<vmem>>, vector<1x1x16xf32>,
    %get3A_295 = vector.shape_cast %get3A_294 : vector<1x1x16xf32> to vector<16xf32>
    %get3A_296 = arith.constant 5 : i32
    %get3A_297 = arith.constant 0 : i32
    %get3A_298 = arith.index_cast %get3A_296 : i32 to index
    %get3A_299 = arith.index_cast %get3A_297 : i32 to index
    %get3A_300 = arith.constant 0 : index
    %get3A_301 = tpu.vector_load %arg4[%get3A_298, %get3A_299, %get3A_300] {strides = array<i32>} : memref<12x8x128xf32, #tpu.memory_space<vmem>>, vector<1x1x16xf32>,
    %get3A_302 = vector.shape_cast %get3A_301 : vector<1x1x16xf32> to vector<16xf32>
    %get3A_303 = arith.constant 5 : i32
    %get3A_304 = arith.constant 0 : i32
    %get3A_305 = arith.index_cast %get3A_303 : i32 to index
    %get3A_306 = arith.index_cast %get3A_304 : i32 to index
    %get3A_307 = arith.constant 16 : index
    %get3A_308 = tpu.vector_load %arg4[%get3A_305, %get3A_306, %get3A_307] {strides = array<i32>} : memref<12x8x128xf32, #tpu.memory_space<vmem>>, vector<1x1x16xf32>,
    %get3A_309 = vector.shape_cast %get3A_308 : vector<1x1x16xf32> to vector<16xf32>
    %get3A_310 = arith.constant 5 : i32
    %get3A_311 = arith.constant 0 : i32
    %get3A_312 = arith.index_cast %get3A_310 : i32 to index
    %get3A_313 = arith.index_cast %get3A_311 : i32 to index
    %get3A_314 = arith.constant 32 : index
    %get3A_315 = tpu.vector_load %arg4[%get3A_312, %get3A_313, %get3A_314] {strides = array<i32>} : memref<12x8x128xf32, #tpu.memory_space<vmem>>, vector<1x1x16xf32>,
    %get3A_316 = vector.shape_cast %get3A_315 : vector<1x1x16xf32> to vector<16xf32>
    %get3A_317 = arith.constant 5 : i32
    %get3A_318 = arith.constant 0 : i32
    %get3A_319 = arith.index_cast %get3A_317 : i32 to index
    %get3A_320 = arith.index_cast %get3A_318 : i32 to index
    %get3A_321 = arith.constant 48 : index
    %get3A_322 = tpu.vector_load %arg4[%get3A_319, %get3A_320, %get3A_321] {strides = array<i32>} : memref<12x8x128xf32, #tpu.memory_space<vmem>>, vector<1x1x16xf32>,
    %get3A_323 = vector.shape_cast %get3A_322 : vector<1x1x16xf32> to vector<16xf32>
    %get3A_324 = arith.constant 5 : i32
    %get3A_325 = arith.constant 0 : i32
    %get3A_326 = arith.index_cast %get3A_324 : i32 to index
    %get3A_327 = arith.index_cast %get3A_325 : i32 to index
    %get3A_328 = arith.constant 64 : index
    %get3A_329 = tpu.vector_load %arg4[%get3A_326, %get3A_327, %get3A_328] {strides = array<i32>} : memref<12x8x128xf32, #tpu.memory_space<vmem>>, vector<1x1x16xf32>,
    %get3A_330 = vector.shape_cast %get3A_329 : vector<1x1x16xf32> to vector<16xf32>
    %get3A_331 = arith.constant 5 : i32
    %get3A_332 = arith.constant 0 : i32
    %get3A_333 = arith.index_cast %get3A_331 : i32 to index
    %get3A_334 = arith.index_cast %get3A_332 : i32 to index
    %get3A_335 = arith.constant 80 : index
    %get3A_336 = tpu.vector_load %arg4[%get3A_333, %get3A_334, %get3A_335] {strides = array<i32>} : memref<12x8x128xf32, #tpu.memory_space<vmem>>, vector<1x1x16xf32>,
    %get3A_337 = vector.shape_cast %get3A_336 : vector<1x1x16xf32> to vector<16xf32>
    %get3A_338 = arith.constant 5 : i32
    %get3A_339 = arith.constant 0 : i32
    %get3A_340 = arith.index_cast %get3A_338 : i32 to index
    %get3A_341 = arith.index_cast %get3A_339 : i32 to index
    %get3A_342 = arith.constant 96 : index
    %get3A_343 = tpu.vector_load %arg4[%get3A_340, %get3A_341, %get3A_342] {strides = array<i32>} : memref<12x8x128xf32, #tpu.memory_space<vmem>>, vector<1x1x16xf32>,
    %get3A_344 = vector.shape_cast %get3A_343 : vector<1x1x16xf32> to vector<16xf32>
    %get3A_345 = arith.constant 5 : i32
    %get3A_346 = arith.constant 0 : i32
    %get3A_347 = arith.index_cast %get3A_345 : i32 to index
    %get3A_348 = arith.index_cast %get3A_346 : i32 to index
    %get3A_349 = arith.constant 112 : index
    %get3A_350 = tpu.vector_load %arg4[%get3A_347, %get3A_348, %get3A_349] {strides = array<i32>} : memref<12x8x128xf32, #tpu.memory_space<vmem>>, vector<1x1x16xf32>,
    %get3A_351 = vector.shape_cast %get3A_350 : vector<1x1x16xf32> to vector<16xf32>
    %get3A_352 = arith.constant 6 : i32
    %get3A_353 = arith.constant 0 : i32
    %get3A_354 = arith.index_cast %get3A_352 : i32 to index
    %get3A_355 = arith.index_cast %get3A_353 : i32 to index
    %get3A_356 = arith.constant 0 : index
    %get3A_357 = tpu.vector_load %arg4[%get3A_354, %get3A_355, %get3A_356] {strides = array<i32>} : memref<12x8x128xf32, #tpu.memory_space<vmem>>, vector<1x1x16xf32>,
    %get3A_358 = vector.shape_cast %get3A_357 : vector<1x1x16xf32> to vector<16xf32>
    %get3A_359 = arith.constant 6 : i32
    %get3A_360 = arith.constant 0 : i32
    %get3A_361 = arith.index_cast %get3A_359 : i32 to index
    %get3A_362 = arith.index_cast %get3A_360 : i32 to index
    %get3A_363 = arith.constant 16 : index
    %get3A_364 = tpu.vector_load %arg4[%get3A_361, %get3A_362, %get3A_363] {strides = array<i32>} : memref<12x8x128xf32, #tpu.memory_space<vmem>>, vector<1x1x16xf32>,
    %get3A_365 = vector.shape_cast %get3A_364 : vector<1x1x16xf32> to vector<16xf32>
    %get3A_366 = arith.constant 6 : i32
    %get3A_367 = arith.constant 0 : i32
    %get3A_368 = arith.index_cast %get3A_366 : i32 to index
    %get3A_369 = arith.index_cast %get3A_367 : i32 to index
    %get3A_370 = arith.constant 32 : index
    %get3A_371 = tpu.vector_load %arg4[%get3A_368, %get3A_369, %get3A_370] {strides = array<i32>} : memref<12x8x128xf32, #tpu.memory_space<vmem>>, vector<1x1x16xf32>,
    %get3A_372 = vector.shape_cast %get3A_371 : vector<1x1x16xf32> to vector<16xf32>
    %get3A_373 = arith.constant 6 : i32
    %get3A_374 = arith.constant 0 : i32
    %get3A_375 = arith.index_cast %get3A_373 : i32 to index
    %get3A_376 = arith.index_cast %get3A_374 : i32 to index
    %get3A_377 = arith.constant 48 : index
    %get3A_378 = tpu.vector_load %arg4[%get3A_375, %get3A_376, %get3A_377] {strides = array<i32>} : memref<12x8x128xf32, #tpu.memory_space<vmem>>, vector<1x1x16xf32>,
    %get3A_379 = vector.shape_cast %get3A_378 : vector<1x1x16xf32> to vector<16xf32>
    %get3A_380 = arith.constant 6 : i32
    %get3A_381 = arith.constant 0 : i32
    %get3A_382 = arith.index_cast %get3A_380 : i32 to index
    %get3A_383 = arith.index_cast %get3A_381 : i32 to index
    %get3A_384 = arith.constant 64 : index
    %get3A_385 = tpu.vector_load %arg4[%get3A_382, %get3A_383, %get3A_384] {strides = array<i32>} : memref<12x8x128xf32, #tpu.memory_space<vmem>>, vector<1x1x16xf32>,
    %get3A_386 = vector.shape_cast %get3A_385 : vector<1x1x16xf32> to vector<16xf32>
    %get3A_387 = arith.constant 6 : i32
    %get3A_388 = arith.constant 0 : i32
    %get3A_389 = arith.index_cast %get3A_387 : i32 to index
    %get3A_390 = arith.index_cast %get3A_388 : i32 to index
    %get3A_391 = arith.constant 80 : index
    %get3A_392 = tpu.vector_load %arg4[%get3A_389, %get3A_390, %get3A_391] {strides = array<i32>} : memref<12x8x128xf32, #tpu.memory_space<vmem>>, vector<1x1x16xf32>,
    %get3A_393 = vector.shape_cast %get3A_392 : vector<1x1x16xf32> to vector<16xf32>
    %get3A_394 = arith.constant 6 : i32
    %get3A_395 = arith.constant 0 : i32
    %get3A_396 = arith.index_cast %get3A_394 : i32 to index
    %get3A_397 = arith.index_cast %get3A_395 : i32 to index
    %get3A_398 = arith.constant 96 : index
    %get3A_399 = tpu.vector_load %arg4[%get3A_396, %get3A_397, %get3A_398] {strides = array<i32>} : memref<12x8x128xf32, #tpu.memory_space<vmem>>, vector<1x1x16xf32>,
    %get3A_400 = vector.shape_cast %get3A_399 : vector<1x1x16xf32> to vector<16xf32>
    %get3A_401 = arith.constant 6 : i32
    %get3A_402 = arith.constant 0 : i32
    %get3A_403 = arith.index_cast %get3A_401 : i32 to index
    %get3A_404 = arith.index_cast %get3A_402 : i32 to index
    %get3A_405 = arith.constant 112 : index
    %get3A_406 = tpu.vector_load %arg4[%get3A_403, %get3A_404, %get3A_405] {strides = array<i32>} : memref<12x8x128xf32, #tpu.memory_space<vmem>>, vector<1x1x16xf32>,
    %get3A_407 = vector.shape_cast %get3A_406 : vector<1x1x16xf32> to vector<16xf32>
    %get3A_408 = arith.constant 7 : i32
    %get3A_409 = arith.constant 0 : i32
    %get3A_410 = arith.index_cast %get3A_408 : i32 to index
    %get3A_411 = arith.index_cast %get3A_409 : i32 to index
    %get3A_412 = arith.constant 0 : index
    %get3A_413 = tpu.vector_load %arg4[%get3A_410, %get3A_411, %get3A_412] {strides = array<i32>} : memref<12x8x128xf32, #tpu.memory_space<vmem>>, vector<1x1x16xf32>,
    %get3A_414 = vector.shape_cast %get3A_413 : vector<1x1x16xf32> to vector<16xf32>
    %get3A_415 = arith.constant 7 : i32
    %get3A_416 = arith.constant 0 : i32
    %get3A_417 = arith.index_cast %get3A_415 : i32 to index
    %get3A_418 = arith.index_cast %get3A_416 : i32 to index
    %get3A_419 = arith.constant 16 : index
    %get3A_420 = tpu.vector_load %arg4[%get3A_417, %get3A_418, %get3A_419] {strides = array<i32>} : memref<12x8x128xf32, #tpu.memory_space<vmem>>, vector<1x1x16xf32>,
    %get3A_421 = vector.shape_cast %get3A_420 : vector<1x1x16xf32> to vector<16xf32>
    %get3A_422 = arith.constant 7 : i32
    %get3A_423 = arith.constant 0 : i32
    %get3A_424 = arith.index_cast %get3A_422 : i32 to index
    %get3A_425 = arith.index_cast %get3A_423 : i32 to index
    %get3A_426 = arith.constant 32 : index
    %get3A_427 = tpu.vector_load %arg4[%get3A_424, %get3A_425, %get3A_426] {strides = array<i32>} : memref<12x8x128xf32, #tpu.memory_space<vmem>>, vector<1x1x16xf32>,
    %get3A_428 = vector.shape_cast %get3A_427 : vector<1x1x16xf32> to vector<16xf32>
    %get3A_429 = arith.constant 7 : i32
    %get3A_430 = arith.constant 0 : i32
    %get3A_431 = arith.index_cast %get3A_429 : i32 to index
    %get3A_432 = arith.index_cast %get3A_430 : i32 to index
    %get3A_433 = arith.constant 48 : index
    %get3A_434 = tpu.vector_load %arg4[%get3A_431, %get3A_432, %get3A_433] {strides = array<i32>} : memref<12x8x128xf32, #tpu.memory_space<vmem>>, vector<1x1x16xf32>,
    %get3A_435 = vector.shape_cast %get3A_434 : vector<1x1x16xf32> to vector<16xf32>
    %get3A_436 = arith.constant 7 : i32
    %get3A_437 = arith.constant 0 : i32
    %get3A_438 = arith.index_cast %get3A_436 : i32 to index
    %get3A_439 = arith.index_cast %get3A_437 : i32 to index
    %get3A_440 = arith.constant 64 : index
    %get3A_441 = tpu.vector_load %arg4[%get3A_438, %get3A_439, %get3A_440] {strides = array<i32>} : memref<12x8x128xf32, #tpu.memory_space<vmem>>, vector<1x1x16xf32>,
    %get3A_442 = vector.shape_cast %get3A_441 : vector<1x1x16xf32> to vector<16xf32>
    %get3A_443 = arith.constant 7 : i32
    %get3A_444 = arith.constant 0 : i32
    %get3A_445 = arith.index_cast %get3A_443 : i32 to index
    %get3A_446 = arith.index_cast %get3A_444 : i32 to index
    %get3A_447 = arith.constant 80 : index
    %get3A_448 = tpu.vector_load %arg4[%get3A_445, %get3A_446, %get3A_447] {strides = array<i32>} : memref<12x8x128xf32, #tpu.memory_space<vmem>>, vector<1x1x16xf32>,
    %get3A_449 = vector.shape_cast %get3A_448 : vector<1x1x16xf32> to vector<16xf32>
    %get3A_450 = arith.constant 7 : i32
    %get3A_451 = arith.constant 0 : i32
    %get3A_452 = arith.index_cast %get3A_450 : i32 to index
    %get3A_453 = arith.index_cast %get3A_451 : i32 to index
    %get3A_454 = arith.constant 96 : index
    %get3A_455 = tpu.vector_load %arg4[%get3A_452, %get3A_453, %get3A_454] {strides = array<i32>} : memref<12x8x128xf32, #tpu.memory_space<vmem>>, vector<1x1x16xf32>,
    %get3A_456 = vector.shape_cast %get3A_455 : vector<1x1x16xf32> to vector<16xf32>
    %get3A_457 = arith.constant 7 : i32
    %get3A_458 = arith.constant 0 : i32
    %get3A_459 = arith.index_cast %get3A_457 : i32 to index
    %get3A_460 = arith.index_cast %get3A_458 : i32 to index
    %get3A_461 = arith.constant 112 : index
    %get3A_462 = tpu.vector_load %arg4[%get3A_459, %get3A_460, %get3A_461] {strides = array<i32>} : memref<12x8x128xf32, #tpu.memory_space<vmem>>, vector<1x1x16xf32>,
    %get3A_463 = vector.shape_cast %get3A_462 : vector<1x1x16xf32> to vector<16xf32>
    %get3A_464 = arith.constant 8 : i32
    %get3A_465 = arith.constant 0 : i32
    %get3A_466 = arith.index_cast %get3A_464 : i32 to index
    %get3A_467 = arith.index_cast %get3A_465 : i32 to index
    %get3A_468 = arith.constant 0 : index
    %get3A_469 = tpu.vector_load %arg4[%get3A_466, %get3A_467, %get3A_468] {strides = array<i32>} : memref<12x8x128xf32, #tpu.memory_space<vmem>>, vector<1x1x16xf32>,
    %get3A_470 = vector.shape_cast %get3A_469 : vector<1x1x16xf32> to vector<16xf32>
    %get3A_471 = arith.constant 8 : i32
    %get3A_472 = arith.constant 0 : i32
    %get3A_473 = arith.index_cast %get3A_471 : i32 to index
    %get3A_474 = arith.index_cast %get3A_472 : i32 to index
    %get3A_475 = arith.constant 16 : index
    %get3A_476 = tpu.vector_load %arg4[%get3A_473, %get3A_474, %get3A_475] {strides = array<i32>} : memref<12x8x128xf32, #tpu.memory_space<vmem>>, vector<1x1x16xf32>,
    %get3A_477 = vector.shape_cast %get3A_476 : vector<1x1x16xf32> to vector<16xf32>
    %get3A_478 = arith.constant 8 : i32
    %get3A_479 = arith.constant 0 : i32
    %get3A_480 = arith.index_cast %get3A_478 : i32 to index
    %get3A_481 = arith.index_cast %get3A_479 : i32 to index
    %get3A_482 = arith.constant 32 : index
    %get3A_483 = tpu.vector_load %arg4[%get3A_480, %get3A_481, %get3A_482] {strides = array<i32>} : memref<12x8x128xf32, #tpu.memory_space<vmem>>, vector<1x1x16xf32>,
    %get3A_484 = vector.shape_cast %get3A_483 : vector<1x1x16xf32> to vector<16xf32>
    %get3A_485 = arith.constant 8 : i32
    %get3A_486 = arith.constant 0 : i32
    %get3A_487 = arith.index_cast %get3A_485 : i32 to index
    %get3A_488 = arith.index_cast %get3A_486 : i32 to index
    %get3A_489 = arith.constant 48 : index
    %get3A_490 = tpu.vector_load %arg4[%get3A_487, %get3A_488, %get3A_489] {strides = array<i32>} : memref<12x8x128xf32, #tpu.memory_space<vmem>>, vector<1x1x16xf32>,
    %get3A_491 = vector.shape_cast %get3A_490 : vector<1x1x16xf32> to vector<16xf32>
    %get3A_492 = arith.constant 8 : i32
    %get3A_493 = arith.constant 0 : i32
    %get3A_494 = arith.index_cast %get3A_492 : i32 to index
    %get3A_495 = arith.index_cast %get3A_493 : i32 to index
    %get3A_496 = arith.constant 64 : index
    %get3A_497 = tpu.vector_load %arg4[%get3A_494, %get3A_495, %get3A_496] {strides = array<i32>} : memref<12x8x128xf32, #tpu.memory_space<vmem>>, vector<1x1x16xf32>,
    %get3A_498 = vector.shape_cast %get3A_497 : vector<1x1x16xf32> to vector<16xf32>
    %get3A_499 = arith.constant 8 : i32
    %get3A_500 = arith.constant 0 : i32
    %get3A_501 = arith.index_cast %get3A_499 : i32 to index
    %get3A_502 = arith.index_cast %get3A_500 : i32 to index
    %get3A_503 = arith.constant 80 : index
    %get3A_504 = tpu.vector_load %arg4[%get3A_501, %get3A_502, %get3A_503] {strides = array<i32>} : memref<12x8x128xf32, #tpu.memory_space<vmem>>, vector<1x1x16xf32>,
    %get3A_505 = vector.shape_cast %get3A_504 : vector<1x1x16xf32> to vector<16xf32>
    %get3A_506 = arith.constant 8 : i32
    %get3A_507 = arith.constant 0 : i32
    %get3A_508 = arith.index_cast %get3A_506 : i32 to index
    %get3A_509 = arith.index_cast %get3A_507 : i32 to index
    %get3A_510 = arith.constant 96 : index
    %get3A_511 = tpu.vector_load %arg4[%get3A_508, %get3A_509, %get3A_510] {strides = array<i32>} : memref<12x8x128xf32, #tpu.memory_space<vmem>>, vector<1x1x16xf32>,
    %get3A_512 = vector.shape_cast %get3A_511 : vector<1x1x16xf32> to vector<16xf32>
    %get3A_513 = arith.constant 8 : i32
    %get3A_514 = arith.constant 0 : i32
    %get3A_515 = arith.index_cast %get3A_513 : i32 to index
    %get3A_516 = arith.index_cast %get3A_514 : i32 to index
    %get3A_517 = arith.constant 112 : index
    %get3A_518 = tpu.vector_load %arg4[%get3A_515, %get3A_516, %get3A_517] {strides = array<i32>} : memref<12x8x128xf32, #tpu.memory_space<vmem>>, vector<1x1x16xf32>,
    %get3A_519 = vector.shape_cast %get3A_518 : vector<1x1x16xf32> to vector<16xf32>
    %get3A_520 = arith.constant 9 : i32
    %get3A_521 = arith.constant 0 : i32
    %get3A_522 = arith.index_cast %get3A_520 : i32 to index
    %get3A_523 = arith.index_cast %get3A_521 : i32 to index
    %get3A_524 = arith.constant 0 : index
    %get3A_525 = tpu.vector_load %arg4[%get3A_522, %get3A_523, %get3A_524] {strides = array<i32>} : memref<12x8x128xf32, #tpu.memory_space<vmem>>, vector<1x1x16xf32>,
    %get3A_526 = vector.shape_cast %get3A_525 : vector<1x1x16xf32> to vector<16xf32>
    %get3A_527 = arith.constant 9 : i32
    %get3A_528 = arith.constant 0 : i32
    %get3A_529 = arith.index_cast %get3A_527 : i32 to index
    %get3A_530 = arith.index_cast %get3A_528 : i32 to index
    %get3A_531 = arith.constant 16 : index
    %get3A_532 = tpu.vector_load %arg4[%get3A_529, %get3A_530, %get3A_531] {strides = array<i32>} : memref<12x8x128xf32, #tpu.memory_space<vmem>>, vector<1x1x16xf32>,
    %get3A_533 = vector.shape_cast %get3A_532 : vector<1x1x16xf32> to vector<16xf32>
    %get3A_534 = arith.constant 9 : i32
    %get3A_535 = arith.constant 0 : i32
    %get3A_536 = arith.index_cast %get3A_534 : i32 to index
    %get3A_537 = arith.index_cast %get3A_535 : i32 to index
    %get3A_538 = arith.constant 32 : index
    %get3A_539 = tpu.vector_load %arg4[%get3A_536, %get3A_537, %get3A_538] {strides = array<i32>} : memref<12x8x128xf32, #tpu.memory_space<vmem>>, vector<1x1x16xf32>,
    %get3A_540 = vector.shape_cast %get3A_539 : vector<1x1x16xf32> to vector<16xf32>
    %get3A_541 = arith.constant 9 : i32
    %get3A_542 = arith.constant 0 : i32
    %get3A_543 = arith.index_cast %get3A_541 : i32 to index
    %get3A_544 = arith.index_cast %get3A_542 : i32 to index
    %get3A_545 = arith.constant 48 : index
    %get3A_546 = tpu.vector_load %arg4[%get3A_543, %get3A_544, %get3A_545] {strides = array<i32>} : memref<12x8x128xf32, #tpu.memory_space<vmem>>, vector<1x1x16xf32>,
    %get3A_547 = vector.shape_cast %get3A_546 : vector<1x1x16xf32> to vector<16xf32>
    %get3A_548 = arith.constant 9 : i32
    %get3A_549 = arith.constant 0 : i32
    %get3A_550 = arith.index_cast %get3A_548 : i32 to index
    %get3A_551 = arith.index_cast %get3A_549 : i32 to index
    %get3A_552 = arith.constant 64 : index
    %get3A_553 = tpu.vector_load %arg4[%get3A_550, %get3A_551, %get3A_552] {strides = array<i32>} : memref<12x8x128xf32, #tpu.memory_space<vmem>>, vector<1x1x16xf32>,
    %get3A_554 = vector.shape_cast %get3A_553 : vector<1x1x16xf32> to vector<16xf32>
    %get3A_555 = arith.constant 9 : i32
    %get3A_556 = arith.constant 0 : i32
    %get3A_557 = arith.index_cast %get3A_555 : i32 to index
    %get3A_558 = arith.index_cast %get3A_556 : i32 to index
    %get3A_559 = arith.constant 80 : index
    %get3A_560 = tpu.vector_load %arg4[%get3A_557, %get3A_558, %get3A_559] {strides = array<i32>} : memref<12x8x128xf32, #tpu.memory_space<vmem>>, vector<1x1x16xf32>,
    %get3A_561 = vector.shape_cast %get3A_560 : vector<1x1x16xf32> to vector<16xf32>
    %get3A_562 = arith.constant 9 : i32
    %get3A_563 = arith.constant 0 : i32
    %get3A_564 = arith.index_cast %get3A_562 : i32 to index
    %get3A_565 = arith.index_cast %get3A_563 : i32 to index
    %get3A_566 = arith.constant 96 : index
    %get3A_567 = tpu.vector_load %arg4[%get3A_564, %get3A_565, %get3A_566] {strides = array<i32>} : memref<12x8x128xf32, #tpu.memory_space<vmem>>, vector<1x1x16xf32>,
    %get3A_568 = vector.shape_cast %get3A_567 : vector<1x1x16xf32> to vector<16xf32>
    %get3A_569 = arith.constant 9 : i32
    %get3A_570 = arith.constant 0 : i32
    %get3A_571 = arith.index_cast %get3A_569 : i32 to index
    %get3A_572 = arith.index_cast %get3A_570 : i32 to index
    %get3A_573 = arith.constant 112 : index
    %get3A_574 = tpu.vector_load %arg4[%get3A_571, %get3A_572, %get3A_573] {strides = array<i32>} : memref<12x8x128xf32, #tpu.memory_space<vmem>>, vector<1x1x16xf32>,
    %get3A_575 = vector.shape_cast %get3A_574 : vector<1x1x16xf32> to vector<16xf32>
    %get3A_576 = arith.constant 10 : i32
    %get3A_577 = arith.constant 0 : i32
    %get3A_578 = arith.index_cast %get3A_576 : i32 to index
    %get3A_579 = arith.index_cast %get3A_577 : i32 to index
    %get3A_580 = arith.constant 0 : index
    %get3A_581 = tpu.vector_load %arg4[%get3A_578, %get3A_579, %get3A_580] {strides = array<i32>} : memref<12x8x128xf32, #tpu.memory_space<vmem>>, vector<1x1x16xf32>,
    %get3A_582 = vector.shape_cast %get3A_581 : vector<1x1x16xf32> to vector<16xf32>
    %get3A_583 = arith.constant 10 : i32
    %get3A_584 = arith.constant 0 : i32
    %get3A_585 = arith.index_cast %get3A_583 : i32 to index
    %get3A_586 = arith.index_cast %get3A_584 : i32 to index
    %get3A_587 = arith.constant 16 : index
    %get3A_588 = tpu.vector_load %arg4[%get3A_585, %get3A_586, %get3A_587] {strides = array<i32>} : memref<12x8x128xf32, #tpu.memory_space<vmem>>, vector<1x1x16xf32>,
    %get3A_589 = vector.shape_cast %get3A_588 : vector<1x1x16xf32> to vector<16xf32>
    %get3A_590 = arith.constant 10 : i32
    %get3A_591 = arith.constant 0 : i32
    %get3A_592 = arith.index_cast %get3A_590 : i32 to index
    %get3A_593 = arith.index_cast %get3A_591 : i32 to index
    %get3A_594 = arith.constant 32 : index
    %get3A_595 = tpu.vector_load %arg4[%get3A_592, %get3A_593, %get3A_594] {strides = array<i32>} : memref<12x8x128xf32, #tpu.memory_space<vmem>>, vector<1x1x16xf32>,
    %get3A_596 = vector.shape_cast %get3A_595 : vector<1x1x16xf32> to vector<16xf32>
    %get3A_597 = arith.constant 10 : i32
    %get3A_598 = arith.constant 0 : i32
    %get3A_599 = arith.index_cast %get3A_597 : i32 to index
    %get3A_600 = arith.index_cast %get3A_598 : i32 to index
    %get3A_601 = arith.constant 48 : index
    %get3A_602 = tpu.vector_load %arg4[%get3A_599, %get3A_600, %get3A_601] {strides = array<i32>} : memref<12x8x128xf32, #tpu.memory_space<vmem>>, vector<1x1x16xf32>,
    %get3A_603 = vector.shape_cast %get3A_602 : vector<1x1x16xf32> to vector<16xf32>
    %get3A_604 = arith.constant 10 : i32
    %get3A_605 = arith.constant 0 : i32
    %get3A_606 = arith.index_cast %get3A_604 : i32 to index
    %get3A_607 = arith.index_cast %get3A_605 : i32 to index
    %get3A_608 = arith.constant 64 : index
    %get3A_609 = tpu.vector_load %arg4[%get3A_606, %get3A_607, %get3A_608] {strides = array<i32>} : memref<12x8x128xf32, #tpu.memory_space<vmem>>, vector<1x1x16xf32>,
    %get3A_610 = vector.shape_cast %get3A_609 : vector<1x1x16xf32> to vector<16xf32>
    %get3A_611 = arith.constant 10 : i32
    %get3A_612 = arith.constant 0 : i32
    %get3A_613 = arith.index_cast %get3A_611 : i32 to index
    %get3A_614 = arith.index_cast %get3A_612 : i32 to index
    %get3A_615 = arith.constant 80 : index
    %get3A_616 = tpu.vector_load %arg4[%get3A_613, %get3A_614, %get3A_615] {strides = array<i32>} : memref<12x8x128xf32, #tpu.memory_space<vmem>>, vector<1x1x16xf32>,
    %get3A_617 = vector.shape_cast %get3A_616 : vector<1x1x16xf32> to vector<16xf32>
    %get3A_618 = arith.constant 10 : i32
    %get3A_619 = arith.constant 0 : i32
    %get3A_620 = arith.index_cast %get3A_618 : i32 to index
    %get3A_621 = arith.index_cast %get3A_619 : i32 to index
    %get3A_622 = arith.constant 96 : index
    %get3A_623 = tpu.vector_load %arg4[%get3A_620, %get3A_621, %get3A_622] {strides = array<i32>} : memref<12x8x128xf32, #tpu.memory_space<vmem>>, vector<1x1x16xf32>,
    %get3A_624 = vector.shape_cast %get3A_623 : vector<1x1x16xf32> to vector<16xf32>
    %get3A_625 = arith.constant 10 : i32
    %get3A_626 = arith.constant 0 : i32
    %get3A_627 = arith.index_cast %get3A_625 : i32 to index
    %get3A_628 = arith.index_cast %get3A_626 : i32 to index
    %get3A_629 = arith.constant 112 : index
    %get3A_630 = tpu.vector_load %arg4[%get3A_627, %get3A_628, %get3A_629] {strides = array<i32>} : memref<12x8x128xf32, #tpu.memory_space<vmem>>, vector<1x1x16xf32>,
    %get3A_631 = vector.shape_cast %get3A_630 : vector<1x1x16xf32> to vector<16xf32>
    %get3A_632 = arith.constant 11 : i32
    %get3A_633 = arith.constant 0 : i32
    %get3A_634 = arith.index_cast %get3A_632 : i32 to index
    %get3A_635 = arith.index_cast %get3A_633 : i32 to index
    %get3A_636 = arith.constant 0 : index
    %get3A_637 = tpu.vector_load %arg4[%get3A_634, %get3A_635, %get3A_636] {strides = array<i32>} : memref<12x8x128xf32, #tpu.memory_space<vmem>>, vector<1x1x16xf32>,
    %get3A_638 = vector.shape_cast %get3A_637 : vector<1x1x16xf32> to vector<16xf32>
    %get3A_639 = arith.constant 11 : i32
    %get3A_640 = arith.constant 0 : i32
    %get3A_641 = arith.index_cast %get3A_639 : i32 to index
    %get3A_642 = arith.index_cast %get3A_640 : i32 to index
    %get3A_643 = arith.constant 16 : index
    %get3A_644 = tpu.vector_load %arg4[%get3A_641, %get3A_642, %get3A_643] {strides = array<i32>} : memref<12x8x128xf32, #tpu.memory_space<vmem>>, vector<1x1x16xf32>,
    %get3A_645 = vector.shape_cast %get3A_644 : vector<1x1x16xf32> to vector<16xf32>
    %get3A_646 = arith.constant 11 : i32
    %get3A_647 = arith.constant 0 : i32
    %get3A_648 = arith.index_cast %get3A_646 : i32 to index
    %get3A_649 = arith.index_cast %get3A_647 : i32 to index
    %get3A_650 = arith.constant 32 : index
    %get3A_651 = tpu.vector_load %arg4[%get3A_648, %get3A_649, %get3A_650] {strides = array<i32>} : memref<12x8x128xf32, #tpu.memory_space<vmem>>, vector<1x1x16xf32>,
    %get3A_652 = vector.shape_cast %get3A_651 : vector<1x1x16xf32> to vector<16xf32>
    %get3A_653 = arith.constant 11 : i32
    %get3A_654 = arith.constant 0 : i32
    %get3A_655 = arith.index_cast %get3A_653 : i32 to index
    %get3A_656 = arith.index_cast %get3A_654 : i32 to index
    %get3A_657 = arith.constant 48 : index
    %get3A_658 = tpu.vector_load %arg4[%get3A_655, %get3A_656, %get3A_657] {strides = array<i32>} : memref<12x8x128xf32, #tpu.memory_space<vmem>>, vector<1x1x16xf32>,
    %get3A_659 = vector.shape_cast %get3A_658 : vector<1x1x16xf32> to vector<16xf32>
    %get3A_660 = arith.constant 11 : i32
    %get3A_661 = arith.constant 0 : i32
    %get3A_662 = arith.index_cast %get3A_660 : i32 to index
    %get3A_663 = arith.index_cast %get3A_661 : i32 to index
    %get3A_664 = arith.constant 64 : index
    %get3A_665 = tpu.vector_load %arg4[%get3A_662, %get3A_663, %get3A_664] {strides = array<i32>} : memref<12x8x128xf32, #tpu.memory_space<vmem>>, vector<1x1x16xf32>,
    %get3A_666 = vector.shape_cast %get3A_665 : vector<1x1x16xf32> to vector<16xf32>
    %get3A_667 = arith.constant 11 : i32
    %get3A_668 = arith.constant 0 : i32
    %get3A_669 = arith.index_cast %get3A_667 : i32 to index
    %get3A_670 = arith.index_cast %get3A_668 : i32 to index
    %get3A_671 = arith.constant 80 : index
    %get3A_672 = tpu.vector_load %arg4[%get3A_669, %get3A_670, %get3A_671] {strides = array<i32>} : memref<12x8x128xf32, #tpu.memory_space<vmem>>, vector<1x1x16xf32>,
    %get3A_673 = vector.shape_cast %get3A_672 : vector<1x1x16xf32> to vector<16xf32>
    %get3A_674 = arith.constant 11 : i32
    %get3A_675 = arith.constant 0 : i32
    %get3A_676 = arith.index_cast %get3A_674 : i32 to index
    %get3A_677 = arith.index_cast %get3A_675 : i32 to index
    %get3A_678 = arith.constant 96 : index
    %get3A_679 = tpu.vector_load %arg4[%get3A_676, %get3A_677, %get3A_678] {strides = array<i32>} : memref<12x8x128xf32, #tpu.memory_space<vmem>>, vector<1x1x16xf32>,
    %get3A_680 = vector.shape_cast %get3A_679 : vector<1x1x16xf32> to vector<16xf32>
    %get3A_681 = arith.constant 11 : i32
    %get3A_682 = arith.constant 0 : i32
    %get3A_683 = arith.index_cast %get3A_681 : i32 to index
    %get3A_684 = arith.index_cast %get3A_682 : i32 to index
    %get3A_685 = arith.constant 112 : index
    %get3A_686 = tpu.vector_load %arg4[%get3A_683, %get3A_684, %get3A_685] {strides = array<i32>} : memref<12x8x128xf32, #tpu.memory_space<vmem>>, vector<1x1x16xf32>,
    %get3A_687 = vector.shape_cast %get3A_686 : vector<1x1x16xf32> to vector<16xf32>
    %scan3A = arith.constant 0 : i32
    %scan3A_688 = arith.constant 1 : i32
    %scan3A_689 = arith.constant 7 : i32
    %scan3A_690 = arith.addi %scan3A_688, %scan3A_689 : i32
    %scan3A_691 = arith.constant 1 : i32
    scf.for %scan3A_1591 = %scan3A_688 to %scan3A_690 step %scan3A_691  : i32 {
      %swap3A = arith.constant 0 : i32
      %swap3A_1592 = arith.index_cast %swap3A : i32 to index
      %swap3A_1593 = arith.index_cast %scan3A_1591 : i32 to index
      %swap3A_1594 = arith.constant 0 : index
      %swap3A_1595 = tpu.vector_load %arg4[%swap3A_1592, %swap3A_1593, %swap3A_1594] {strides = array<i32>} : memref<12x8x128xf32, #tpu.memory_space<vmem>>, vector<1x1x16xf32>,
      %swap3A_1596 = vector.shape_cast %swap3A_1595 : vector<1x1x16xf32> to vector<16xf32>
      %swap3A_1597 = vector.shape_cast %get3A_22 : vector<16xf32> to vector<1x1x16xf32>
      tpu.vector_store %arg4[%swap3A_1592, %swap3A_1593, %swap3A_1594], %swap3A_1597 {strides = array<i32>} : memref<12x8x128xf32, #tpu.memory_space<vmem>>, vector<1x1x16xf32>,
      %swap3A_1598 = arith.constant 0 : i32
      %swap3A_1599 = arith.index_cast %swap3A_1598 : i32 to index
      %swap3A_1600 = arith.index_cast %scan3A_1591 : i32 to index
      %swap3A_1601 = arith.constant 16 : index
      %swap3A_1602 = tpu.vector_load %arg4[%swap3A_1599, %swap3A_1600, %swap3A_1601] {strides = array<i32>} : memref<12x8x128xf32, #tpu.memory_space<vmem>>, vector<1x1x16xf32>,
      %swap3A_1603 = vector.shape_cast %swap3A_1602 : vector<1x1x16xf32> to vector<16xf32>
      %swap3A_1604 = vector.shape_cast %get3A_29 : vector<16xf32> to vector<1x1x16xf32>
      tpu.vector_store %arg4[%swap3A_1599, %swap3A_1600, %swap3A_1601], %swap3A_1604 {strides = array<i32>} : memref<12x8x128xf32, #tpu.memory_space<vmem>>, vector<1x1x16xf32>,
      %swap3A_1605 = arith.constant 0 : i32
      %swap3A_1606 = arith.index_cast %swap3A_1605 : i32 to index
      %swap3A_1607 = arith.index_cast %scan3A_1591 : i32 to index
      %swap3A_1608 = arith.constant 32 : index
      %swap3A_1609 = tpu.vector_load %arg4[%swap3A_1606, %swap3A_1607, %swap3A_1608] {strides = array<i32>} : memref<12x8x128xf32, #tpu.memory_space<vmem>>, vector<1x1x16xf32>,
      %swap3A_1610 = vector.shape_cast %swap3A_1609 : vector<1x1x16xf32> to vector<16xf32>
      %swap3A_1611 = vector.shape_cast %get3A_36 : vector<16xf32> to vector<1x1x16xf32>
      tpu.vector_store %arg4[%swap3A_1606, %swap3A_1607, %swap3A_1608], %swap3A_1611 {strides = array<i32>} : memref<12x8x128xf32, #tpu.memory_space<vmem>>, vector<1x1x16xf32>,
      %swap3A_1612 = arith.constant 0 : i32
      %swap3A_1613 = arith.index_cast %swap3A_1612 : i32 to index
      %swap3A_1614 = arith.index_cast %scan3A_1591 : i32 to index
      %swap3A_1615 = arith.constant 48 : index
      %swap3A_1616 = tpu.vector_load %arg4[%swap3A_1613, %swap3A_1614, %swap3A_1615] {strides = array<i32>} : memref<12x8x128xf32, #tpu.memory_space<vmem>>, vector<1x1x16xf32>,
      %swap3A_1617 = vector.shape_cast %swap3A_1616 : vector<1x1x16xf32> to vector<16xf32>
      %swap3A_1618 = vector.shape_cast %get3A_43 : vector<16xf32> to vector<1x1x16xf32>
      tpu.vector_store %arg4[%swap3A_1613, %swap3A_1614, %swap3A_1615], %swap3A_1618 {strides = array<i32>} : memref<12x8x128xf32, #tpu.memory_space<vmem>>, vector<1x1x16xf32>,
      %swap3A_1619 = arith.constant 0 : i32
      %swap3A_1620 = arith.index_cast %swap3A_1619 : i32 to index
      %swap3A_1621 = arith.index_cast %scan3A_1591 : i32 to index
      %swap3A_1622 = arith.constant 64 : index
      %swap3A_1623 = tpu.vector_load %arg4[%swap3A_1620, %swap3A_1621, %swap3A_1622] {strides = array<i32>} : memref<12x8x128xf32, #tpu.memory_space<vmem>>, vector<1x1x16xf32>,
      %swap3A_1624 = vector.shape_cast %swap3A_1623 : vector<1x1x16xf32> to vector<16xf32>
      %swap3A_1625 = vector.shape_cast %get3A_50 : vector<16xf32> to vector<1x1x16xf32>
      tpu.vector_store %arg4[%swap3A_1620, %swap3A_1621, %swap3A_1622], %swap3A_1625 {strides = array<i32>} : memref<12x8x128xf32, #tpu.memory_space<vmem>>, vector<1x1x16xf32>,
      %swap3A_1626 = arith.constant 0 : i32
      %swap3A_1627 = arith.index_cast %swap3A_1626 : i32 to index
      %swap3A_1628 = arith.index_cast %scan3A_1591 : i32 to index
      %swap3A_1629 = arith.constant 80 : index
      %swap3A_1630 = tpu.vector_load %arg4[%swap3A_1627, %swap3A_1628, %swap3A_1629] {strides = array<i32>} : memref<12x8x128xf32, #tpu.memory_space<vmem>>, vector<1x1x16xf32>,
      %swap3A_1631 = vector.shape_cast %swap3A_1630 : vector<1x1x16xf32> to vector<16xf32>
      %swap3A_1632 = vector.shape_cast %get3A_57 : vector<16xf32> to vector<1x1x16xf32>
      tpu.vector_store %arg4[%swap3A_1627, %swap3A_1628, %swap3A_1629], %swap3A_1632 {strides = array<i32>} : memref<12x8x128xf32, #tpu.memory_space<vmem>>, vector<1x1x16xf32>,
      %swap3A_1633 = arith.constant 0 : i32
      %swap3A_1634 = arith.index_cast %swap3A_1633 : i32 to index
      %swap3A_1635 = arith.index_cast %scan3A_1591 : i32 to index
      %swap3A_1636 = arith.constant 96 : index
      %swap3A_1637 = tpu.vector_load %arg4[%swap3A_1634, %swap3A_1635, %swap3A_1636] {strides = array<i32>} : memref<12x8x128xf32, #tpu.memory_space<vmem>>, vector<1x1x16xf32>,
      %swap3A_1638 = vector.shape_cast %swap3A_1637 : vector<1x1x16xf32> to vector<16xf32>
      %swap3A_1639 = vector.shape_cast %get3A_64 : vector<16xf32> to vector<1x1x16xf32>
      tpu.vector_store %arg4[%swap3A_1634, %swap3A_1635, %swap3A_1636], %swap3A_1639 {strides = array<i32>} : memref<12x8x128xf32, #tpu.memory_space<vmem>>, vector<1x1x16xf32>,
      %swap3A_1640 = arith.constant 0 : i32
      %swap3A_1641 = arith.index_cast %swap3A_1640 : i32 to index
      %swap3A_1642 = arith.index_cast %scan3A_1591 : i32 to index
      %swap3A_1643 = arith.constant 112 : index
      %swap3A_1644 = tpu.vector_load %arg4[%swap3A_1641, %swap3A_1642, %swap3A_1643] {strides = array<i32>} : memref<12x8x128xf32, #tpu.memory_space<vmem>>, vector<1x1x16xf32>,
      %swap3A_1645 = vector.shape_cast %swap3A_1644 : vector<1x1x16xf32> to vector<16xf32>
      %swap3A_1646 = vector.shape_cast %get3A_71 : vector<16xf32> to vector<1x1x16xf32>
      tpu.vector_store %arg4[%swap3A_1641, %swap3A_1642, %swap3A_1643], %swap3A_1646 {strides = array<i32>} : memref<12x8x128xf32, #tpu.memory_space<vmem>>, vector<1x1x16xf32>,
      %swap3A_1647 = arith.constant 1 : i32
      %swap3A_1648 = arith.index_cast %swap3A_1647 : i32 to index
      %swap3A_1649 = arith.index_cast %scan3A_1591 : i32 to index
      %swap3A_1650 = arith.constant 0 : index
      %swap3A_1651 = tpu.vector_load %arg4[%swap3A_1648, %swap3A_1649, %swap3A_1650] {strides = array<i32>} : memref<12x8x128xf32, #tpu.memory_space<vmem>>, vector<1x1x16xf32>,
      %swap3A_1652 = vector.shape_cast %swap3A_1651 : vector<1x1x16xf32> to vector<16xf32>
      %swap3A_1653 = vector.shape_cast %get3A_78 : vector<16xf32> to vector<1x1x16xf32>
      tpu.vector_store %arg4[%swap3A_1648, %swap3A_1649, %swap3A_1650], %swap3A_1653 {strides = array<i32>} : memref<12x8x128xf32, #tpu.memory_space<vmem>>, vector<1x1x16xf32>,
      %swap3A_1654 = arith.constant 1 : i32
      %swap3A_1655 = arith.index_cast %swap3A_1654 : i32 to index
      %swap3A_1656 = arith.index_cast %scan3A_1591 : i32 to index
      %swap3A_1657 = arith.constant 16 : index
      %swap3A_1658 = tpu.vector_load %arg4[%swap3A_1655, %swap3A_1656, %swap3A_1657] {strides = array<i32>} : memref<12x8x128xf32, #tpu.memory_space<vmem>>, vector<1x1x16xf32>,
      %swap3A_1659 = vector.shape_cast %swap3A_1658 : vector<1x1x16xf32> to vector<16xf32>
      %swap3A_1660 = vector.shape_cast %get3A_85 : vector<16xf32> to vector<1x1x16xf32>
      tpu.vector_store %arg4[%swap3A_1655, %swap3A_1656, %swap3A_1657], %swap3A_1660 {strides = array<i32>} : memref<12x8x128xf32, #tpu.memory_space<vmem>>, vector<1x1x16xf32>,
      %swap3A_1661 = arith.constant 1 : i32
      %swap3A_1662 = arith.index_cast %swap3A_1661 : i32 to index
      %swap3A_1663 = arith.index_cast %scan3A_1591 : i32 to index
      %swap3A_1664 = arith.constant 32 : index
      %swap3A_1665 = tpu.vector_load %arg4[%swap3A_1662, %swap3A_1663, %swap3A_1664] {strides = array<i32>} : memref<12x8x128xf32, #tpu.memory_space<vmem>>, vector<1x1x16xf32>,
      %swap3A_1666 = vector.shape_cast %swap3A_1665 : vector<1x1x16xf32> to vector<16xf32>
      %swap3A_1667 = vector.shape_cast %get3A_92 : vector<16xf32> to vector<1x1x16xf32>
      tpu.vector_store %arg4[%swap3A_1662, %swap3A_1663, %swap3A_1664], %swap3A_1667 {strides = array<i32>} : memref<12x8x128xf32, #tpu.memory_space<vmem>>, vector<1x1x16xf32>,
      %swap3A_1668 = arith.constant 1 : i32
      %swap3A_1669 = arith.index_cast %swap3A_1668 : i32 to index
      %swap3A_1670 = arith.index_cast %scan3A_1591 : i32 to index
      %swap3A_1671 = arith.constant 48 : index
      %swap3A_1672 = tpu.vector_load %arg4[%swap3A_1669, %swap3A_1670, %swap3A_1671] {strides = array<i32>} : memref<12x8x128xf32, #tpu.memory_space<vmem>>, vector<1x1x16xf32>,
      %swap3A_1673 = vector.shape_cast %swap3A_1672 : vector<1x1x16xf32> to vector<16xf32>
      %swap3A_1674 = vector.shape_cast %get3A_99 : vector<16xf32> to vector<1x1x16xf32>
      tpu.vector_store %arg4[%swap3A_1669, %swap3A_1670, %swap3A_1671], %swap3A_1674 {strides = array<i32>} : memref<12x8x128xf32, #tpu.memory_space<vmem>>, vector<1x1x16xf32>,
      %swap3A_1675 = arith.constant 1 : i32
      %swap3A_1676 = arith.index_cast %swap3A_1675 : i32 to index
      %swap3A_1677 = arith.index_cast %scan3A_1591 : i32 to index
      %swap3A_1678 = arith.constant 64 : index
      %swap3A_1679 = tpu.vector_load %arg4[%swap3A_1676, %swap3A_1677, %swap3A_1678] {strides = array<i32>} : memref<12x8x128xf32, #tpu.memory_space<vmem>>, vector<1x1x16xf32>,
      %swap3A_1680 = vector.shape_cast %swap3A_1679 : vector<1x1x16xf32> to vector<16xf32>
      %swap3A_1681 = vector.shape_cast %get3A_106 : vector<16xf32> to vector<1x1x16xf32>
      tpu.vector_store %arg4[%swap3A_1676, %swap3A_1677, %swap3A_1678], %swap3A_1681 {strides = array<i32>} : memref<12x8x128xf32, #tpu.memory_space<vmem>>, vector<1x1x16xf32>,
      %swap3A_1682 = arith.constant 1 : i32
      %swap3A_1683 = arith.index_cast %swap3A_1682 : i32 to index
      %swap3A_1684 = arith.index_cast %scan3A_1591 : i32 to index
      %swap3A_1685 = arith.constant 80 : index
      %swap3A_1686 = tpu.vector_load %arg4[%swap3A_1683, %swap3A_1684, %swap3A_1685] {strides = array<i32>} : memref<12x8x128xf32, #tpu.memory_space<vmem>>, vector<1x1x16xf32>,
      %swap3A_1687 = vector.shape_cast %swap3A_1686 : vector<1x1x16xf32> to vector<16xf32>
      %swap3A_1688 = vector.shape_cast %get3A_113 : vector<16xf32> to vector<1x1x16xf32>
      tpu.vector_store %arg4[%swap3A_1683, %swap3A_1684, %swap3A_1685], %swap3A_1688 {strides = array<i32>} : memref<12x8x128xf32, #tpu.memory_space<vmem>>, vector<1x1x16xf32>,
      %swap3A_1689 = arith.constant 1 : i32
      %swap3A_1690 = arith.index_cast %swap3A_1689 : i32 to index
      %swap3A_1691 = arith.index_cast %scan3A_1591 : i32 to index
      %swap3A_1692 = arith.constant 96 : index
      %swap3A_1693 = tpu.vector_load %arg4[%swap3A_1690, %swap3A_1691, %swap3A_1692] {strides = array<i32>} : memref<12x8x128xf32, #tpu.memory_space<vmem>>, vector<1x1x16xf32>,
      %swap3A_1694 = vector.shape_cast %swap3A_1693 : vector<1x1x16xf32> to vector<16xf32>
      %swap3A_1695 = vector.shape_cast %get3A_120 : vector<16xf32> to vector<1x1x16xf32>
      tpu.vector_store %arg4[%swap3A_1690, %swap3A_1691, %swap3A_1692], %swap3A_1695 {strides = array<i32>} : memref<12x8x128xf32, #tpu.memory_space<vmem>>, vector<1x1x16xf32>,
      %swap3A_1696 = arith.constant 1 : i32
      %swap3A_1697 = arith.index_cast %swap3A_1696 : i32 to index
      %swap3A_1698 = arith.index_cast %scan3A_1591 : i32 to index
      %swap3A_1699 = arith.constant 112 : index
      %swap3A_1700 = tpu.vector_load %arg4[%swap3A_1697, %swap3A_1698, %swap3A_1699] {strides = array<i32>} : memref<12x8x128xf32, #tpu.memory_space<vmem>>, vector<1x1x16xf32>,
      %swap3A_1701 = vector.shape_cast %swap3A_1700 : vector<1x1x16xf32> to vector<16xf32>
      %swap3A_1702 = vector.shape_cast %get3A_127 : vector<16xf32> to vector<1x1x16xf32>
      tpu.vector_store %arg4[%swap3A_1697, %swap3A_1698, %swap3A_1699], %swap3A_1702 {strides = array<i32>} : memref<12x8x128xf32, #tpu.memory_space<vmem>>, vector<1x1x16xf32>,
      %swap3A_1703 = arith.constant 2 : i32
      %swap3A_1704 = arith.index_cast %swap3A_1703 : i32 to index
      %swap3A_1705 = arith.index_cast %scan3A_1591 : i32 to index
      %swap3A_1706 = arith.constant 0 : index
      %swap3A_1707 = tpu.vector_load %arg4[%swap3A_1704, %swap3A_1705, %swap3A_1706] {strides = array<i32>} : memref<12x8x128xf32, #tpu.memory_space<vmem>>, vector<1x1x16xf32>,
      %swap3A_1708 = vector.shape_cast %swap3A_1707 : vector<1x1x16xf32> to vector<16xf32>
      %swap3A_1709 = vector.shape_cast %get3A_134 : vector<16xf32> to vector<1x1x16xf32>
      tpu.vector_store %arg4[%swap3A_1704, %swap3A_1705, %swap3A_1706], %swap3A_1709 {strides = array<i32>} : memref<12x8x128xf32, #tpu.memory_space<vmem>>, vector<1x1x16xf32>,
      %swap3A_1710 = arith.constant 2 : i32
      %swap3A_1711 = arith.index_cast %swap3A_1710 : i32 to index
      %swap3A_1712 = arith.index_cast %scan3A_1591 : i32 to index
      %swap3A_1713 = arith.constant 16 : index
      %swap3A_1714 = tpu.vector_load %arg4[%swap3A_1711, %swap3A_1712, %swap3A_1713] {strides = array<i32>} : memref<12x8x128xf32, #tpu.memory_space<vmem>>, vector<1x1x16xf32>,
      %swap3A_1715 = vector.shape_cast %swap3A_1714 : vector<1x1x16xf32> to vector<16xf32>
      %swap3A_1716 = vector.shape_cast %get3A_141 : vector<16xf32> to vector<1x1x16xf32>
      tpu.vector_store %arg4[%swap3A_1711, %swap3A_1712, %swap3A_1713], %swap3A_1716 {strides = array<i32>} : memref<12x8x128xf32, #tpu.memory_space<vmem>>, vector<1x1x16xf32>,
      %swap3A_1717 = arith.constant 2 : i32
      %swap3A_1718 = arith.index_cast %swap3A_1717 : i32 to index
      %swap3A_1719 = arith.index_cast %scan3A_1591 : i32 to index
      %swap3A_1720 = arith.constant 32 : index
      %swap3A_1721 = tpu.vector_load %arg4[%swap3A_1718, %swap3A_1719, %swap3A_1720] {strides = array<i32>} : memref<12x8x128xf32, #tpu.memory_space<vmem>>, vector<1x1x16xf32>,
      %swap3A_1722 = vector.shape_cast %swap3A_1721 : vector<1x1x16xf32> to vector<16xf32>
      %swap3A_1723 = vector.shape_cast %get3A_148 : vector<16xf32> to vector<1x1x16xf32>
      tpu.vector_store %arg4[%swap3A_1718, %swap3A_1719, %swap3A_1720], %swap3A_1723 {strides = array<i32>} : memref<12x8x128xf32, #tpu.memory_space<vmem>>, vector<1x1x16xf32>,
      %swap3A_1724 = arith.constant 2 : i32
      %swap3A_1725 = arith.index_cast %swap3A_1724 : i32 to index
      %swap3A_1726 = arith.index_cast %scan3A_1591 : i32 to index
      %swap3A_1727 = arith.constant 48 : index
      %swap3A_1728 = tpu.vector_load %arg4[%swap3A_1725, %swap3A_1726, %swap3A_1727] {strides = array<i32>} : memref<12x8x128xf32, #tpu.memory_space<vmem>>, vector<1x1x16xf32>,
      %swap3A_1729 = vector.shape_cast %swap3A_1728 : vector<1x1x16xf32> to vector<16xf32>
      %swap3A_1730 = vector.shape_cast %get3A_155 : vector<16xf32> to vector<1x1x16xf32>
      tpu.vector_store %arg4[%swap3A_1725, %swap3A_1726, %swap3A_1727], %swap3A_1730 {strides = array<i32>} : memref<12x8x128xf32, #tpu.memory_space<vmem>>, vector<1x1x16xf32>,
      %swap3A_1731 = arith.constant 2 : i32
      %swap3A_1732 = arith.index_cast %swap3A_1731 : i32 to index
      %swap3A_1733 = arith.index_cast %scan3A_1591 : i32 to index
      %swap3A_1734 = arith.constant 64 : index
      %swap3A_1735 = tpu.vector_load %arg4[%swap3A_1732, %swap3A_1733, %swap3A_1734] {strides = array<i32>} : memref<12x8x128xf32, #tpu.memory_space<vmem>>, vector<1x1x16xf32>,
      %swap3A_1736 = vector.shape_cast %swap3A_1735 : vector<1x1x16xf32> to vector<16xf32>
      %swap3A_1737 = vector.shape_cast %get3A_162 : vector<16xf32> to vector<1x1x16xf32>
      tpu.vector_store %arg4[%swap3A_1732, %swap3A_1733, %swap3A_1734], %swap3A_1737 {strides = array<i32>} : memref<12x8x128xf32, #tpu.memory_space<vmem>>, vector<1x1x16xf32>,
      %swap3A_1738 = arith.constant 2 : i32
      %swap3A_1739 = arith.index_cast %swap3A_1738 : i32 to index
      %swap3A_1740 = arith.index_cast %scan3A_1591 : i32 to index
      %swap3A_1741 = arith.constant 80 : index
      %swap3A_1742 = tpu.vector_load %arg4[%swap3A_1739, %swap3A_1740, %swap3A_1741] {strides = array<i32>} : memref<12x8x128xf32, #tpu.memory_space<vmem>>, vector<1x1x16xf32>,
      %swap3A_1743 = vector.shape_cast %swap3A_1742 : vector<1x1x16xf32> to vector<16xf32>
      %swap3A_1744 = vector.shape_cast %get3A_169 : vector<16xf32> to vector<1x1x16xf32>
      tpu.vector_store %arg4[%swap3A_1739, %swap3A_1740, %swap3A_1741], %swap3A_1744 {strides = array<i32>} : memref<12x8x128xf32, #tpu.memory_space<vmem>>, vector<1x1x16xf32>,
      %swap3A_1745 = arith.constant 2 : i32
      %swap3A_1746 = arith.index_cast %swap3A_1745 : i32 to index
      %swap3A_1747 = arith.index_cast %scan3A_1591 : i32 to index
      %swap3A_1748 = arith.constant 96 : index
      %swap3A_1749 = tpu.vector_load %arg4[%swap3A_1746, %swap3A_1747, %swap3A_1748] {strides = array<i32>} : memref<12x8x128xf32, #tpu.memory_space<vmem>>, vector<1x1x16xf32>,
      %swap3A_1750 = vector.shape_cast %swap3A_1749 : vector<1x1x16xf32> to vector<16xf32>
      %swap3A_1751 = vector.shape_cast %get3A_176 : vector<16xf32> to vector<1x1x16xf32>
      tpu.vector_store %arg4[%swap3A_1746, %swap3A_1747, %swap3A_1748], %swap3A_1751 {strides = array<i32>} : memref<12x8x128xf32, #tpu.memory_space<vmem>>, vector<1x1x16xf32>,
      %swap3A_1752 = arith.constant 2 : i32
      %swap3A_1753 = arith.index_cast %swap3A_1752 : i32 to index
      %swap3A_1754 = arith.index_cast %scan3A_1591 : i32 to index
      %swap3A_1755 = arith.constant 112 : index
      %swap3A_1756 = tpu.vector_load %arg4[%swap3A_1753, %swap3A_1754, %swap3A_1755] {strides = array<i32>} : memref<12x8x128xf32, #tpu.memory_space<vmem>>, vector<1x1x16xf32>,
      %swap3A_1757 = vector.shape_cast %swap3A_1756 : vector<1x1x16xf32> to vector<16xf32>
      %swap3A_1758 = vector.shape_cast %get3A_183 : vector<16xf32> to vector<1x1x16xf32>
      tpu.vector_store %arg4[%swap3A_1753, %swap3A_1754, %swap3A_1755], %swap3A_1758 {strides = array<i32>} : memref<12x8x128xf32, #tpu.memory_space<vmem>>, vector<1x1x16xf32>,
      %swap3A_1759 = arith.constant 3 : i32
      %swap3A_1760 = arith.index_cast %swap3A_1759 : i32 to index
      %swap3A_1761 = arith.index_cast %scan3A_1591 : i32 to index
      %swap3A_1762 = arith.constant 0 : index
      %swap3A_1763 = tpu.vector_load %arg4[%swap3A_1760, %swap3A_1761, %swap3A_1762] {strides = array<i32>} : memref<12x8x128xf32, #tpu.memory_space<vmem>>, vector<1x1x16xf32>,
      %swap3A_1764 = vector.shape_cast %swap3A_1763 : vector<1x1x16xf32> to vector<16xf32>
      %swap3A_1765 = vector.shape_cast %get3A_190 : vector<16xf32> to vector<1x1x16xf32>
      tpu.vector_store %arg4[%swap3A_1760, %swap3A_1761, %swap3A_1762], %swap3A_1765 {strides = array<i32>} : memref<12x8x128xf32, #tpu.memory_space<vmem>>, vector<1x1x16xf32>,
      %swap3A_1766 = arith.constant 3 : i32
      %swap3A_1767 = arith.index_cast %swap3A_1766 : i32 to index
      %swap3A_1768 = arith.index_cast %scan3A_1591 : i32 to index
      %swap3A_1769 = arith.constant 16 : index
      %swap3A_1770 = tpu.vector_load %arg4[%swap3A_1767, %swap3A_1768, %swap3A_1769] {strides = array<i32>} : memref<12x8x128xf32, #tpu.memory_space<vmem>>, vector<1x1x16xf32>,
      %swap3A_1771 = vector.shape_cast %swap3A_1770 : vector<1x1x16xf32> to vector<16xf32>
      %swap3A_1772 = vector.shape_cast %get3A_197 : vector<16xf32> to vector<1x1x16xf32>
      tpu.vector_store %arg4[%swap3A_1767, %swap3A_1768, %swap3A_1769], %swap3A_1772 {strides = array<i32>} : memref<12x8x128xf32, #tpu.memory_space<vmem>>, vector<1x1x16xf32>,
      %swap3A_1773 = arith.constant 3 : i32
      %swap3A_1774 = arith.index_cast %swap3A_1773 : i32 to index
      %swap3A_1775 = arith.index_cast %scan3A_1591 : i32 to index
      %swap3A_1776 = arith.constant 32 : index
      %swap3A_1777 = tpu.vector_load %arg4[%swap3A_1774, %swap3A_1775, %swap3A_1776] {strides = array<i32>} : memref<12x8x128xf32, #tpu.memory_space<vmem>>, vector<1x1x16xf32>,
      %swap3A_1778 = vector.shape_cast %swap3A_1777 : vector<1x1x16xf32> to vector<16xf32>
      %swap3A_1779 = vector.shape_cast %get3A_204 : vector<16xf32> to vector<1x1x16xf32>
      tpu.vector_store %arg4[%swap3A_1774, %swap3A_1775, %swap3A_1776], %swap3A_1779 {strides = array<i32>} : memref<12x8x128xf32, #tpu.memory_space<vmem>>, vector<1x1x16xf32>,
      %swap3A_1780 = arith.constant 3 : i32
      %swap3A_1781 = arith.index_cast %swap3A_1780 : i32 to index
      %swap3A_1782 = arith.index_cast %scan3A_1591 : i32 to index
      %swap3A_1783 = arith.constant 48 : index
      %swap3A_1784 = tpu.vector_load %arg4[%swap3A_1781, %swap3A_1782, %swap3A_1783] {strides = array<i32>} : memref<12x8x128xf32, #tpu.memory_space<vmem>>, vector<1x1x16xf32>,
      %swap3A_1785 = vector.shape_cast %swap3A_1784 : vector<1x1x16xf32> to vector<16xf32>
      %swap3A_1786 = vector.shape_cast %get3A_211 : vector<16xf32> to vector<1x1x16xf32>
      tpu.vector_store %arg4[%swap3A_1781, %swap3A_1782, %swap3A_1783], %swap3A_1786 {strides = array<i32>} : memref<12x8x128xf32, #tpu.memory_space<vmem>>, vector<1x1x16xf32>,
      %swap3A_1787 = arith.constant 3 : i32
      %swap3A_1788 = arith.index_cast %swap3A_1787 : i32 to index
      %swap3A_1789 = arith.index_cast %scan3A_1591 : i32 to index
      %swap3A_1790 = arith.constant 64 : index
      %swap3A_1791 = tpu.vector_load %arg4[%swap3A_1788, %swap3A_1789, %swap3A_1790] {strides = array<i32>} : memref<12x8x128xf32, #tpu.memory_space<vmem>>, vector<1x1x16xf32>,
      %swap3A_1792 = vector.shape_cast %swap3A_1791 : vector<1x1x16xf32> to vector<16xf32>
      %swap3A_1793 = vector.shape_cast %get3A_218 : vector<16xf32> to vector<1x1x16xf32>
      tpu.vector_store %arg4[%swap3A_1788, %swap3A_1789, %swap3A_1790], %swap3A_1793 {strides = array<i32>} : memref<12x8x128xf32, #tpu.memory_space<vmem>>, vector<1x1x16xf32>,
      %swap3A_1794 = arith.constant 3 : i32
      %swap3A_1795 = arith.index_cast %swap3A_1794 : i32 to index
      %swap3A_1796 = arith.index_cast %scan3A_1591 : i32 to index
      %swap3A_1797 = arith.constant 80 : index
      %swap3A_1798 = tpu.vector_load %arg4[%swap3A_1795, %swap3A_1796, %swap3A_1797] {strides = array<i32>} : memref<12x8x128xf32, #tpu.memory_space<vmem>>, vector<1x1x16xf32>,
      %swap3A_1799 = vector.shape_cast %swap3A_1798 : vector<1x1x16xf32> to vector<16xf32>
      %swap3A_1800 = vector.shape_cast %get3A_225 : vector<16xf32> to vector<1x1x16xf32>
      tpu.vector_store %arg4[%swap3A_1795, %swap3A_1796, %swap3A_1797], %swap3A_1800 {strides = array<i32>} : memref<12x8x128xf32, #tpu.memory_space<vmem>>, vector<1x1x16xf32>,
      %swap3A_1801 = arith.constant 3 : i32
      %swap3A_1802 = arith.index_cast %swap3A_1801 : i32 to index
      %swap3A_1803 = arith.index_cast %scan3A_1591 : i32 to index
      %swap3A_1804 = arith.constant 96 : index
      %swap3A_1805 = tpu.vector_load %arg4[%swap3A_1802, %swap3A_1803, %swap3A_1804] {strides = array<i32>} : memref<12x8x128xf32, #tpu.memory_space<vmem>>, vector<1x1x16xf32>,
      %swap3A_1806 = vector.shape_cast %swap3A_1805 : vector<1x1x16xf32> to vector<16xf32>
      %swap3A_1807 = vector.shape_cast %get3A_232 : vector<16xf32> to vector<1x1x16xf32>
      tpu.vector_store %arg4[%swap3A_1802, %swap3A_1803, %swap3A_1804], %swap3A_1807 {strides = array<i32>} : memref<12x8x128xf32, #tpu.memory_space<vmem>>, vector<1x1x16xf32>,
      %swap3A_1808 = arith.constant 3 : i32
      %swap3A_1809 = arith.index_cast %swap3A_1808 : i32 to index
      %swap3A_1810 = arith.index_cast %scan3A_1591 : i32 to index
      %swap3A_1811 = arith.constant 112 : index
      %swap3A_1812 = tpu.vector_load %arg4[%swap3A_1809, %swap3A_1810, %swap3A_1811] {strides = array<i32>} : memref<12x8x128xf32, #tpu.memory_space<vmem>>, vector<1x1x16xf32>,
      %swap3A_1813 = vector.shape_cast %swap3A_1812 : vector<1x1x16xf32> to vector<16xf32>
      %swap3A_1814 = vector.shape_cast %get3A_239 : vector<16xf32> to vector<1x1x16xf32>
      tpu.vector_store %arg4[%swap3A_1809, %swap3A_1810, %swap3A_1811], %swap3A_1814 {strides = array<i32>} : memref<12x8x128xf32, #tpu.memory_space<vmem>>, vector<1x1x16xf32>,
      %swap3A_1815 = arith.constant 4 : i32
      %swap3A_1816 = arith.index_cast %swap3A_1815 : i32 to index
      %swap3A_1817 = arith.index_cast %scan3A_1591 : i32 to index
      %swap3A_1818 = arith.constant 0 : index
      %swap3A_1819 = tpu.vector_load %arg4[%swap3A_1816, %swap3A_1817, %swap3A_1818] {strides = array<i32>} : memref<12x8x128xf32, #tpu.memory_space<vmem>>, vector<1x1x16xf32>,
      %swap3A_1820 = vector.shape_cast %swap3A_1819 : vector<1x1x16xf32> to vector<16xf32>
      %swap3A_1821 = vector.shape_cast %get3A_246 : vector<16xf32> to vector<1x1x16xf32>
      tpu.vector_store %arg4[%swap3A_1816, %swap3A_1817, %swap3A_1818], %swap3A_1821 {strides = array<i32>} : memref<12x8x128xf32, #tpu.memory_space<vmem>>, vector<1x1x16xf32>,
      %swap3A_1822 = arith.constant 4 : i32
      %swap3A_1823 = arith.index_cast %swap3A_1822 : i32 to index
      %swap3A_1824 = arith.index_cast %scan3A_1591 : i32 to index
      %swap3A_1825 = arith.constant 16 : index
      %swap3A_1826 = tpu.vector_load %arg4[%swap3A_1823, %swap3A_1824, %swap3A_1825] {strides = array<i32>} : memref<12x8x128xf32, #tpu.memory_space<vmem>>, vector<1x1x16xf32>,
      %swap3A_1827 = vector.shape_cast %swap3A_1826 : vector<1x1x16xf32> to vector<16xf32>
      %swap3A_1828 = vector.shape_cast %get3A_253 : vector<16xf32> to vector<1x1x16xf32>
      tpu.vector_store %arg4[%swap3A_1823, %swap3A_1824, %swap3A_1825], %swap3A_1828 {strides = array<i32>} : memref<12x8x128xf32, #tpu.memory_space<vmem>>, vector<1x1x16xf32>,
      %swap3A_1829 = arith.constant 4 : i32
      %swap3A_1830 = arith.index_cast %swap3A_1829 : i32 to index
      %swap3A_1831 = arith.index_cast %scan3A_1591 : i32 to index
      %swap3A_1832 = arith.constant 32 : index
      %swap3A_1833 = tpu.vector_load %arg4[%swap3A_1830, %swap3A_1831, %swap3A_1832] {strides = array<i32>} : memref<12x8x128xf32, #tpu.memory_space<vmem>>, vector<1x1x16xf32>,
      %swap3A_1834 = vector.shape_cast %swap3A_1833 : vector<1x1x16xf32> to vector<16xf32>
      %swap3A_1835 = vector.shape_cast %get3A_260 : vector<16xf32> to vector<1x1x16xf32>
      tpu.vector_store %arg4[%swap3A_1830, %swap3A_1831, %swap3A_1832], %swap3A_1835 {strides = array<i32>} : memref<12x8x128xf32, #tpu.memory_space<vmem>>, vector<1x1x16xf32>,
      %swap3A_1836 = arith.constant 4 : i32
      %swap3A_1837 = arith.index_cast %swap3A_1836 : i32 to index
      %swap3A_1838 = arith.index_cast %scan3A_1591 : i32 to index
      %swap3A_1839 = arith.constant 48 : index
      %swap3A_1840 = tpu.vector_load %arg4[%swap3A_1837, %swap3A_1838, %swap3A_1839] {strides = array<i32>} : memref<12x8x128xf32, #tpu.memory_space<vmem>>, vector<1x1x16xf32>,
      %swap3A_1841 = vector.shape_cast %swap3A_1840 : vector<1x1x16xf32> to vector<16xf32>
      %swap3A_1842 = vector.shape_cast %get3A_267 : vector<16xf32> to vector<1x1x16xf32>
      tpu.vector_store %arg4[%swap3A_1837, %swap3A_1838, %swap3A_1839], %swap3A_1842 {strides = array<i32>} : memref<12x8x128xf32, #tpu.memory_space<vmem>>, vector<1x1x16xf32>,
      %swap3A_1843 = arith.constant 4 : i32
      %swap3A_1844 = arith.index_cast %swap3A_1843 : i32 to index
      %swap3A_1845 = arith.index_cast %scan3A_1591 : i32 to index
      %swap3A_1846 = arith.constant 64 : index
      %swap3A_1847 = tpu.vector_load %arg4[%swap3A_1844, %swap3A_1845, %swap3A_1846] {strides = array<i32>} : memref<12x8x128xf32, #tpu.memory_space<vmem>>, vector<1x1x16xf32>,
      %swap3A_1848 = vector.shape_cast %swap3A_1847 : vector<1x1x16xf32> to vector<16xf32>
      %swap3A_1849 = vector.shape_cast %get3A_274 : vector<16xf32> to vector<1x1x16xf32>
      tpu.vector_store %arg4[%swap3A_1844, %swap3A_1845, %swap3A_1846], %swap3A_1849 {strides = array<i32>} : memref<12x8x128xf32, #tpu.memory_space<vmem>>, vector<1x1x16xf32>,
      %swap3A_1850 = arith.constant 4 : i32
      %swap3A_1851 = arith.index_cast %swap3A_1850 : i32 to index
      %swap3A_1852 = arith.index_cast %scan3A_1591 : i32 to index
      %swap3A_1853 = arith.constant 80 : index
      %swap3A_1854 = tpu.vector_load %arg4[%swap3A_1851, %swap3A_1852, %swap3A_1853] {strides = array<i32>} : memref<12x8x128xf32, #tpu.memory_space<vmem>>, vector<1x1x16xf32>,
      %swap3A_1855 = vector.shape_cast %swap3A_1854 : vector<1x1x16xf32> to vector<16xf32>
      %swap3A_1856 = vector.shape_cast %get3A_281 : vector<16xf32> to vector<1x1x16xf32>
      tpu.vector_store %arg4[%swap3A_1851, %swap3A_1852, %swap3A_1853], %swap3A_1856 {strides = array<i32>} : memref<12x8x128xf32, #tpu.memory_space<vmem>>, vector<1x1x16xf32>,
      %swap3A_1857 = arith.constant 4 : i32
      %swap3A_1858 = arith.index_cast %swap3A_1857 : i32 to index
      %swap3A_1859 = arith.index_cast %scan3A_1591 : i32 to index
      %swap3A_1860 = arith.constant 96 : index
      %swap3A_1861 = tpu.vector_load %arg4[%swap3A_1858, %swap3A_1859, %swap3A_1860] {strides = array<i32>} : memref<12x8x128xf32, #tpu.memory_space<vmem>>, vector<1x1x16xf32>,
      %swap3A_1862 = vector.shape_cast %swap3A_1861 : vector<1x1x16xf32> to vector<16xf32>
      %swap3A_1863 = vector.shape_cast %get3A_288 : vector<16xf32> to vector<1x1x16xf32>
      tpu.vector_store %arg4[%swap3A_1858, %swap3A_1859, %swap3A_1860], %swap3A_1863 {strides = array<i32>} : memref<12x8x128xf32, #tpu.memory_space<vmem>>, vector<1x1x16xf32>,
      %swap3A_1864 = arith.constant 4 : i32
      %swap3A_1865 = arith.index_cast %swap3A_1864 : i32 to index
      %swap3A_1866 = arith.index_cast %scan3A_1591 : i32 to index
      %swap3A_1867 = arith.constant 112 : index
      %swap3A_1868 = tpu.vector_load %arg4[%swap3A_1865, %swap3A_1866, %swap3A_1867] {strides = array<i32>} : memref<12x8x128xf32, #tpu.memory_space<vmem>>, vector<1x1x16xf32>,
      %swap3A_1869 = vector.shape_cast %swap3A_1868 : vector<1x1x16xf32> to vector<16xf32>
      %swap3A_1870 = vector.shape_cast %get3A_295 : vector<16xf32> to vector<1x1x16xf32>
      tpu.vector_store %arg4[%swap3A_1865, %swap3A_1866, %swap3A_1867], %swap3A_1870 {strides = array<i32>} : memref<12x8x128xf32, #tpu.memory_space<vmem>>, vector<1x1x16xf32>,
      %swap3A_1871 = arith.constant 5 : i32
      %swap3A_1872 = arith.index_cast %swap3A_1871 : i32 to index
      %swap3A_1873 = arith.index_cast %scan3A_1591 : i32 to index
      %swap3A_1874 = arith.constant 0 : index
      %swap3A_1875 = tpu.vector_load %arg4[%swap3A_1872, %swap3A_1873, %swap3A_1874] {strides = array<i32>} : memref<12x8x128xf32, #tpu.memory_space<vmem>>, vector<1x1x16xf32>,
      %swap3A_1876 = vector.shape_cast %swap3A_1875 : vector<1x1x16xf32> to vector<16xf32>
      %swap3A_1877 = vector.shape_cast %get3A_302 : vector<16xf32> to vector<1x1x16xf32>
      tpu.vector_store %arg4[%swap3A_1872, %swap3A_1873, %swap3A_1874], %swap3A_1877 {strides = array<i32>} : memref<12x8x128xf32, #tpu.memory_space<vmem>>, vector<1x1x16xf32>,
      %swap3A_1878 = arith.constant 5 : i32
      %swap3A_1879 = arith.index_cast %swap3A_1878 : i32 to index
      %swap3A_1880 = arith.index_cast %scan3A_1591 : i32 to index
      %swap3A_1881 = arith.constant 16 : index
      %swap3A_1882 = tpu.vector_load %arg4[%swap3A_1879, %swap3A_1880, %swap3A_1881] {strides = array<i32>} : memref<12x8x128xf32, #tpu.memory_space<vmem>>, vector<1x1x16xf32>,
      %swap3A_1883 = vector.shape_cast %swap3A_1882 : vector<1x1x16xf32> to vector<16xf32>
      %swap3A_1884 = vector.shape_cast %get3A_309 : vector<16xf32> to vector<1x1x16xf32>
      tpu.vector_store %arg4[%swap3A_1879, %swap3A_1880, %swap3A_1881], %swap3A_1884 {strides = array<i32>} : memref<12x8x128xf32, #tpu.memory_space<vmem>>, vector<1x1x16xf32>,
      %swap3A_1885 = arith.constant 5 : i32
      %swap3A_1886 = arith.index_cast %swap3A_1885 : i32 to index
      %swap3A_1887 = arith.index_cast %scan3A_1591 : i32 to index
      %swap3A_1888 = arith.constant 32 : index
      %swap3A_1889 = tpu.vector_load %arg4[%swap3A_1886, %swap3A_1887, %swap3A_1888] {strides = array<i32>} : memref<12x8x128xf32, #tpu.memory_space<vmem>>, vector<1x1x16xf32>,
      %swap3A_1890 = vector.shape_cast %swap3A_1889 : vector<1x1x16xf32> to vector<16xf32>
      %swap3A_1891 = vector.shape_cast %get3A_316 : vector<16xf32> to vector<1x1x16xf32>
      tpu.vector_store %arg4[%swap3A_1886, %swap3A_1887, %swap3A_1888], %swap3A_1891 {strides = array<i32>} : memref<12x8x128xf32, #tpu.memory_space<vmem>>, vector<1x1x16xf32>,
      %swap3A_1892 = arith.constant 5 : i32
      %swap3A_1893 = arith.index_cast %swap3A_1892 : i32 to index
      %swap3A_1894 = arith.index_cast %scan3A_1591 : i32 to index
      %swap3A_1895 = arith.constant 48 : index
      %swap3A_1896 = tpu.vector_load %arg4[%swap3A_1893, %swap3A_1894, %swap3A_1895] {strides = array<i32>} : memref<12x8x128xf32, #tpu.memory_space<vmem>>, vector<1x1x16xf32>,
      %swap3A_1897 = vector.shape_cast %swap3A_1896 : vector<1x1x16xf32> to vector<16xf32>
      %swap3A_1898 = vector.shape_cast %get3A_323 : vector<16xf32> to vector<1x1x16xf32>
      tpu.vector_store %arg4[%swap3A_1893, %swap3A_1894, %swap3A_1895], %swap3A_1898 {strides = array<i32>} : memref<12x8x128xf32, #tpu.memory_space<vmem>>, vector<1x1x16xf32>,
      %swap3A_1899 = arith.constant 5 : i32
      %swap3A_1900 = arith.index_cast %swap3A_1899 : i32 to index
      %swap3A_1901 = arith.index_cast %scan3A_1591 : i32 to index
      %swap3A_1902 = arith.constant 64 : index
      %swap3A_1903 = tpu.vector_load %arg4[%swap3A_1900, %swap3A_1901, %swap3A_1902] {strides = array<i32>} : memref<12x8x128xf32, #tpu.memory_space<vmem>>, vector<1x1x16xf32>,
      %swap3A_1904 = vector.shape_cast %swap3A_1903 : vector<1x1x16xf32> to vector<16xf32>
      %swap3A_1905 = vector.shape_cast %get3A_330 : vector<16xf32> to vector<1x1x16xf32>
      tpu.vector_store %arg4[%swap3A_1900, %swap3A_1901, %swap3A_1902], %swap3A_1905 {strides = array<i32>} : memref<12x8x128xf32, #tpu.memory_space<vmem>>, vector<1x1x16xf32>,
      %swap3A_1906 = arith.constant 5 : i32
      %swap3A_1907 = arith.index_cast %swap3A_1906 : i32 to index
      %swap3A_1908 = arith.index_cast %scan3A_1591 : i32 to index
      %swap3A_1909 = arith.constant 80 : index
      %swap3A_1910 = tpu.vector_load %arg4[%swap3A_1907, %swap3A_1908, %swap3A_1909] {strides = array<i32>} : memref<12x8x128xf32, #tpu.memory_space<vmem>>, vector<1x1x16xf32>,
      %swap3A_1911 = vector.shape_cast %swap3A_1910 : vector<1x1x16xf32> to vector<16xf32>
      %swap3A_1912 = vector.shape_cast %get3A_337 : vector<16xf32> to vector<1x1x16xf32>
      tpu.vector_store %arg4[%swap3A_1907, %swap3A_1908, %swap3A_1909], %swap3A_1912 {strides = array<i32>} : memref<12x8x128xf32, #tpu.memory_space<vmem>>, vector<1x1x16xf32>,
      %swap3A_1913 = arith.constant 5 : i32
      %swap3A_1914 = arith.index_cast %swap3A_1913 : i32 to index
      %swap3A_1915 = arith.index_cast %scan3A_1591 : i32 to index
      %swap3A_1916 = arith.constant 96 : index
      %swap3A_1917 = tpu.vector_load %arg4[%swap3A_1914, %swap3A_1915, %swap3A_1916] {strides = array<i32>} : memref<12x8x128xf32, #tpu.memory_space<vmem>>, vector<1x1x16xf32>,
      %swap3A_1918 = vector.shape_cast %swap3A_1917 : vector<1x1x16xf32> to vector<16xf32>
      %swap3A_1919 = vector.shape_cast %get3A_344 : vector<16xf32> to vector<1x1x16xf32>
      tpu.vector_store %arg4[%swap3A_1914, %swap3A_1915, %swap3A_1916], %swap3A_1919 {strides = array<i32>} : memref<12x8x128xf32, #tpu.memory_space<vmem>>, vector<1x1x16xf32>,
      %swap3A_1920 = arith.constant 5 : i32
      %swap3A_1921 = arith.index_cast %swap3A_1920 : i32 to index
      %swap3A_1922 = arith.index_cast %scan3A_1591 : i32 to index
      %swap3A_1923 = arith.constant 112 : index
      %swap3A_1924 = tpu.vector_load %arg4[%swap3A_1921, %swap3A_1922, %swap3A_1923] {strides = array<i32>} : memref<12x8x128xf32, #tpu.memory_space<vmem>>, vector<1x1x16xf32>,
      %swap3A_1925 = vector.shape_cast %swap3A_1924 : vector<1x1x16xf32> to vector<16xf32>
      %swap3A_1926 = vector.shape_cast %get3A_351 : vector<16xf32> to vector<1x1x16xf32>
      tpu.vector_store %arg4[%swap3A_1921, %swap3A_1922, %swap3A_1923], %swap3A_1926 {strides = array<i32>} : memref<12x8x128xf32, #tpu.memory_space<vmem>>, vector<1x1x16xf32>,
      %swap3A_1927 = arith.constant 6 : i32
      %swap3A_1928 = arith.index_cast %swap3A_1927 : i32 to index
      %swap3A_1929 = arith.index_cast %scan3A_1591 : i32 to index
      %swap3A_1930 = arith.constant 0 : index
      %swap3A_1931 = tpu.vector_load %arg4[%swap3A_1928, %swap3A_1929, %swap3A_1930] {strides = array<i32>} : memref<12x8x128xf32, #tpu.memory_space<vmem>>, vector<1x1x16xf32>,
      %swap3A_1932 = vector.shape_cast %swap3A_1931 : vector<1x1x16xf32> to vector<16xf32>
      %swap3A_1933 = vector.shape_cast %get3A_358 : vector<16xf32> to vector<1x1x16xf32>
      tpu.vector_store %arg4[%swap3A_1928, %swap3A_1929, %swap3A_1930], %swap3A_1933 {strides = array<i32>} : memref<12x8x128xf32, #tpu.memory_space<vmem>>, vector<1x1x16xf32>,
      %swap3A_1934 = arith.constant 6 : i32
      %swap3A_1935 = arith.index_cast %swap3A_1934 : i32 to index
      %swap3A_1936 = arith.index_cast %scan3A_1591 : i32 to index
      %swap3A_1937 = arith.constant 16 : index
      %swap3A_1938 = tpu.vector_load %arg4[%swap3A_1935, %swap3A_1936, %swap3A_1937] {strides = array<i32>} : memref<12x8x128xf32, #tpu.memory_space<vmem>>, vector<1x1x16xf32>,
      %swap3A_1939 = vector.shape_cast %swap3A_1938 : vector<1x1x16xf32> to vector<16xf32>
      %swap3A_1940 = vector.shape_cast %get3A_365 : vector<16xf32> to vector<1x1x16xf32>
      tpu.vector_store %arg4[%swap3A_1935, %swap3A_1936, %swap3A_1937], %swap3A_1940 {strides = array<i32>} : memref<12x8x128xf32, #tpu.memory_space<vmem>>, vector<1x1x16xf32>,
      %swap3A_1941 = arith.constant 6 : i32
      %swap3A_1942 = arith.index_cast %swap3A_1941 : i32 to index
      %swap3A_1943 = arith.index_cast %scan3A_1591 : i32 to index
      %swap3A_1944 = arith.constant 32 : index
      %swap3A_1945 = tpu.vector_load %arg4[%swap3A_1942, %swap3A_1943, %swap3A_1944] {strides = array<i32>} : memref<12x8x128xf32, #tpu.memory_space<vmem>>, vector<1x1x16xf32>,
      %swap3A_1946 = vector.shape_cast %swap3A_1945 : vector<1x1x16xf32> to vector<16xf32>
      %swap3A_1947 = vector.shape_cast %get3A_372 : vector<16xf32> to vector<1x1x16xf32>
      tpu.vector_store %arg4[%swap3A_1942, %swap3A_1943, %swap3A_1944], %swap3A_1947 {strides = array<i32>} : memref<12x8x128xf32, #tpu.memory_space<vmem>>, vector<1x1x16xf32>,
      %swap3A_1948 = arith.constant 6 : i32
      %swap3A_1949 = arith.index_cast %swap3A_1948 : i32 to index
      %swap3A_1950 = arith.index_cast %scan3A_1591 : i32 to index
      %swap3A_1951 = arith.constant 48 : index
      %swap3A_1952 = tpu.vector_load %arg4[%swap3A_1949, %swap3A_1950, %swap3A_1951] {strides = array<i32>} : memref<12x8x128xf32, #tpu.memory_space<vmem>>, vector<1x1x16xf32>,
      %swap3A_1953 = vector.shape_cast %swap3A_1952 : vector<1x1x16xf32> to vector<16xf32>
      %swap3A_1954 = vector.shape_cast %get3A_379 : vector<16xf32> to vector<1x1x16xf32>
      tpu.vector_store %arg4[%swap3A_1949, %swap3A_1950, %swap3A_1951], %swap3A_1954 {strides = array<i32>} : memref<12x8x128xf32, #tpu.memory_space<vmem>>, vector<1x1x16xf32>,
      %swap3A_1955 = arith.constant 6 : i32
      %swap3A_1956 = arith.index_cast %swap3A_1955 : i32 to index
      %swap3A_1957 = arith.index_cast %scan3A_1591 : i32 to index
      %swap3A_1958 = arith.constant 64 : index
      %swap3A_1959 = tpu.vector_load %arg4[%swap3A_1956, %swap3A_1957, %swap3A_1958] {strides = array<i32>} : memref<12x8x128xf32, #tpu.memory_space<vmem>>, vector<1x1x16xf32>,
      %swap3A_1960 = vector.shape_cast %swap3A_1959 : vector<1x1x16xf32> to vector<16xf32>
      %swap3A_1961 = vector.shape_cast %get3A_386 : vector<16xf32> to vector<1x1x16xf32>
      tpu.vector_store %arg4[%swap3A_1956, %swap3A_1957, %swap3A_1958], %swap3A_1961 {strides = array<i32>} : memref<12x8x128xf32, #tpu.memory_space<vmem>>, vector<1x1x16xf32>,
      %swap3A_1962 = arith.constant 6 : i32
      %swap3A_1963 = arith.index_cast %swap3A_1962 : i32 to index
      %swap3A_1964 = arith.index_cast %scan3A_1591 : i32 to index
      %swap3A_1965 = arith.constant 80 : index
      %swap3A_1966 = tpu.vector_load %arg4[%swap3A_1963, %swap3A_1964, %swap3A_1965] {strides = array<i32>} : memref<12x8x128xf32, #tpu.memory_space<vmem>>, vector<1x1x16xf32>,
      %swap3A_1967 = vector.shape_cast %swap3A_1966 : vector<1x1x16xf32> to vector<16xf32>
      %swap3A_1968 = vector.shape_cast %get3A_393 : vector<16xf32> to vector<1x1x16xf32>
      tpu.vector_store %arg4[%swap3A_1963, %swap3A_1964, %swap3A_1965], %swap3A_1968 {strides = array<i32>} : memref<12x8x128xf32, #tpu.memory_space<vmem>>, vector<1x1x16xf32>,
      %swap3A_1969 = arith.constant 6 : i32
      %swap3A_1970 = arith.index_cast %swap3A_1969 : i32 to index
      %swap3A_1971 = arith.index_cast %scan3A_1591 : i32 to index
      %swap3A_1972 = arith.constant 96 : index
      %swap3A_1973 = tpu.vector_load %arg4[%swap3A_1970, %swap3A_1971, %swap3A_1972] {strides = array<i32>} : memref<12x8x128xf32, #tpu.memory_space<vmem>>, vector<1x1x16xf32>,
      %swap3A_1974 = vector.shape_cast %swap3A_1973 : vector<1x1x16xf32> to vector<16xf32>
      %swap3A_1975 = vector.shape_cast %get3A_400 : vector<16xf32> to vector<1x1x16xf32>
      tpu.vector_store %arg4[%swap3A_1970, %swap3A_1971, %swap3A_1972], %swap3A_1975 {strides = array<i32>} : memref<12x8x128xf32, #tpu.memory_space<vmem>>, vector<1x1x16xf32>,
      %swap3A_1976 = arith.constant 6 : i32
      %swap3A_1977 = arith.index_cast %swap3A_1976 : i32 to index
      %swap3A_1978 = arith.index_cast %scan3A_1591 : i32 to index
      %swap3A_1979 = arith.constant 112 : index
      %swap3A_1980 = tpu.vector_load %arg4[%swap3A_1977, %swap3A_1978, %swap3A_1979] {strides = array<i32>} : memref<12x8x128xf32, #tpu.memory_space<vmem>>, vector<1x1x16xf32>,
      %swap3A_1981 = vector.shape_cast %swap3A_1980 : vector<1x1x16xf32> to vector<16xf32>
      %swap3A_1982 = vector.shape_cast %get3A_407 : vector<16xf32> to vector<1x1x16xf32>
      tpu.vector_store %arg4[%swap3A_1977, %swap3A_1978, %swap3A_1979], %swap3A_1982 {strides = array<i32>} : memref<12x8x128xf32, #tpu.memory_space<vmem>>, vector<1x1x16xf32>,
      %swap3A_1983 = arith.constant 7 : i32
      %swap3A_1984 = arith.index_cast %swap3A_1983 : i32 to index
      %swap3A_1985 = arith.index_cast %scan3A_1591 : i32 to index
      %swap3A_1986 = arith.constant 0 : index
      %swap3A_1987 = tpu.vector_load %arg4[%swap3A_1984, %swap3A_1985, %swap3A_1986] {strides = array<i32>} : memref<12x8x128xf32, #tpu.memory_space<vmem>>, vector<1x1x16xf32>,
      %swap3A_1988 = vector.shape_cast %swap3A_1987 : vector<1x1x16xf32> to vector<16xf32>
      %swap3A_1989 = vector.shape_cast %get3A_414 : vector<16xf32> to vector<1x1x16xf32>
      tpu.vector_store %arg4[%swap3A_1984, %swap3A_1985, %swap3A_1986], %swap3A_1989 {strides = array<i32>} : memref<12x8x128xf32, #tpu.memory_space<vmem>>, vector<1x1x16xf32>,
      %swap3A_1990 = arith.constant 7 : i32
      %swap3A_1991 = arith.index_cast %swap3A_1990 : i32 to index
      %swap3A_1992 = arith.index_cast %scan3A_1591 : i32 to index
      %swap3A_1993 = arith.constant 16 : index
      %swap3A_1994 = tpu.vector_load %arg4[%swap3A_1991, %swap3A_1992, %swap3A_1993] {strides = array<i32>} : memref<12x8x128xf32, #tpu.memory_space<vmem>>, vector<1x1x16xf32>,
      %swap3A_1995 = vector.shape_cast %swap3A_1994 : vector<1x1x16xf32> to vector<16xf32>
      %swap3A_1996 = vector.shape_cast %get3A_421 : vector<16xf32> to vector<1x1x16xf32>
      tpu.vector_store %arg4[%swap3A_1991, %swap3A_1992, %swap3A_1993], %swap3A_1996 {strides = array<i32>} : memref<12x8x128xf32, #tpu.memory_space<vmem>>, vector<1x1x16xf32>,
      %swap3A_1997 = arith.constant 7 : i32
      %swap3A_1998 = arith.index_cast %swap3A_1997 : i32 to index
      %swap3A_1999 = arith.index_cast %scan3A_1591 : i32 to index
      %swap3A_2000 = arith.constant 32 : index
      %swap3A_2001 = tpu.vector_load %arg4[%swap3A_1998, %swap3A_1999, %swap3A_2000] {strides = array<i32>} : memref<12x8x128xf32, #tpu.memory_space<vmem>>, vector<1x1x16xf32>,
      %swap3A_2002 = vector.shape_cast %swap3A_2001 : vector<1x1x16xf32> to vector<16xf32>
      %swap3A_2003 = vector.shape_cast %get3A_428 : vector<16xf32> to vector<1x1x16xf32>
      tpu.vector_store %arg4[%swap3A_1998, %swap3A_1999, %swap3A_2000], %swap3A_2003 {strides = array<i32>} : memref<12x8x128xf32, #tpu.memory_space<vmem>>, vector<1x1x16xf32>,
      %swap3A_2004 = arith.constant 7 : i32
      %swap3A_2005 = arith.index_cast %swap3A_2004 : i32 to index
      %swap3A_2006 = arith.index_cast %scan3A_1591 : i32 to index
      %swap3A_2007 = arith.constant 48 : index
      %swap3A_2008 = tpu.vector_load %arg4[%swap3A_2005, %swap3A_2006, %swap3A_2007] {strides = array<i32>} : memref<12x8x128xf32, #tpu.memory_space<vmem>>, vector<1x1x16xf32>,
      %swap3A_2009 = vector.shape_cast %swap3A_2008 : vector<1x1x16xf32> to vector<16xf32>
      %swap3A_2010 = vector.shape_cast %get3A_435 : vector<16xf32> to vector<1x1x16xf32>
      tpu.vector_store %arg4[%swap3A_2005, %swap3A_2006, %swap3A_2007], %swap3A_2010 {strides = array<i32>} : memref<12x8x128xf32, #tpu.memory_space<vmem>>, vector<1x1x16xf32>,
      %swap3A_2011 = arith.constant 7 : i32
      %swap3A_2012 = arith.index_cast %swap3A_2011 : i32 to index
      %swap3A_2013 = arith.index_cast %scan3A_1591 : i32 to index
      %swap3A_2014 = arith.constant 64 : index
      %swap3A_2015 = tpu.vector_load %arg4[%swap3A_2012, %swap3A_2013, %swap3A_2014] {strides = array<i32>} : memref<12x8x128xf32, #tpu.memory_space<vmem>>, vector<1x1x16xf32>,
      %swap3A_2016 = vector.shape_cast %swap3A_2015 : vector<1x1x16xf32> to vector<16xf32>
      %swap3A_2017 = vector.shape_cast %get3A_442 : vector<16xf32> to vector<1x1x16xf32>
      tpu.vector_store %arg4[%swap3A_2012, %swap3A_2013, %swap3A_2014], %swap3A_2017 {strides = array<i32>} : memref<12x8x128xf32, #tpu.memory_space<vmem>>, vector<1x1x16xf32>,
      %swap3A_2018 = arith.constant 7 : i32
      %swap3A_2019 = arith.index_cast %swap3A_2018 : i32 to index
      %swap3A_2020 = arith.index_cast %scan3A_1591 : i32 to index
      %swap3A_2021 = arith.constant 80 : index
      %swap3A_2022 = tpu.vector_load %arg4[%swap3A_2019, %swap3A_2020, %swap3A_2021] {strides = array<i32>} : memref<12x8x128xf32, #tpu.memory_space<vmem>>, vector<1x1x16xf32>,
      %swap3A_2023 = vector.shape_cast %swap3A_2022 : vector<1x1x16xf32> to vector<16xf32>
      %swap3A_2024 = vector.shape_cast %get3A_449 : vector<16xf32> to vector<1x1x16xf32>
      tpu.vector_store %arg4[%swap3A_2019, %swap3A_2020, %swap3A_2021], %swap3A_2024 {strides = array<i32>} : memref<12x8x128xf32, #tpu.memory_space<vmem>>, vector<1x1x16xf32>,
      %swap3A_2025 = arith.constant 7 : i32
      %swap3A_2026 = arith.index_cast %swap3A_2025 : i32 to index
      %swap3A_2027 = arith.index_cast %scan3A_1591 : i32 to index
      %swap3A_2028 = arith.constant 96 : index
      %swap3A_2029 = tpu.vector_load %arg4[%swap3A_2026, %swap3A_2027, %swap3A_2028] {strides = array<i32>} : memref<12x8x128xf32, #tpu.memory_space<vmem>>, vector<1x1x16xf32>,
      %swap3A_2030 = vector.shape_cast %swap3A_2029 : vector<1x1x16xf32> to vector<16xf32>
      %swap3A_2031 = vector.shape_cast %get3A_456 : vector<16xf32> to vector<1x1x16xf32>
      tpu.vector_store %arg4[%swap3A_2026, %swap3A_2027, %swap3A_2028], %swap3A_2031 {strides = array<i32>} : memref<12x8x128xf32, #tpu.memory_space<vmem>>, vector<1x1x16xf32>,
      %swap3A_2032 = arith.constant 7 : i32
      %swap3A_2033 = arith.index_cast %swap3A_2032 : i32 to index
      %swap3A_2034 = arith.index_cast %scan3A_1591 : i32 to index
      %swap3A_2035 = arith.constant 112 : index
      %swap3A_2036 = tpu.vector_load %arg4[%swap3A_2033, %swap3A_2034, %swap3A_2035] {strides = array<i32>} : memref<12x8x128xf32, #tpu.memory_space<vmem>>, vector<1x1x16xf32>,
      %swap3A_2037 = vector.shape_cast %swap3A_2036 : vector<1x1x16xf32> to vector<16xf32>
      %swap3A_2038 = vector.shape_cast %get3A_463 : vector<16xf32> to vector<1x1x16xf32>
      tpu.vector_store %arg4[%swap3A_2033, %swap3A_2034, %swap3A_2035], %swap3A_2038 {strides = array<i32>} : memref<12x8x128xf32, #tpu.memory_space<vmem>>, vector<1x1x16xf32>,
      %swap3A_2039 = arith.constant 8 : i32
      %swap3A_2040 = arith.index_cast %swap3A_2039 : i32 to index
      %swap3A_2041 = arith.index_cast %scan3A_1591 : i32 to index
      %swap3A_2042 = arith.constant 0 : index
      %swap3A_2043 = tpu.vector_load %arg4[%swap3A_2040, %swap3A_2041, %swap3A_2042] {strides = array<i32>} : memref<12x8x128xf32, #tpu.memory_space<vmem>>, vector<1x1x16xf32>,
      %swap3A_2044 = vector.shape_cast %swap3A_2043 : vector<1x1x16xf32> to vector<16xf32>
      %swap3A_2045 = vector.shape_cast %get3A_470 : vector<16xf32> to vector<1x1x16xf32>
      tpu.vector_store %arg4[%swap3A_2040, %swap3A_2041, %swap3A_2042], %swap3A_2045 {strides = array<i32>} : memref<12x8x128xf32, #tpu.memory_space<vmem>>, vector<1x1x16xf32>,
      %swap3A_2046 = arith.constant 8 : i32
      %swap3A_2047 = arith.index_cast %swap3A_2046 : i32 to index
      %swap3A_2048 = arith.index_cast %scan3A_1591 : i32 to index
      %swap3A_2049 = arith.constant 16 : index
      %swap3A_2050 = tpu.vector_load %arg4[%swap3A_2047, %swap3A_2048, %swap3A_2049] {strides = array<i32>} : memref<12x8x128xf32, #tpu.memory_space<vmem>>, vector<1x1x16xf32>,
      %swap3A_2051 = vector.shape_cast %swap3A_2050 : vector<1x1x16xf32> to vector<16xf32>
      %swap3A_2052 = vector.shape_cast %get3A_477 : vector<16xf32> to vector<1x1x16xf32>
      tpu.vector_store %arg4[%swap3A_2047, %swap3A_2048, %swap3A_2049], %swap3A_2052 {strides = array<i32>} : memref<12x8x128xf32, #tpu.memory_space<vmem>>, vector<1x1x16xf32>,
      %swap3A_2053 = arith.constant 8 : i32
      %swap3A_2054 = arith.index_cast %swap3A_2053 : i32 to index
      %swap3A_2055 = arith.index_cast %scan3A_1591 : i32 to index
      %swap3A_2056 = arith.constant 32 : index
      %swap3A_2057 = tpu.vector_load %arg4[%swap3A_2054, %swap3A_2055, %swap3A_2056] {strides = array<i32>} : memref<12x8x128xf32, #tpu.memory_space<vmem>>, vector<1x1x16xf32>,
      %swap3A_2058 = vector.shape_cast %swap3A_2057 : vector<1x1x16xf32> to vector<16xf32>
      %swap3A_2059 = vector.shape_cast %get3A_484 : vector<16xf32> to vector<1x1x16xf32>
      tpu.vector_store %arg4[%swap3A_2054, %swap3A_2055, %swap3A_2056], %swap3A_2059 {strides = array<i32>} : memref<12x8x128xf32, #tpu.memory_space<vmem>>, vector<1x1x16xf32>,
      %swap3A_2060 = arith.constant 8 : i32
      %swap3A_2061 = arith.index_cast %swap3A_2060 : i32 to index
      %swap3A_2062 = arith.index_cast %scan3A_1591 : i32 to index
      %swap3A_2063 = arith.constant 48 : index
      %swap3A_2064 = tpu.vector_load %arg4[%swap3A_2061, %swap3A_2062, %swap3A_2063] {strides = array<i32>} : memref<12x8x128xf32, #tpu.memory_space<vmem>>, vector<1x1x16xf32>,
      %swap3A_2065 = vector.shape_cast %swap3A_2064 : vector<1x1x16xf32> to vector<16xf32>
      %swap3A_2066 = vector.shape_cast %get3A_491 : vector<16xf32> to vector<1x1x16xf32>
      tpu.vector_store %arg4[%swap3A_2061, %swap3A_2062, %swap3A_2063], %swap3A_2066 {strides = array<i32>} : memref<12x8x128xf32, #tpu.memory_space<vmem>>, vector<1x1x16xf32>,
      %swap3A_2067 = arith.constant 8 : i32
      %swap3A_2068 = arith.index_cast %swap3A_2067 : i32 to index
      %swap3A_2069 = arith.index_cast %scan3A_1591 : i32 to index
      %swap3A_2070 = arith.constant 64 : index
      %swap3A_2071 = tpu.vector_load %arg4[%swap3A_2068, %swap3A_2069, %swap3A_2070] {strides = array<i32>} : memref<12x8x128xf32, #tpu.memory_space<vmem>>, vector<1x1x16xf32>,
      %swap3A_2072 = vector.shape_cast %swap3A_2071 : vector<1x1x16xf32> to vector<16xf32>
      %swap3A_2073 = vector.shape_cast %get3A_498 : vector<16xf32> to vector<1x1x16xf32>
      tpu.vector_store %arg4[%swap3A_2068, %swap3A_2069, %swap3A_2070], %swap3A_2073 {strides = array<i32>} : memref<12x8x128xf32, #tpu.memory_space<vmem>>, vector<1x1x16xf32>,
      %swap3A_2074 = arith.constant 8 : i32
      %swap3A_2075 = arith.index_cast %swap3A_2074 : i32 to index
      %swap3A_2076 = arith.index_cast %scan3A_1591 : i32 to index
      %swap3A_2077 = arith.constant 80 : index
      %swap3A_2078 = tpu.vector_load %arg4[%swap3A_2075, %swap3A_2076, %swap3A_2077] {strides = array<i32>} : memref<12x8x128xf32, #tpu.memory_space<vmem>>, vector<1x1x16xf32>,
      %swap3A_2079 = vector.shape_cast %swap3A_2078 : vector<1x1x16xf32> to vector<16xf32>
      %swap3A_2080 = vector.shape_cast %get3A_505 : vector<16xf32> to vector<1x1x16xf32>
      tpu.vector_store %arg4[%swap3A_2075, %swap3A_2076, %swap3A_2077], %swap3A_2080 {strides = array<i32>} : memref<12x8x128xf32, #tpu.memory_space<vmem>>, vector<1x1x16xf32>,
      %swap3A_2081 = arith.constant 8 : i32
      %swap3A_2082 = arith.index_cast %swap3A_2081 : i32 to index
      %swap3A_2083 = arith.index_cast %scan3A_1591 : i32 to index
      %swap3A_2084 = arith.constant 96 : index
      %swap3A_2085 = tpu.vector_load %arg4[%swap3A_2082, %swap3A_2083, %swap3A_2084] {strides = array<i32>} : memref<12x8x128xf32, #tpu.memory_space<vmem>>, vector<1x1x16xf32>,
      %swap3A_2086 = vector.shape_cast %swap3A_2085 : vector<1x1x16xf32> to vector<16xf32>
      %swap3A_2087 = vector.shape_cast %get3A_512 : vector<16xf32> to vector<1x1x16xf32>
      tpu.vector_store %arg4[%swap3A_2082, %swap3A_2083, %swap3A_2084], %swap3A_2087 {strides = array<i32>} : memref<12x8x128xf32, #tpu.memory_space<vmem>>, vector<1x1x16xf32>,
      %swap3A_2088 = arith.constant 8 : i32
      %swap3A_2089 = arith.index_cast %swap3A_2088 : i32 to index
      %swap3A_2090 = arith.index_cast %scan3A_1591 : i32 to index
      %swap3A_2091 = arith.constant 112 : index
      %swap3A_2092 = tpu.vector_load %arg4[%swap3A_2089, %swap3A_2090, %swap3A_2091] {strides = array<i32>} : memref<12x8x128xf32, #tpu.memory_space<vmem>>, vector<1x1x16xf32>,
      %swap3A_2093 = vector.shape_cast %swap3A_2092 : vector<1x1x16xf32> to vector<16xf32>
      %swap3A_2094 = vector.shape_cast %get3A_519 : vector<16xf32> to vector<1x1x16xf32>
      tpu.vector_store %arg4[%swap3A_2089, %swap3A_2090, %swap3A_2091], %swap3A_2094 {strides = array<i32>} : memref<12x8x128xf32, #tpu.memory_space<vmem>>, vector<1x1x16xf32>,
      %swap3A_2095 = arith.constant 9 : i32
      %swap3A_2096 = arith.index_cast %swap3A_2095 : i32 to index
      %swap3A_2097 = arith.index_cast %scan3A_1591 : i32 to index
      %swap3A_2098 = arith.constant 0 : index
      %swap3A_2099 = tpu.vector_load %arg4[%swap3A_2096, %swap3A_2097, %swap3A_2098] {strides = array<i32>} : memref<12x8x128xf32, #tpu.memory_space<vmem>>, vector<1x1x16xf32>,
      %swap3A_2100 = vector.shape_cast %swap3A_2099 : vector<1x1x16xf32> to vector<16xf32>
      %swap3A_2101 = vector.shape_cast %get3A_526 : vector<16xf32> to vector<1x1x16xf32>
      tpu.vector_store %arg4[%swap3A_2096, %swap3A_2097, %swap3A_2098], %swap3A_2101 {strides = array<i32>} : memref<12x8x128xf32, #tpu.memory_space<vmem>>, vector<1x1x16xf32>,
      %swap3A_2102 = arith.constant 9 : i32
      %swap3A_2103 = arith.index_cast %swap3A_2102 : i32 to index
      %swap3A_2104 = arith.index_cast %scan3A_1591 : i32 to index
      %swap3A_2105 = arith.constant 16 : index
      %swap3A_2106 = tpu.vector_load %arg4[%swap3A_2103, %swap3A_2104, %swap3A_2105] {strides = array<i32>} : memref<12x8x128xf32, #tpu.memory_space<vmem>>, vector<1x1x16xf32>,
      %swap3A_2107 = vector.shape_cast %swap3A_2106 : vector<1x1x16xf32> to vector<16xf32>
      %swap3A_2108 = vector.shape_cast %get3A_533 : vector<16xf32> to vector<1x1x16xf32>
      tpu.vector_store %arg4[%swap3A_2103, %swap3A_2104, %swap3A_2105], %swap3A_2108 {strides = array<i32>} : memref<12x8x128xf32, #tpu.memory_space<vmem>>, vector<1x1x16xf32>,
      %swap3A_2109 = arith.constant 9 : i32
      %swap3A_2110 = arith.index_cast %swap3A_2109 : i32 to index
      %swap3A_2111 = arith.index_cast %scan3A_1591 : i32 to index
      %swap3A_2112 = arith.constant 32 : index
      %swap3A_2113 = tpu.vector_load %arg4[%swap3A_2110, %swap3A_2111, %swap3A_2112] {strides = array<i32>} : memref<12x8x128xf32, #tpu.memory_space<vmem>>, vector<1x1x16xf32>,
      %swap3A_2114 = vector.shape_cast %swap3A_2113 : vector<1x1x16xf32> to vector<16xf32>
      %swap3A_2115 = vector.shape_cast %get3A_540 : vector<16xf32> to vector<1x1x16xf32>
      tpu.vector_store %arg4[%swap3A_2110, %swap3A_2111, %swap3A_2112], %swap3A_2115 {strides = array<i32>} : memref<12x8x128xf32, #tpu.memory_space<vmem>>, vector<1x1x16xf32>,
      %swap3A_2116 = arith.constant 9 : i32
      %swap3A_2117 = arith.index_cast %swap3A_2116 : i32 to index
      %swap3A_2118 = arith.index_cast %scan3A_1591 : i32 to index
      %swap3A_2119 = arith.constant 48 : index
      %swap3A_2120 = tpu.vector_load %arg4[%swap3A_2117, %swap3A_2118, %swap3A_2119] {strides = array<i32>} : memref<12x8x128xf32, #tpu.memory_space<vmem>>, vector<1x1x16xf32>,
      %swap3A_2121 = vector.shape_cast %swap3A_2120 : vector<1x1x16xf32> to vector<16xf32>
      %swap3A_2122 = vector.shape_cast %get3A_547 : vector<16xf32> to vector<1x1x16xf32>
      tpu.vector_store %arg4[%swap3A_2117, %swap3A_2118, %swap3A_2119], %swap3A_2122 {strides = array<i32>} : memref<12x8x128xf32, #tpu.memory_space<vmem>>, vector<1x1x16xf32>,
      %swap3A_2123 = arith.constant 9 : i32
      %swap3A_2124 = arith.index_cast %swap3A_2123 : i32 to index
      %swap3A_2125 = arith.index_cast %scan3A_1591 : i32 to index
      %swap3A_2126 = arith.constant 64 : index
      %swap3A_2127 = tpu.vector_load %arg4[%swap3A_2124, %swap3A_2125, %swap3A_2126] {strides = array<i32>} : memref<12x8x128xf32, #tpu.memory_space<vmem>>, vector<1x1x16xf32>,
      %swap3A_2128 = vector.shape_cast %swap3A_2127 : vector<1x1x16xf32> to vector<16xf32>
      %swap3A_2129 = vector.shape_cast %get3A_554 : vector<16xf32> to vector<1x1x16xf32>
      tpu.vector_store %arg4[%swap3A_2124, %swap3A_2125, %swap3A_2126], %swap3A_2129 {strides = array<i32>} : memref<12x8x128xf32, #tpu.memory_space<vmem>>, vector<1x1x16xf32>,
      %swap3A_2130 = arith.constant 9 : i32
      %swap3A_2131 = arith.index_cast %swap3A_2130 : i32 to index
      %swap3A_2132 = arith.index_cast %scan3A_1591 : i32 to index
      %swap3A_2133 = arith.constant 80 : index
      %swap3A_2134 = tpu.vector_load %arg4[%swap3A_2131, %swap3A_2132, %swap3A_2133] {strides = array<i32>} : memref<12x8x128xf32, #tpu.memory_space<vmem>>, vector<1x1x16xf32>,
      %swap3A_2135 = vector.shape_cast %swap3A_2134 : vector<1x1x16xf32> to vector<16xf32>
      %swap3A_2136 = vector.shape_cast %get3A_561 : vector<16xf32> to vector<1x1x16xf32>
      tpu.vector_store %arg4[%swap3A_2131, %swap3A_2132, %swap3A_2133], %swap3A_2136 {strides = array<i32>} : memref<12x8x128xf32, #tpu.memory_space<vmem>>, vector<1x1x16xf32>,
      %swap3A_2137 = arith.constant 9 : i32
      %swap3A_2138 = arith.index_cast %swap3A_2137 : i32 to index
      %swap3A_2139 = arith.index_cast %scan3A_1591 : i32 to index
      %swap3A_2140 = arith.constant 96 : index
      %swap3A_2141 = tpu.vector_load %arg4[%swap3A_2138, %swap3A_2139, %swap3A_2140] {strides = array<i32>} : memref<12x8x128xf32, #tpu.memory_space<vmem>>, vector<1x1x16xf32>,
      %swap3A_2142 = vector.shape_cast %swap3A_2141 : vector<1x1x16xf32> to vector<16xf32>
      %swap3A_2143 = vector.shape_cast %get3A_568 : vector<16xf32> to vector<1x1x16xf32>
      tpu.vector_store %arg4[%swap3A_2138, %swap3A_2139, %swap3A_2140], %swap3A_2143 {strides = array<i32>} : memref<12x8x128xf32, #tpu.memory_space<vmem>>, vector<1x1x16xf32>,
      %swap3A_2144 = arith.constant 9 : i32
      %swap3A_2145 = arith.index_cast %swap3A_2144 : i32 to index
      %swap3A_2146 = arith.index_cast %scan3A_1591 : i32 to index
      %swap3A_2147 = arith.constant 112 : index
      %swap3A_2148 = tpu.vector_load %arg4[%swap3A_2145, %swap3A_2146, %swap3A_2147] {strides = array<i32>} : memref<12x8x128xf32, #tpu.memory_space<vmem>>, vector<1x1x16xf32>,
      %swap3A_2149 = vector.shape_cast %swap3A_2148 : vector<1x1x16xf32> to vector<16xf32>
      %swap3A_2150 = vector.shape_cast %get3A_575 : vector<16xf32> to vector<1x1x16xf32>
      tpu.vector_store %arg4[%swap3A_2145, %swap3A_2146, %swap3A_2147], %swap3A_2150 {strides = array<i32>} : memref<12x8x128xf32, #tpu.memory_space<vmem>>, vector<1x1x16xf32>,
      %swap3A_2151 = arith.constant 10 : i32
      %swap3A_2152 = arith.index_cast %swap3A_2151 : i32 to index
      %swap3A_2153 = arith.index_cast %scan3A_1591 : i32 to index
      %swap3A_2154 = arith.constant 0 : index
      %swap3A_2155 = tpu.vector_load %arg4[%swap3A_2152, %swap3A_2153, %swap3A_2154] {strides = array<i32>} : memref<12x8x128xf32, #tpu.memory_space<vmem>>, vector<1x1x16xf32>,
      %swap3A_2156 = vector.shape_cast %swap3A_2155 : vector<1x1x16xf32> to vector<16xf32>
      %swap3A_2157 = vector.shape_cast %get3A_582 : vector<16xf32> to vector<1x1x16xf32>
      tpu.vector_store %arg4[%swap3A_2152, %swap3A_2153, %swap3A_2154], %swap3A_2157 {strides = array<i32>} : memref<12x8x128xf32, #tpu.memory_space<vmem>>, vector<1x1x16xf32>,
      %swap3A_2158 = arith.constant 10 : i32
      %swap3A_2159 = arith.index_cast %swap3A_2158 : i32 to index
      %swap3A_2160 = arith.index_cast %scan3A_1591 : i32 to index
      %swap3A_2161 = arith.constant 16 : index
      %swap3A_2162 = tpu.vector_load %arg4[%swap3A_2159, %swap3A_2160, %swap3A_2161] {strides = array<i32>} : memref<12x8x128xf32, #tpu.memory_space<vmem>>, vector<1x1x16xf32>,
      %swap3A_2163 = vector.shape_cast %swap3A_2162 : vector<1x1x16xf32> to vector<16xf32>
      %swap3A_2164 = vector.shape_cast %get3A_589 : vector<16xf32> to vector<1x1x16xf32>
      tpu.vector_store %arg4[%swap3A_2159, %swap3A_2160, %swap3A_2161], %swap3A_2164 {strides = array<i32>} : memref<12x8x128xf32, #tpu.memory_space<vmem>>, vector<1x1x16xf32>,
      %swap3A_2165 = arith.constant 10 : i32
      %swap3A_2166 = arith.index_cast %swap3A_2165 : i32 to index
      %swap3A_2167 = arith.index_cast %scan3A_1591 : i32 to index
      %swap3A_2168 = arith.constant 32 : index
      %swap3A_2169 = tpu.vector_load %arg4[%swap3A_2166, %swap3A_2167, %swap3A_2168] {strides = array<i32>} : memref<12x8x128xf32, #tpu.memory_space<vmem>>, vector<1x1x16xf32>,
      %swap3A_2170 = vector.shape_cast %swap3A_2169 : vector<1x1x16xf32> to vector<16xf32>
      %swap3A_2171 = vector.shape_cast %get3A_596 : vector<16xf32> to vector<1x1x16xf32>
      tpu.vector_store %arg4[%swap3A_2166, %swap3A_2167, %swap3A_2168], %swap3A_2171 {strides = array<i32>} : memref<12x8x128xf32, #tpu.memory_space<vmem>>, vector<1x1x16xf32>,
      %swap3A_2172 = arith.constant 10 : i32
      %swap3A_2173 = arith.index_cast %swap3A_2172 : i32 to index
      %swap3A_2174 = arith.index_cast %scan3A_1591 : i32 to index
      %swap3A_2175 = arith.constant 48 : index
      %swap3A_2176 = tpu.vector_load %arg4[%swap3A_2173, %swap3A_2174, %swap3A_2175] {strides = array<i32>} : memref<12x8x128xf32, #tpu.memory_space<vmem>>, vector<1x1x16xf32>,
      %swap3A_2177 = vector.shape_cast %swap3A_2176 : vector<1x1x16xf32> to vector<16xf32>
      %swap3A_2178 = vector.shape_cast %get3A_603 : vector<16xf32> to vector<1x1x16xf32>
      tpu.vector_store %arg4[%swap3A_2173, %swap3A_2174, %swap3A_2175], %swap3A_2178 {strides = array<i32>} : memref<12x8x128xf32, #tpu.memory_space<vmem>>, vector<1x1x16xf32>,
      %swap3A_2179 = arith.constant 10 : i32
      %swap3A_2180 = arith.index_cast %swap3A_2179 : i32 to index
      %swap3A_2181 = arith.index_cast %scan3A_1591 : i32 to index
      %swap3A_2182 = arith.constant 64 : index
      %swap3A_2183 = tpu.vector_load %arg4[%swap3A_2180, %swap3A_2181, %swap3A_2182] {strides = array<i32>} : memref<12x8x128xf32, #tpu.memory_space<vmem>>, vector<1x1x16xf32>,
      %swap3A_2184 = vector.shape_cast %swap3A_2183 : vector<1x1x16xf32> to vector<16xf32>
      %swap3A_2185 = vector.shape_cast %get3A_610 : vector<16xf32> to vector<1x1x16xf32>
      tpu.vector_store %arg4[%swap3A_2180, %swap3A_2181, %swap3A_2182], %swap3A_2185 {strides = array<i32>} : memref<12x8x128xf32, #tpu.memory_space<vmem>>, vector<1x1x16xf32>,
      %swap3A_2186 = arith.constant 10 : i32
      %swap3A_2187 = arith.index_cast %swap3A_2186 : i32 to index
      %swap3A_2188 = arith.index_cast %scan3A_1591 : i32 to index
      %swap3A_2189 = arith.constant 80 : index
      %swap3A_2190 = tpu.vector_load %arg4[%swap3A_2187, %swap3A_2188, %swap3A_2189] {strides = array<i32>} : memref<12x8x128xf32, #tpu.memory_space<vmem>>, vector<1x1x16xf32>,
      %swap3A_2191 = vector.shape_cast %swap3A_2190 : vector<1x1x16xf32> to vector<16xf32>
      %swap3A_2192 = vector.shape_cast %get3A_617 : vector<16xf32> to vector<1x1x16xf32>
      tpu.vector_store %arg4[%swap3A_2187, %swap3A_2188, %swap3A_2189], %swap3A_2192 {strides = array<i32>} : memref<12x8x128xf32, #tpu.memory_space<vmem>>, vector<1x1x16xf32>,
      %swap3A_2193 = arith.constant 10 : i32
      %swap3A_2194 = arith.index_cast %swap3A_2193 : i32 to index
      %swap3A_2195 = arith.index_cast %scan3A_1591 : i32 to index
      %swap3A_2196 = arith.constant 96 : index
      %swap3A_2197 = tpu.vector_load %arg4[%swap3A_2194, %swap3A_2195, %swap3A_2196] {strides = array<i32>} : memref<12x8x128xf32, #tpu.memory_space<vmem>>, vector<1x1x16xf32>,
      %swap3A_2198 = vector.shape_cast %swap3A_2197 : vector<1x1x16xf32> to vector<16xf32>
      %swap3A_2199 = vector.shape_cast %get3A_624 : vector<16xf32> to vector<1x1x16xf32>
      tpu.vector_store %arg4[%swap3A_2194, %swap3A_2195, %swap3A_2196], %swap3A_2199 {strides = array<i32>} : memref<12x8x128xf32, #tpu.memory_space<vmem>>, vector<1x1x16xf32>,
      %swap3A_2200 = arith.constant 10 : i32
      %swap3A_2201 = arith.index_cast %swap3A_2200 : i32 to index
      %swap3A_2202 = arith.index_cast %scan3A_1591 : i32 to index
      %swap3A_2203 = arith.constant 112 : index
      %swap3A_2204 = tpu.vector_load %arg4[%swap3A_2201, %swap3A_2202, %swap3A_2203] {strides = array<i32>} : memref<12x8x128xf32, #tpu.memory_space<vmem>>, vector<1x1x16xf32>,
      %swap3A_2205 = vector.shape_cast %swap3A_2204 : vector<1x1x16xf32> to vector<16xf32>
      %swap3A_2206 = vector.shape_cast %get3A_631 : vector<16xf32> to vector<1x1x16xf32>
      tpu.vector_store %arg4[%swap3A_2201, %swap3A_2202, %swap3A_2203], %swap3A_2206 {strides = array<i32>} : memref<12x8x128xf32, #tpu.memory_space<vmem>>, vector<1x1x16xf32>,
      %swap3A_2207 = arith.constant 11 : i32
      %swap3A_2208 = arith.index_cast %swap3A_2207 : i32 to index
      %swap3A_2209 = arith.index_cast %scan3A_1591 : i32 to index
      %swap3A_2210 = arith.constant 0 : index
      %swap3A_2211 = tpu.vector_load %arg4[%swap3A_2208, %swap3A_2209, %swap3A_2210] {strides = array<i32>} : memref<12x8x128xf32, #tpu.memory_space<vmem>>, vector<1x1x16xf32>,
      %swap3A_2212 = vector.shape_cast %swap3A_2211 : vector<1x1x16xf32> to vector<16xf32>
      %swap3A_2213 = vector.shape_cast %get3A_638 : vector<16xf32> to vector<1x1x16xf32>
      tpu.vector_store %arg4[%swap3A_2208, %swap3A_2209, %swap3A_2210], %swap3A_2213 {strides = array<i32>} : memref<12x8x128xf32, #tpu.memory_space<vmem>>, vector<1x1x16xf32>,
      %swap3A_2214 = arith.constant 11 : i32
      %swap3A_2215 = arith.index_cast %swap3A_2214 : i32 to index
      %swap3A_2216 = arith.index_cast %scan3A_1591 : i32 to index
      %swap3A_2217 = arith.constant 16 : index
      %swap3A_2218 = tpu.vector_load %arg4[%swap3A_2215, %swap3A_2216, %swap3A_2217] {strides = array<i32>} : memref<12x8x128xf32, #tpu.memory_space<vmem>>, vector<1x1x16xf32>,
      %swap3A_2219 = vector.shape_cast %swap3A_2218 : vector<1x1x16xf32> to vector<16xf32>
      %swap3A_2220 = vector.shape_cast %get3A_645 : vector<16xf32> to vector<1x1x16xf32>
      tpu.vector_store %arg4[%swap3A_2215, %swap3A_2216, %swap3A_2217], %swap3A_2220 {strides = array<i32>} : memref<12x8x128xf32, #tpu.memory_space<vmem>>, vector<1x1x16xf32>,
      %swap3A_2221 = arith.constant 11 : i32
      %swap3A_2222 = arith.index_cast %swap3A_2221 : i32 to index
      %swap3A_2223 = arith.index_cast %scan3A_1591 : i32 to index
      %swap3A_2224 = arith.constant 32 : index
      %swap3A_2225 = tpu.vector_load %arg4[%swap3A_2222, %swap3A_2223, %swap3A_2224] {strides = array<i32>} : memref<12x8x128xf32, #tpu.memory_space<vmem>>, vector<1x1x16xf32>,
      %swap3A_2226 = vector.shape_cast %swap3A_2225 : vector<1x1x16xf32> to vector<16xf32>
      %swap3A_2227 = vector.shape_cast %get3A_652 : vector<16xf32> to vector<1x1x16xf32>
      tpu.vector_store %arg4[%swap3A_2222, %swap3A_2223, %swap3A_2224], %swap3A_2227 {strides = array<i32>} : memref<12x8x128xf32, #tpu.memory_space<vmem>>, vector<1x1x16xf32>,
      %swap3A_2228 = arith.constant 11 : i32
      %swap3A_2229 = arith.index_cast %swap3A_2228 : i32 to index
      %swap3A_2230 = arith.index_cast %scan3A_1591 : i32 to index
      %swap3A_2231 = arith.constant 48 : index
      %swap3A_2232 = tpu.vector_load %arg4[%swap3A_2229, %swap3A_2230, %swap3A_2231] {strides = array<i32>} : memref<12x8x128xf32, #tpu.memory_space<vmem>>, vector<1x1x16xf32>,
      %swap3A_2233 = vector.shape_cast %swap3A_2232 : vector<1x1x16xf32> to vector<16xf32>
      %swap3A_2234 = vector.shape_cast %get3A_659 : vector<16xf32> to vector<1x1x16xf32>
      tpu.vector_store %arg4[%swap3A_2229, %swap3A_2230, %swap3A_2231], %swap3A_2234 {strides = array<i32>} : memref<12x8x128xf32, #tpu.memory_space<vmem>>, vector<1x1x16xf32>,
      %swap3A_2235 = arith.constant 11 : i32
      %swap3A_2236 = arith.index_cast %swap3A_2235 : i32 to index
      %swap3A_2237 = arith.index_cast %scan3A_1591 : i32 to index
      %swap3A_2238 = arith.constant 64 : index
      %swap3A_2239 = tpu.vector_load %arg4[%swap3A_2236, %swap3A_2237, %swap3A_2238] {strides = array<i32>} : memref<12x8x128xf32, #tpu.memory_space<vmem>>, vector<1x1x16xf32>,
      %swap3A_2240 = vector.shape_cast %swap3A_2239 : vector<1x1x16xf32> to vector<16xf32>
      %swap3A_2241 = vector.shape_cast %get3A_666 : vector<16xf32> to vector<1x1x16xf32>
      tpu.vector_store %arg4[%swap3A_2236, %swap3A_2237, %swap3A_2238], %swap3A_2241 {strides = array<i32>} : memref<12x8x128xf32, #tpu.memory_space<vmem>>, vector<1x1x16xf32>,
      %swap3A_2242 = arith.constant 11 : i32
      %swap3A_2243 = arith.index_cast %swap3A_2242 : i32 to index
      %swap3A_2244 = arith.index_cast %scan3A_1591 : i32 to index
      %swap3A_2245 = arith.constant 80 : index
      %swap3A_2246 = tpu.vector_load %arg4[%swap3A_2243, %swap3A_2244, %swap3A_2245] {strides = array<i32>} : memref<12x8x128xf32, #tpu.memory_space<vmem>>, vector<1x1x16xf32>,
      %swap3A_2247 = vector.shape_cast %swap3A_2246 : vector<1x1x16xf32> to vector<16xf32>
      %swap3A_2248 = vector.shape_cast %get3A_673 : vector<16xf32> to vector<1x1x16xf32>
      tpu.vector_store %arg4[%swap3A_2243, %swap3A_2244, %swap3A_2245], %swap3A_2248 {strides = array<i32>} : memref<12x8x128xf32, #tpu.memory_space<vmem>>, vector<1x1x16xf32>,
      %swap3A_2249 = arith.constant 11 : i32
      %swap3A_2250 = arith.index_cast %swap3A_2249 : i32 to index
      %swap3A_2251 = arith.index_cast %scan3A_1591 : i32 to index
      %swap3A_2252 = arith.constant 96 : index
      %swap3A_2253 = tpu.vector_load %arg4[%swap3A_2250, %swap3A_2251, %swap3A_2252] {strides = array<i32>} : memref<12x8x128xf32, #tpu.memory_space<vmem>>, vector<1x1x16xf32>,
      %swap3A_2254 = vector.shape_cast %swap3A_2253 : vector<1x1x16xf32> to vector<16xf32>
      %swap3A_2255 = vector.shape_cast %get3A_680 : vector<16xf32> to vector<1x1x16xf32>
      tpu.vector_store %arg4[%swap3A_2250, %swap3A_2251, %swap3A_2252], %swap3A_2255 {strides = array<i32>} : memref<12x8x128xf32, #tpu.memory_space<vmem>>, vector<1x1x16xf32>,
      %swap3A_2256 = arith.constant 11 : i32
      %swap3A_2257 = arith.index_cast %swap3A_2256 : i32 to index
      %swap3A_2258 = arith.index_cast %scan3A_1591 : i32 to index
      %swap3A_2259 = arith.constant 112 : index
      %swap3A_2260 = tpu.vector_load %arg4[%swap3A_2257, %swap3A_2258, %swap3A_2259] {strides = array<i32>} : memref<12x8x128xf32, #tpu.memory_space<vmem>>, vector<1x1x16xf32>,
      %swap3A_2261 = vector.shape_cast %swap3A_2260 : vector<1x1x16xf32> to vector<16xf32>
      %swap3A_2262 = vector.shape_cast %get3A_687 : vector<16xf32> to vector<1x1x16xf32>
      tpu.vector_store %arg4[%swap3A_2257, %swap3A_2258, %swap3A_2259], %swap3A_2262 {strides = array<i32>} : memref<12x8x128xf32, #tpu.memory_space<vmem>>, vector<1x1x16xf32>,
    }
    %scan3A_692 = arith.constant 7 : i32
    %mul3A_693 = arith.constant 512 : i32
    %mul3A_694 = arith.muli %add3A, %mul3A_693 : i32
    %add3A_695 = arith.constant 0 : i32
    %add3A_696 = arith.addi %mul3A_694, %add3A_695 : i32
    %dma_start3A_697 = arith.constant 0 : i32
    %dma_start3A_698 = arith.constant 0 : i32
    %dma_start3A_699 = tpu.memref_slice %arg3[%dma_start3A_697, %add3A_696, %dma_start3A_698] : memref<12x16384x128xf32, #tpu.memory_space<hbm>> -> memref<12x8x128xf32, #tpu.memory_space<hbm>>
    %dma_start3A_700 = arith.constant 0 : i32
    %dma_start3A_701 = arith.constant 0 : i32
    %dma_start3A_702 = tpu.memref_slice %arg3[%dma_start3A_700, %add3A_696, %dma_start3A_701] : memref<12x16384x128xf32, #tpu.memory_space<hbm>> -> memref<12x8x128xf32, #tpu.memory_space<hbm>>
    tpu.enqueue_dma source(%arg4 : memref<12x8x128xf32, #tpu.memory_space<vmem>>) target(%dma_start3A_702 : memref<12x8x128xf32, #tpu.memory_space<hbm>>) target_semaphore(%arg5 : memref<!tpu.dma_semaphore, #tpu.memory_space<semaphore_mem>>)
    %add3A_703 = arith.constant 8 : i32
    %add3A_704 = arith.addi %mul3A_694, %add3A_703 : i32
    %dma_start3A_705 = arith.constant 0 : i32
    %dma_start3A_706 = arith.constant 0 : i32
    %dma_start3A_707 = tpu.memref_slice %arg3[%dma_start3A_705, %add3A_704, %dma_start3A_706] : memref<12x16384x128xf32, #tpu.memory_space<hbm>> -> memref<12x8x128xf32, #tpu.memory_space<hbm>>
    %dma_start3A_708 = arith.constant 0 : i32
    %dma_start3A_709 = arith.constant 0 : i32
    %dma_start3A_710 = tpu.memref_slice %arg3[%dma_start3A_708, %add3A_704, %dma_start3A_709] : memref<12x16384x128xf32, #tpu.memory_space<hbm>> -> memref<12x8x128xf32, #tpu.memory_space<hbm>>
    tpu.enqueue_dma source(%arg4 : memref<12x8x128xf32, #tpu.memory_space<vmem>>) target(%dma_start3A_710 : memref<12x8x128xf32, #tpu.memory_space<hbm>>) target_semaphore(%arg5 : memref<!tpu.dma_semaphore, #tpu.memory_space<semaphore_mem>>)
    %add3A_711 = arith.constant 16 : i32
    %add3A_712 = arith.addi %mul3A_694, %add3A_711 : i32
    %dma_start3A_713 = arith.constant 0 : i32
    %dma_start3A_714 = arith.constant 0 : i32
    %dma_start3A_715 = tpu.memref_slice %arg3[%dma_start3A_713, %add3A_712, %dma_start3A_714] : memref<12x16384x128xf32, #tpu.memory_space<hbm>> -> memref<12x8x128xf32, #tpu.memory_space<hbm>>
    %dma_start3A_716 = arith.constant 0 : i32
    %dma_start3A_717 = arith.constant 0 : i32
    %dma_start3A_718 = tpu.memref_slice %arg3[%dma_start3A_716, %add3A_712, %dma_start3A_717] : memref<12x16384x128xf32, #tpu.memory_space<hbm>> -> memref<12x8x128xf32, #tpu.memory_space<hbm>>
    tpu.enqueue_dma source(%arg4 : memref<12x8x128xf32, #tpu.memory_space<vmem>>) target(%dma_start3A_718 : memref<12x8x128xf32, #tpu.memory_space<hbm>>) target_semaphore(%arg5 : memref<!tpu.dma_semaphore, #tpu.memory_space<semaphore_mem>>)
    %add3A_719 = arith.constant 24 : i32
    %add3A_720 = arith.addi %mul3A_694, %add3A_719 : i32
    %dma_start3A_721 = arith.constant 0 : i32
    %dma_start3A_722 = arith.constant 0 : i32
    %dma_start3A_723 = tpu.memref_slice %arg3[%dma_start3A_721, %add3A_720, %dma_start3A_722] : memref<12x16384x128xf32, #tpu.memory_space<hbm>> -> memref<12x8x128xf32, #tpu.memory_space<hbm>>
    %dma_start3A_724 = arith.constant 0 : i32
    %dma_start3A_725 = arith.constant 0 : i32
    %dma_start3A_726 = tpu.memref_slice %arg3[%dma_start3A_724, %add3A_720, %dma_start3A_725] : memref<12x16384x128xf32, #tpu.memory_space<hbm>> -> memref<12x8x128xf32, #tpu.memory_space<hbm>>
    tpu.enqueue_dma source(%arg4 : memref<12x8x128xf32, #tpu.memory_space<vmem>>) target(%dma_start3A_726 : memref<12x8x128xf32, #tpu.memory_space<hbm>>) target_semaphore(%arg5 : memref<!tpu.dma_semaphore, #tpu.memory_space<semaphore_mem>>)
    %add3A_727 = arith.constant 32 : i32
    %add3A_728 = arith.addi %mul3A_694, %add3A_727 : i32
    %dma_start3A_729 = arith.constant 0 : i32
    %dma_start3A_730 = arith.constant 0 : i32
    %dma_start3A_731 = tpu.memref_slice %arg3[%dma_start3A_729, %add3A_728, %dma_start3A_730] : memref<12x16384x128xf32, #tpu.memory_space<hbm>> -> memref<12x8x128xf32, #tpu.memory_space<hbm>>
    %dma_start3A_732 = arith.constant 0 : i32
    %dma_start3A_733 = arith.constant 0 : i32
    %dma_start3A_734 = tpu.memref_slice %arg3[%dma_start3A_732, %add3A_728, %dma_start3A_733] : memref<12x16384x128xf32, #tpu.memory_space<hbm>> -> memref<12x8x128xf32, #tpu.memory_space<hbm>>
    tpu.enqueue_dma source(%arg4 : memref<12x8x128xf32, #tpu.memory_space<vmem>>) target(%dma_start3A_734 : memref<12x8x128xf32, #tpu.memory_space<hbm>>) target_semaphore(%arg5 : memref<!tpu.dma_semaphore, #tpu.memory_space<semaphore_mem>>)
    %add3A_735 = arith.constant 40 : i32
    %add3A_736 = arith.addi %mul3A_694, %add3A_735 : i32
    %dma_start3A_737 = arith.constant 0 : i32
    %dma_start3A_738 = arith.constant 0 : i32
    %dma_start3A_739 = tpu.memref_slice %arg3[%dma_start3A_737, %add3A_736, %dma_start3A_738] : memref<12x16384x128xf32, #tpu.memory_space<hbm>> -> memref<12x8x128xf32, #tpu.memory_space<hbm>>
    %dma_start3A_740 = arith.constant 0 : i32
    %dma_start3A_741 = arith.constant 0 : i32
    %dma_start3A_742 = tpu.memref_slice %arg3[%dma_start3A_740, %add3A_736, %dma_start3A_741] : memref<12x16384x128xf32, #tpu.memory_space<hbm>> -> memref<12x8x128xf32, #tpu.memory_space<hbm>>
    tpu.enqueue_dma source(%arg4 : memref<12x8x128xf32, #tpu.memory_space<vmem>>) target(%dma_start3A_742 : memref<12x8x128xf32, #tpu.memory_space<hbm>>) target_semaphore(%arg5 : memref<!tpu.dma_semaphore, #tpu.memory_space<semaphore_mem>>)
    %add3A_743 = arith.constant 48 : i32
    %add3A_744 = arith.addi %mul3A_694, %add3A_743 : i32
    %dma_start3A_745 = arith.constant 0 : i32
    %dma_start3A_746 = arith.constant 0 : i32
    %dma_start3A_747 = tpu.memref_slice %arg3[%dma_start3A_745, %add3A_744, %dma_start3A_746] : memref<12x16384x128xf32, #tpu.memory_space<hbm>> -> memref<12x8x128xf32, #tpu.memory_space<hbm>>
    %dma_start3A_748 = arith.constant 0 : i32
    %dma_start3A_749 = arith.constant 0 : i32
    %dma_start3A_750 = tpu.memref_slice %arg3[%dma_start3A_748, %add3A_744, %dma_start3A_749] : memref<12x16384x128xf32, #tpu.memory_space<hbm>> -> memref<12x8x128xf32, #tpu.memory_space<hbm>>
    tpu.enqueue_dma source(%arg4 : memref<12x8x128xf32, #tpu.memory_space<vmem>>) target(%dma_start3A_750 : memref<12x8x128xf32, #tpu.memory_space<hbm>>) target_semaphore(%arg5 : memref<!tpu.dma_semaphore, #tpu.memory_space<semaphore_mem>>)
    %add3A_751 = arith.constant 56 : i32
    %add3A_752 = arith.addi %mul3A_694, %add3A_751 : i32
    %dma_start3A_753 = arith.constant 0 : i32
    %dma_start3A_754 = arith.constant 0 : i32
    %dma_start3A_755 = tpu.memref_slice %arg3[%dma_start3A_753, %add3A_752, %dma_start3A_754] : memref<12x16384x128xf32, #tpu.memory_space<hbm>> -> memref<12x8x128xf32, #tpu.memory_space<hbm>>
    %dma_start3A_756 = arith.constant 0 : i32
    %dma_start3A_757 = arith.constant 0 : i32
    %dma_start3A_758 = tpu.memref_slice %arg3[%dma_start3A_756, %add3A_752, %dma_start3A_757] : memref<12x16384x128xf32, #tpu.memory_space<hbm>> -> memref<12x8x128xf32, #tpu.memory_space<hbm>>
    tpu.enqueue_dma source(%arg4 : memref<12x8x128xf32, #tpu.memory_space<vmem>>) target(%dma_start3A_758 : memref<12x8x128xf32, #tpu.memory_space<hbm>>) target_semaphore(%arg5 : memref<!tpu.dma_semaphore, #tpu.memory_space<semaphore_mem>>)
    %add3A_759 = arith.constant 64 : i32
    %add3A_760 = arith.addi %mul3A_694, %add3A_759 : i32
    %dma_start3A_761 = arith.constant 0 : i32
    %dma_start3A_762 = arith.constant 0 : i32
    %dma_start3A_763 = tpu.memref_slice %arg3[%dma_start3A_761, %add3A_760, %dma_start3A_762] : memref<12x16384x128xf32, #tpu.memory_space<hbm>> -> memref<12x8x128xf32, #tpu.memory_space<hbm>>
    %dma_start3A_764 = arith.constant 0 : i32
    %dma_start3A_765 = arith.constant 0 : i32
    %dma_start3A_766 = tpu.memref_slice %arg3[%dma_start3A_764, %add3A_760, %dma_start3A_765] : memref<12x16384x128xf32, #tpu.memory_space<hbm>> -> memref<12x8x128xf32, #tpu.memory_space<hbm>>
    tpu.enqueue_dma source(%arg4 : memref<12x8x128xf32, #tpu.memory_space<vmem>>) target(%dma_start3A_766 : memref<12x8x128xf32, #tpu.memory_space<hbm>>) target_semaphore(%arg5 : memref<!tpu.dma_semaphore, #tpu.memory_space<semaphore_mem>>)
    %add3A_767 = arith.constant 72 : i32
    %add3A_768 = arith.addi %mul3A_694, %add3A_767 : i32
    %dma_start3A_769 = arith.constant 0 : i32
    %dma_start3A_770 = arith.constant 0 : i32
    %dma_start3A_771 = tpu.memref_slice %arg3[%dma_start3A_769, %add3A_768, %dma_start3A_770] : memref<12x16384x128xf32, #tpu.memory_space<hbm>> -> memref<12x8x128xf32, #tpu.memory_space<hbm>>
    %dma_start3A_772 = arith.constant 0 : i32
    %dma_start3A_773 = arith.constant 0 : i32
    %dma_start3A_774 = tpu.memref_slice %arg3[%dma_start3A_772, %add3A_768, %dma_start3A_773] : memref<12x16384x128xf32, #tpu.memory_space<hbm>> -> memref<12x8x128xf32, #tpu.memory_space<hbm>>
    tpu.enqueue_dma source(%arg4 : memref<12x8x128xf32, #tpu.memory_space<vmem>>) target(%dma_start3A_774 : memref<12x8x128xf32, #tpu.memory_space<hbm>>) target_semaphore(%arg5 : memref<!tpu.dma_semaphore, #tpu.memory_space<semaphore_mem>>)
    %add3A_775 = arith.constant 80 : i32
    %add3A_776 = arith.addi %mul3A_694, %add3A_775 : i32
    %dma_start3A_777 = arith.constant 0 : i32
    %dma_start3A_778 = arith.constant 0 : i32
    %dma_start3A_779 = tpu.memref_slice %arg3[%dma_start3A_777, %add3A_776, %dma_start3A_778] : memref<12x16384x128xf32, #tpu.memory_space<hbm>> -> memref<12x8x128xf32, #tpu.memory_space<hbm>>
    %dma_start3A_780 = arith.constant 0 : i32
    %dma_start3A_781 = arith.constant 0 : i32
    %dma_start3A_782 = tpu.memref_slice %arg3[%dma_start3A_780, %add3A_776, %dma_start3A_781] : memref<12x16384x128xf32, #tpu.memory_space<hbm>> -> memref<12x8x128xf32, #tpu.memory_space<hbm>>
    tpu.enqueue_dma source(%arg4 : memref<12x8x128xf32, #tpu.memory_space<vmem>>) target(%dma_start3A_782 : memref<12x8x128xf32, #tpu.memory_space<hbm>>) target_semaphore(%arg5 : memref<!tpu.dma_semaphore, #tpu.memory_space<semaphore_mem>>)
    %add3A_783 = arith.constant 88 : i32
    %add3A_784 = arith.addi %mul3A_694, %add3A_783 : i32
    %dma_start3A_785 = arith.constant 0 : i32
    %dma_start3A_786 = arith.constant 0 : i32
    %dma_start3A_787 = tpu.memref_slice %arg3[%dma_start3A_785, %add3A_784, %dma_start3A_786] : memref<12x16384x128xf32, #tpu.memory_space<hbm>> -> memref<12x8x128xf32, #tpu.memory_space<hbm>>
    %dma_start3A_788 = arith.constant 0 : i32
    %dma_start3A_789 = arith.constant 0 : i32
    %dma_start3A_790 = tpu.memref_slice %arg3[%dma_start3A_788, %add3A_784, %dma_start3A_789] : memref<12x16384x128xf32, #tpu.memory_space<hbm>> -> memref<12x8x128xf32, #tpu.memory_space<hbm>>
    tpu.enqueue_dma source(%arg4 : memref<12x8x128xf32, #tpu.memory_space<vmem>>) target(%dma_start3A_790 : memref<12x8x128xf32, #tpu.memory_space<hbm>>) target_semaphore(%arg5 : memref<!tpu.dma_semaphore, #tpu.memory_space<semaphore_mem>>)
    %add3A_791 = arith.constant 96 : i32
    %add3A_792 = arith.addi %mul3A_694, %add3A_791 : i32
    %dma_start3A_793 = arith.constant 0 : i32
    %dma_start3A_794 = arith.constant 0 : i32
    %dma_start3A_795 = tpu.memref_slice %arg3[%dma_start3A_793, %add3A_792, %dma_start3A_794] : memref<12x16384x128xf32, #tpu.memory_space<hbm>> -> memref<12x8x128xf32, #tpu.memory_space<hbm>>
    %dma_start3A_796 = arith.constant 0 : i32
    %dma_start3A_797 = arith.constant 0 : i32
    %dma_start3A_798 = tpu.memref_slice %arg3[%dma_start3A_796, %add3A_792, %dma_start3A_797] : memref<12x16384x128xf32, #tpu.memory_space<hbm>> -> memref<12x8x128xf32, #tpu.memory_space<hbm>>
    tpu.enqueue_dma source(%arg4 : memref<12x8x128xf32, #tpu.memory_space<vmem>>) target(%dma_start3A_798 : memref<12x8x128xf32, #tpu.memory_space<hbm>>) target_semaphore(%arg5 : memref<!tpu.dma_semaphore, #tpu.memory_space<semaphore_mem>>)
    %add3A_799 = arith.constant 104 : i32
    %add3A_800 = arith.addi %mul3A_694, %add3A_799 : i32
    %dma_start3A_801 = arith.constant 0 : i32
    %dma_start3A_802 = arith.constant 0 : i32
    %dma_start3A_803 = tpu.memref_slice %arg3[%dma_start3A_801, %add3A_800, %dma_start3A_802] : memref<12x16384x128xf32, #tpu.memory_space<hbm>> -> memref<12x8x128xf32, #tpu.memory_space<hbm>>
    %dma_start3A_804 = arith.constant 0 : i32
    %dma_start3A_805 = arith.constant 0 : i32
    %dma_start3A_806 = tpu.memref_slice %arg3[%dma_start3A_804, %add3A_800, %dma_start3A_805] : memref<12x16384x128xf32, #tpu.memory_space<hbm>> -> memref<12x8x128xf32, #tpu.memory_space<hbm>>
    tpu.enqueue_dma source(%arg4 : memref<12x8x128xf32, #tpu.memory_space<vmem>>) target(%dma_start3A_806 : memref<12x8x128xf32, #tpu.memory_space<hbm>>) target_semaphore(%arg5 : memref<!tpu.dma_semaphore, #tpu.memory_space<semaphore_mem>>)
    %add3A_807 = arith.constant 112 : i32
    %add3A_808 = arith.addi %mul3A_694, %add3A_807 : i32
    %dma_start3A_809 = arith.constant 0 : i32
    %dma_start3A_810 = arith.constant 0 : i32
    %dma_start3A_811 = tpu.memref_slice %arg3[%dma_start3A_809, %add3A_808, %dma_start3A_810] : memref<12x16384x128xf32, #tpu.memory_space<hbm>> -> memref<12x8x128xf32, #tpu.memory_space<hbm>>
    %dma_start3A_812 = arith.constant 0 : i32
    %dma_start3A_813 = arith.constant 0 : i32
    %dma_start3A_814 = tpu.memref_slice %arg3[%dma_start3A_812, %add3A_808, %dma_start3A_813] : memref<12x16384x128xf32, #tpu.memory_space<hbm>> -> memref<12x8x128xf32, #tpu.memory_space<hbm>>
    tpu.enqueue_dma source(%arg4 : memref<12x8x128xf32, #tpu.memory_space<vmem>>) target(%dma_start3A_814 : memref<12x8x128xf32, #tpu.memory_space<hbm>>) target_semaphore(%arg5 : memref<!tpu.dma_semaphore, #tpu.memory_space<semaphore_mem>>)
    %add3A_815 = arith.constant 120 : i32
    %add3A_816 = arith.addi %mul3A_694, %add3A_815 : i32
    %dma_start3A_817 = arith.constant 0 : i32
    %dma_start3A_818 = arith.constant 0 : i32
    %dma_start3A_819 = tpu.memref_slice %arg3[%dma_start3A_817, %add3A_816, %dma_start3A_818] : memref<12x16384x128xf32, #tpu.memory_space<hbm>> -> memref<12x8x128xf32, #tpu.memory_space<hbm>>
    %dma_start3A_820 = arith.constant 0 : i32
    %dma_start3A_821 = arith.constant 0 : i32
    %dma_start3A_822 = tpu.memref_slice %arg3[%dma_start3A_820, %add3A_816, %dma_start3A_821] : memref<12x16384x128xf32, #tpu.memory_space<hbm>> -> memref<12x8x128xf32, #tpu.memory_space<hbm>>
    tpu.enqueue_dma source(%arg4 : memref<12x8x128xf32, #tpu.memory_space<vmem>>) target(%dma_start3A_822 : memref<12x8x128xf32, #tpu.memory_space<hbm>>) target_semaphore(%arg5 : memref<!tpu.dma_semaphore, #tpu.memory_space<semaphore_mem>>)
    %add3A_823 = arith.constant 128 : i32
    %add3A_824 = arith.addi %mul3A_694, %add3A_823 : i32
    %dma_start3A_825 = arith.constant 0 : i32
    %dma_start3A_826 = arith.constant 0 : i32
    %dma_start3A_827 = tpu.memref_slice %arg3[%dma_start3A_825, %add3A_824, %dma_start3A_826] : memref<12x16384x128xf32, #tpu.memory_space<hbm>> -> memref<12x8x128xf32, #tpu.memory_space<hbm>>
    %dma_start3A_828 = arith.constant 0 : i32
    %dma_start3A_829 = arith.constant 0 : i32
    %dma_start3A_830 = tpu.memref_slice %arg3[%dma_start3A_828, %add3A_824, %dma_start3A_829] : memref<12x16384x128xf32, #tpu.memory_space<hbm>> -> memref<12x8x128xf32, #tpu.memory_space<hbm>>
    tpu.enqueue_dma source(%arg4 : memref<12x8x128xf32, #tpu.memory_space<vmem>>) target(%dma_start3A_830 : memref<12x8x128xf32, #tpu.memory_space<hbm>>) target_semaphore(%arg5 : memref<!tpu.dma_semaphore, #tpu.memory_space<semaphore_mem>>)
    %add3A_831 = arith.constant 136 : i32
    %add3A_832 = arith.addi %mul3A_694, %add3A_831 : i32
    %dma_start3A_833 = arith.constant 0 : i32
    %dma_start3A_834 = arith.constant 0 : i32
    %dma_start3A_835 = tpu.memref_slice %arg3[%dma_start3A_833, %add3A_832, %dma_start3A_834] : memref<12x16384x128xf32, #tpu.memory_space<hbm>> -> memref<12x8x128xf32, #tpu.memory_space<hbm>>
    %dma_start3A_836 = arith.constant 0 : i32
    %dma_start3A_837 = arith.constant 0 : i32
    %dma_start3A_838 = tpu.memref_slice %arg3[%dma_start3A_836, %add3A_832, %dma_start3A_837] : memref<12x16384x128xf32, #tpu.memory_space<hbm>> -> memref<12x8x128xf32, #tpu.memory_space<hbm>>
    tpu.enqueue_dma source(%arg4 : memref<12x8x128xf32, #tpu.memory_space<vmem>>) target(%dma_start3A_838 : memref<12x8x128xf32, #tpu.memory_space<hbm>>) target_semaphore(%arg5 : memref<!tpu.dma_semaphore, #tpu.memory_space<semaphore_mem>>)
    %add3A_839 = arith.constant 144 : i32
    %add3A_840 = arith.addi %mul3A_694, %add3A_839 : i32
    %dma_start3A_841 = arith.constant 0 : i32
    %dma_start3A_842 = arith.constant 0 : i32
    %dma_start3A_843 = tpu.memref_slice %arg3[%dma_start3A_841, %add3A_840, %dma_start3A_842] : memref<12x16384x128xf32, #tpu.memory_space<hbm>> -> memref<12x8x128xf32, #tpu.memory_space<hbm>>
    %dma_start3A_844 = arith.constant 0 : i32
    %dma_start3A_845 = arith.constant 0 : i32
    %dma_start3A_846 = tpu.memref_slice %arg3[%dma_start3A_844, %add3A_840, %dma_start3A_845] : memref<12x16384x128xf32, #tpu.memory_space<hbm>> -> memref<12x8x128xf32, #tpu.memory_space<hbm>>
    tpu.enqueue_dma source(%arg4 : memref<12x8x128xf32, #tpu.memory_space<vmem>>) target(%dma_start3A_846 : memref<12x8x128xf32, #tpu.memory_space<hbm>>) target_semaphore(%arg5 : memref<!tpu.dma_semaphore, #tpu.memory_space<semaphore_mem>>)
    %add3A_847 = arith.constant 152 : i32
    %add3A_848 = arith.addi %mul3A_694, %add3A_847 : i32
    %dma_start3A_849 = arith.constant 0 : i32
    %dma_start3A_850 = arith.constant 0 : i32
    %dma_start3A_851 = tpu.memref_slice %arg3[%dma_start3A_849, %add3A_848, %dma_start3A_850] : memref<12x16384x128xf32, #tpu.memory_space<hbm>> -> memref<12x8x128xf32, #tpu.memory_space<hbm>>
    %dma_start3A_852 = arith.constant 0 : i32
    %dma_start3A_853 = arith.constant 0 : i32
    %dma_start3A_854 = tpu.memref_slice %arg3[%dma_start3A_852, %add3A_848, %dma_start3A_853] : memref<12x16384x128xf32, #tpu.memory_space<hbm>> -> memref<12x8x128xf32, #tpu.memory_space<hbm>>
    tpu.enqueue_dma source(%arg4 : memref<12x8x128xf32, #tpu.memory_space<vmem>>) target(%dma_start3A_854 : memref<12x8x128xf32, #tpu.memory_space<hbm>>) target_semaphore(%arg5 : memref<!tpu.dma_semaphore, #tpu.memory_space<semaphore_mem>>)
    %add3A_855 = arith.constant 160 : i32
    %add3A_856 = arith.addi %mul3A_694, %add3A_855 : i32
    %dma_start3A_857 = arith.constant 0 : i32
    %dma_start3A_858 = arith.constant 0 : i32
    %dma_start3A_859 = tpu.memref_slice %arg3[%dma_start3A_857, %add3A_856, %dma_start3A_858] : memref<12x16384x128xf32, #tpu.memory_space<hbm>> -> memref<12x8x128xf32, #tpu.memory_space<hbm>>
    %dma_start3A_860 = arith.constant 0 : i32
    %dma_start3A_861 = arith.constant 0 : i32
    %dma_start3A_862 = tpu.memref_slice %arg3[%dma_start3A_860, %add3A_856, %dma_start3A_861] : memref<12x16384x128xf32, #tpu.memory_space<hbm>> -> memref<12x8x128xf32, #tpu.memory_space<hbm>>
    tpu.enqueue_dma source(%arg4 : memref<12x8x128xf32, #tpu.memory_space<vmem>>) target(%dma_start3A_862 : memref<12x8x128xf32, #tpu.memory_space<hbm>>) target_semaphore(%arg5 : memref<!tpu.dma_semaphore, #tpu.memory_space<semaphore_mem>>)
    %add3A_863 = arith.constant 168 : i32
    %add3A_864 = arith.addi %mul3A_694, %add3A_863 : i32
    %dma_start3A_865 = arith.constant 0 : i32
    %dma_start3A_866 = arith.constant 0 : i32
    %dma_start3A_867 = tpu.memref_slice %arg3[%dma_start3A_865, %add3A_864, %dma_start3A_866] : memref<12x16384x128xf32, #tpu.memory_space<hbm>> -> memref<12x8x128xf32, #tpu.memory_space<hbm>>
    %dma_start3A_868 = arith.constant 0 : i32
    %dma_start3A_869 = arith.constant 0 : i32
    %dma_start3A_870 = tpu.memref_slice %arg3[%dma_start3A_868, %add3A_864, %dma_start3A_869] : memref<12x16384x128xf32, #tpu.memory_space<hbm>> -> memref<12x8x128xf32, #tpu.memory_space<hbm>>
    tpu.enqueue_dma source(%arg4 : memref<12x8x128xf32, #tpu.memory_space<vmem>>) target(%dma_start3A_870 : memref<12x8x128xf32, #tpu.memory_space<hbm>>) target_semaphore(%arg5 : memref<!tpu.dma_semaphore, #tpu.memory_space<semaphore_mem>>)
    %add3A_871 = arith.constant 176 : i32
    %add3A_872 = arith.addi %mul3A_694, %add3A_871 : i32
    %dma_start3A_873 = arith.constant 0 : i32
    %dma_start3A_874 = arith.constant 0 : i32
    %dma_start3A_875 = tpu.memref_slice %arg3[%dma_start3A_873, %add3A_872, %dma_start3A_874] : memref<12x16384x128xf32, #tpu.memory_space<hbm>> -> memref<12x8x128xf32, #tpu.memory_space<hbm>>
    %dma_start3A_876 = arith.constant 0 : i32
    %dma_start3A_877 = arith.constant 0 : i32
    %dma_start3A_878 = tpu.memref_slice %arg3[%dma_start3A_876, %add3A_872, %dma_start3A_877] : memref<12x16384x128xf32, #tpu.memory_space<hbm>> -> memref<12x8x128xf32, #tpu.memory_space<hbm>>
    tpu.enqueue_dma source(%arg4 : memref<12x8x128xf32, #tpu.memory_space<vmem>>) target(%dma_start3A_878 : memref<12x8x128xf32, #tpu.memory_space<hbm>>) target_semaphore(%arg5 : memref<!tpu.dma_semaphore, #tpu.memory_space<semaphore_mem>>)
    %add3A_879 = arith.constant 184 : i32
    %add3A_880 = arith.addi %mul3A_694, %add3A_879 : i32
    %dma_start3A_881 = arith.constant 0 : i32
    %dma_start3A_882 = arith.constant 0 : i32
    %dma_start3A_883 = tpu.memref_slice %arg3[%dma_start3A_881, %add3A_880, %dma_start3A_882] : memref<12x16384x128xf32, #tpu.memory_space<hbm>> -> memref<12x8x128xf32, #tpu.memory_space<hbm>>
    %dma_start3A_884 = arith.constant 0 : i32
    %dma_start3A_885 = arith.constant 0 : i32
    %dma_start3A_886 = tpu.memref_slice %arg3[%dma_start3A_884, %add3A_880, %dma_start3A_885] : memref<12x16384x128xf32, #tpu.memory_space<hbm>> -> memref<12x8x128xf32, #tpu.memory_space<hbm>>
    tpu.enqueue_dma source(%arg4 : memref<12x8x128xf32, #tpu.memory_space<vmem>>) target(%dma_start3A_886 : memref<12x8x128xf32, #tpu.memory_space<hbm>>) target_semaphore(%arg5 : memref<!tpu.dma_semaphore, #tpu.memory_space<semaphore_mem>>)
    %add3A_887 = arith.constant 192 : i32
    %add3A_888 = arith.addi %mul3A_694, %add3A_887 : i32
    %dma_start3A_889 = arith.constant 0 : i32
    %dma_start3A_890 = arith.constant 0 : i32
    %dma_start3A_891 = tpu.memref_slice %arg3[%dma_start3A_889, %add3A_888, %dma_start3A_890] : memref<12x16384x128xf32, #tpu.memory_space<hbm>> -> memref<12x8x128xf32, #tpu.memory_space<hbm>>
    %dma_start3A_892 = arith.constant 0 : i32
    %dma_start3A_893 = arith.constant 0 : i32
    %dma_start3A_894 = tpu.memref_slice %arg3[%dma_start3A_892, %add3A_888, %dma_start3A_893] : memref<12x16384x128xf32, #tpu.memory_space<hbm>> -> memref<12x8x128xf32, #tpu.memory_space<hbm>>
    tpu.enqueue_dma source(%arg4 : memref<12x8x128xf32, #tpu.memory_space<vmem>>) target(%dma_start3A_894 : memref<12x8x128xf32, #tpu.memory_space<hbm>>) target_semaphore(%arg5 : memref<!tpu.dma_semaphore, #tpu.memory_space<semaphore_mem>>)
    %add3A_895 = arith.constant 200 : i32
    %add3A_896 = arith.addi %mul3A_694, %add3A_895 : i32
    %dma_start3A_897 = arith.constant 0 : i32
    %dma_start3A_898 = arith.constant 0 : i32
    %dma_start3A_899 = tpu.memref_slice %arg3[%dma_start3A_897, %add3A_896, %dma_start3A_898] : memref<12x16384x128xf32, #tpu.memory_space<hbm>> -> memref<12x8x128xf32, #tpu.memory_space<hbm>>
    %dma_start3A_900 = arith.constant 0 : i32
    %dma_start3A_901 = arith.constant 0 : i32
    %dma_start3A_902 = tpu.memref_slice %arg3[%dma_start3A_900, %add3A_896, %dma_start3A_901] : memref<12x16384x128xf32, #tpu.memory_space<hbm>> -> memref<12x8x128xf32, #tpu.memory_space<hbm>>
    tpu.enqueue_dma source(%arg4 : memref<12x8x128xf32, #tpu.memory_space<vmem>>) target(%dma_start3A_902 : memref<12x8x128xf32, #tpu.memory_space<hbm>>) target_semaphore(%arg5 : memref<!tpu.dma_semaphore, #tpu.memory_space<semaphore_mem>>)
    %add3A_903 = arith.constant 208 : i32
    %add3A_904 = arith.addi %mul3A_694, %add3A_903 : i32
    %dma_start3A_905 = arith.constant 0 : i32
    %dma_start3A_906 = arith.constant 0 : i32
    %dma_start3A_907 = tpu.memref_slice %arg3[%dma_start3A_905, %add3A_904, %dma_start3A_906] : memref<12x16384x128xf32, #tpu.memory_space<hbm>> -> memref<12x8x128xf32, #tpu.memory_space<hbm>>
    %dma_start3A_908 = arith.constant 0 : i32
    %dma_start3A_909 = arith.constant 0 : i32
    %dma_start3A_910 = tpu.memref_slice %arg3[%dma_start3A_908, %add3A_904, %dma_start3A_909] : memref<12x16384x128xf32, #tpu.memory_space<hbm>> -> memref<12x8x128xf32, #tpu.memory_space<hbm>>
    tpu.enqueue_dma source(%arg4 : memref<12x8x128xf32, #tpu.memory_space<vmem>>) target(%dma_start3A_910 : memref<12x8x128xf32, #tpu.memory_space<hbm>>) target_semaphore(%arg5 : memref<!tpu.dma_semaphore, #tpu.memory_space<semaphore_mem>>)
    %add3A_911 = arith.constant 216 : i32
    %add3A_912 = arith.addi %mul3A_694, %add3A_911 : i32
    %dma_start3A_913 = arith.constant 0 : i32
    %dma_start3A_914 = arith.constant 0 : i32
    %dma_start3A_915 = tpu.memref_slice %arg3[%dma_start3A_913, %add3A_912, %dma_start3A_914] : memref<12x16384x128xf32, #tpu.memory_space<hbm>> -> memref<12x8x128xf32, #tpu.memory_space<hbm>>
    %dma_start3A_916 = arith.constant 0 : i32
    %dma_start3A_917 = arith.constant 0 : i32
    %dma_start3A_918 = tpu.memref_slice %arg3[%dma_start3A_916, %add3A_912, %dma_start3A_917] : memref<12x16384x128xf32, #tpu.memory_space<hbm>> -> memref<12x8x128xf32, #tpu.memory_space<hbm>>
    tpu.enqueue_dma source(%arg4 : memref<12x8x128xf32, #tpu.memory_space<vmem>>) target(%dma_start3A_918 : memref<12x8x128xf32, #tpu.memory_space<hbm>>) target_semaphore(%arg5 : memref<!tpu.dma_semaphore, #tpu.memory_space<semaphore_mem>>)
    %add3A_919 = arith.constant 224 : i32
    %add3A_920 = arith.addi %mul3A_694, %add3A_919 : i32
    %dma_start3A_921 = arith.constant 0 : i32
    %dma_start3A_922 = arith.constant 0 : i32
    %dma_start3A_923 = tpu.memref_slice %arg3[%dma_start3A_921, %add3A_920, %dma_start3A_922] : memref<12x16384x128xf32, #tpu.memory_space<hbm>> -> memref<12x8x128xf32, #tpu.memory_space<hbm>>
    %dma_start3A_924 = arith.constant 0 : i32
    %dma_start3A_925 = arith.constant 0 : i32
    %dma_start3A_926 = tpu.memref_slice %arg3[%dma_start3A_924, %add3A_920, %dma_start3A_925] : memref<12x16384x128xf32, #tpu.memory_space<hbm>> -> memref<12x8x128xf32, #tpu.memory_space<hbm>>
    tpu.enqueue_dma source(%arg4 : memref<12x8x128xf32, #tpu.memory_space<vmem>>) target(%dma_start3A_926 : memref<12x8x128xf32, #tpu.memory_space<hbm>>) target_semaphore(%arg5 : memref<!tpu.dma_semaphore, #tpu.memory_space<semaphore_mem>>)
    %add3A_927 = arith.constant 232 : i32
    %add3A_928 = arith.addi %mul3A_694, %add3A_927 : i32
    %dma_start3A_929 = arith.constant 0 : i32
    %dma_start3A_930 = arith.constant 0 : i32
    %dma_start3A_931 = tpu.memref_slice %arg3[%dma_start3A_929, %add3A_928, %dma_start3A_930] : memref<12x16384x128xf32, #tpu.memory_space<hbm>> -> memref<12x8x128xf32, #tpu.memory_space<hbm>>
    %dma_start3A_932 = arith.constant 0 : i32
    %dma_start3A_933 = arith.constant 0 : i32
    %dma_start3A_934 = tpu.memref_slice %arg3[%dma_start3A_932, %add3A_928, %dma_start3A_933] : memref<12x16384x128xf32, #tpu.memory_space<hbm>> -> memref<12x8x128xf32, #tpu.memory_space<hbm>>
    tpu.enqueue_dma source(%arg4 : memref<12x8x128xf32, #tpu.memory_space<vmem>>) target(%dma_start3A_934 : memref<12x8x128xf32, #tpu.memory_space<hbm>>) target_semaphore(%arg5 : memref<!tpu.dma_semaphore, #tpu.memory_space<semaphore_mem>>)
    %add3A_935 = arith.constant 240 : i32
    %add3A_936 = arith.addi %mul3A_694, %add3A_935 : i32
    %dma_start3A_937 = arith.constant 0 : i32
    %dma_start3A_938 = arith.constant 0 : i32
    %dma_start3A_939 = tpu.memref_slice %arg3[%dma_start3A_937, %add3A_936, %dma_start3A_938] : memref<12x16384x128xf32, #tpu.memory_space<hbm>> -> memref<12x8x128xf32, #tpu.memory_space<hbm>>
    %dma_start3A_940 = arith.constant 0 : i32
    %dma_start3A_941 = arith.constant 0 : i32
    %dma_start3A_942 = tpu.memref_slice %arg3[%dma_start3A_940, %add3A_936, %dma_start3A_941] : memref<12x16384x128xf32, #tpu.memory_space<hbm>> -> memref<12x8x128xf32, #tpu.memory_space<hbm>>
    tpu.enqueue_dma source(%arg4 : memref<12x8x128xf32, #tpu.memory_space<vmem>>) target(%dma_start3A_942 : memref<12x8x128xf32, #tpu.memory_space<hbm>>) target_semaphore(%arg5 : memref<!tpu.dma_semaphore, #tpu.memory_space<semaphore_mem>>)
    %add3A_943 = arith.constant 248 : i32
    %add3A_944 = arith.addi %mul3A_694, %add3A_943 : i32
    %dma_start3A_945 = arith.constant 0 : i32
    %dma_start3A_946 = arith.constant 0 : i32
    %dma_start3A_947 = tpu.memref_slice %arg3[%dma_start3A_945, %add3A_944, %dma_start3A_946] : memref<12x16384x128xf32, #tpu.memory_space<hbm>> -> memref<12x8x128xf32, #tpu.memory_space<hbm>>
    %dma_start3A_948 = arith.constant 0 : i32
    %dma_start3A_949 = arith.constant 0 : i32
    %dma_start3A_950 = tpu.memref_slice %arg3[%dma_start3A_948, %add3A_944, %dma_start3A_949] : memref<12x16384x128xf32, #tpu.memory_space<hbm>> -> memref<12x8x128xf32, #tpu.memory_space<hbm>>
    tpu.enqueue_dma source(%arg4 : memref<12x8x128xf32, #tpu.memory_space<vmem>>) target(%dma_start3A_950 : memref<12x8x128xf32, #tpu.memory_space<hbm>>) target_semaphore(%arg5 : memref<!tpu.dma_semaphore, #tpu.memory_space<semaphore_mem>>)
    %add3A_951 = arith.constant 256 : i32
    %add3A_952 = arith.addi %mul3A_694, %add3A_951 : i32
    %dma_start3A_953 = arith.constant 0 : i32
    %dma_start3A_954 = arith.constant 0 : i32
    %dma_start3A_955 = tpu.memref_slice %arg3[%dma_start3A_953, %add3A_952, %dma_start3A_954] : memref<12x16384x128xf32, #tpu.memory_space<hbm>> -> memref<12x8x128xf32, #tpu.memory_space<hbm>>
    %dma_start3A_956 = arith.constant 0 : i32
    %dma_start3A_957 = arith.constant 0 : i32
    %dma_start3A_958 = tpu.memref_slice %arg3[%dma_start3A_956, %add3A_952, %dma_start3A_957] : memref<12x16384x128xf32, #tpu.memory_space<hbm>> -> memref<12x8x128xf32, #tpu.memory_space<hbm>>
    tpu.enqueue_dma source(%arg4 : memref<12x8x128xf32, #tpu.memory_space<vmem>>) target(%dma_start3A_958 : memref<12x8x128xf32, #tpu.memory_space<hbm>>) target_semaphore(%arg5 : memref<!tpu.dma_semaphore, #tpu.memory_space<semaphore_mem>>)
    %add3A_959 = arith.constant 264 : i32
    %add3A_960 = arith.addi %mul3A_694, %add3A_959 : i32
    %dma_start3A_961 = arith.constant 0 : i32
    %dma_start3A_962 = arith.constant 0 : i32
    %dma_start3A_963 = tpu.memref_slice %arg3[%dma_start3A_961, %add3A_960, %dma_start3A_962] : memref<12x16384x128xf32, #tpu.memory_space<hbm>> -> memref<12x8x128xf32, #tpu.memory_space<hbm>>
    %dma_start3A_964 = arith.constant 0 : i32
    %dma_start3A_965 = arith.constant 0 : i32
    %dma_start3A_966 = tpu.memref_slice %arg3[%dma_start3A_964, %add3A_960, %dma_start3A_965] : memref<12x16384x128xf32, #tpu.memory_space<hbm>> -> memref<12x8x128xf32, #tpu.memory_space<hbm>>
    tpu.enqueue_dma source(%arg4 : memref<12x8x128xf32, #tpu.memory_space<vmem>>) target(%dma_start3A_966 : memref<12x8x128xf32, #tpu.memory_space<hbm>>) target_semaphore(%arg5 : memref<!tpu.dma_semaphore, #tpu.memory_space<semaphore_mem>>)
    %add3A_967 = arith.constant 272 : i32
    %add3A_968 = arith.addi %mul3A_694, %add3A_967 : i32
    %dma_start3A_969 = arith.constant 0 : i32
    %dma_start3A_970 = arith.constant 0 : i32
    %dma_start3A_971 = tpu.memref_slice %arg3[%dma_start3A_969, %add3A_968, %dma_start3A_970] : memref<12x16384x128xf32, #tpu.memory_space<hbm>> -> memref<12x8x128xf32, #tpu.memory_space<hbm>>
    %dma_start3A_972 = arith.constant 0 : i32
    %dma_start3A_973 = arith.constant 0 : i32
    %dma_start3A_974 = tpu.memref_slice %arg3[%dma_start3A_972, %add3A_968, %dma_start3A_973] : memref<12x16384x128xf32, #tpu.memory_space<hbm>> -> memref<12x8x128xf32, #tpu.memory_space<hbm>>
    tpu.enqueue_dma source(%arg4 : memref<12x8x128xf32, #tpu.memory_space<vmem>>) target(%dma_start3A_974 : memref<12x8x128xf32, #tpu.memory_space<hbm>>) target_semaphore(%arg5 : memref<!tpu.dma_semaphore, #tpu.memory_space<semaphore_mem>>)
    %add3A_975 = arith.constant 280 : i32
    %add3A_976 = arith.addi %mul3A_694, %add3A_975 : i32
    %dma_start3A_977 = arith.constant 0 : i32
    %dma_start3A_978 = arith.constant 0 : i32
    %dma_start3A_979 = tpu.memref_slice %arg3[%dma_start3A_977, %add3A_976, %dma_start3A_978] : memref<12x16384x128xf32, #tpu.memory_space<hbm>> -> memref<12x8x128xf32, #tpu.memory_space<hbm>>
    %dma_start3A_980 = arith.constant 0 : i32
    %dma_start3A_981 = arith.constant 0 : i32
    %dma_start3A_982 = tpu.memref_slice %arg3[%dma_start3A_980, %add3A_976, %dma_start3A_981] : memref<12x16384x128xf32, #tpu.memory_space<hbm>> -> memref<12x8x128xf32, #tpu.memory_space<hbm>>
    tpu.enqueue_dma source(%arg4 : memref<12x8x128xf32, #tpu.memory_space<vmem>>) target(%dma_start3A_982 : memref<12x8x128xf32, #tpu.memory_space<hbm>>) target_semaphore(%arg5 : memref<!tpu.dma_semaphore, #tpu.memory_space<semaphore_mem>>)
    %add3A_983 = arith.constant 288 : i32
    %add3A_984 = arith.addi %mul3A_694, %add3A_983 : i32
    %dma_start3A_985 = arith.constant 0 : i32
    %dma_start3A_986 = arith.constant 0 : i32
    %dma_start3A_987 = tpu.memref_slice %arg3[%dma_start3A_985, %add3A_984, %dma_start3A_986] : memref<12x16384x128xf32, #tpu.memory_space<hbm>> -> memref<12x8x128xf32, #tpu.memory_space<hbm>>
    %dma_start3A_988 = arith.constant 0 : i32
    %dma_start3A_989 = arith.constant 0 : i32
    %dma_start3A_990 = tpu.memref_slice %arg3[%dma_start3A_988, %add3A_984, %dma_start3A_989] : memref<12x16384x128xf32, #tpu.memory_space<hbm>> -> memref<12x8x128xf32, #tpu.memory_space<hbm>>
    tpu.enqueue_dma source(%arg4 : memref<12x8x128xf32, #tpu.memory_space<vmem>>) target(%dma_start3A_990 : memref<12x8x128xf32, #tpu.memory_space<hbm>>) target_semaphore(%arg5 : memref<!tpu.dma_semaphore, #tpu.memory_space<semaphore_mem>>)
    %add3A_991 = arith.constant 296 : i32
    %add3A_992 = arith.addi %mul3A_694, %add3A_991 : i32
    %dma_start3A_993 = arith.constant 0 : i32
    %dma_start3A_994 = arith.constant 0 : i32
    %dma_start3A_995 = tpu.memref_slice %arg3[%dma_start3A_993, %add3A_992, %dma_start3A_994] : memref<12x16384x128xf32, #tpu.memory_space<hbm>> -> memref<12x8x128xf32, #tpu.memory_space<hbm>>
    %dma_start3A_996 = arith.constant 0 : i32
    %dma_start3A_997 = arith.constant 0 : i32
    %dma_start3A_998 = tpu.memref_slice %arg3[%dma_start3A_996, %add3A_992, %dma_start3A_997] : memref<12x16384x128xf32, #tpu.memory_space<hbm>> -> memref<12x8x128xf32, #tpu.memory_space<hbm>>
    tpu.enqueue_dma source(%arg4 : memref<12x8x128xf32, #tpu.memory_space<vmem>>) target(%dma_start3A_998 : memref<12x8x128xf32, #tpu.memory_space<hbm>>) target_semaphore(%arg5 : memref<!tpu.dma_semaphore, #tpu.memory_space<semaphore_mem>>)
    %add3A_999 = arith.constant 304 : i32
    %add3A_1000 = arith.addi %mul3A_694, %add3A_999 : i32
    %dma_start3A_1001 = arith.constant 0 : i32
    %dma_start3A_1002 = arith.constant 0 : i32
    %dma_start3A_1003 = tpu.memref_slice %arg3[%dma_start3A_1001, %add3A_1000, %dma_start3A_1002] : memref<12x16384x128xf32, #tpu.memory_space<hbm>> -> memref<12x8x128xf32, #tpu.memory_space<hbm>>
    %dma_start3A_1004 = arith.constant 0 : i32
    %dma_start3A_1005 = arith.constant 0 : i32
    %dma_start3A_1006 = tpu.memref_slice %arg3[%dma_start3A_1004, %add3A_1000, %dma_start3A_1005] : memref<12x16384x128xf32, #tpu.memory_space<hbm>> -> memref<12x8x128xf32, #tpu.memory_space<hbm>>
    tpu.enqueue_dma source(%arg4 : memref<12x8x128xf32, #tpu.memory_space<vmem>>) target(%dma_start3A_1006 : memref<12x8x128xf32, #tpu.memory_space<hbm>>) target_semaphore(%arg5 : memref<!tpu.dma_semaphore, #tpu.memory_space<semaphore_mem>>)
    %add3A_1007 = arith.constant 312 : i32
    %add3A_1008 = arith.addi %mul3A_694, %add3A_1007 : i32
    %dma_start3A_1009 = arith.constant 0 : i32
    %dma_start3A_1010 = arith.constant 0 : i32
    %dma_start3A_1011 = tpu.memref_slice %arg3[%dma_start3A_1009, %add3A_1008, %dma_start3A_1010] : memref<12x16384x128xf32, #tpu.memory_space<hbm>> -> memref<12x8x128xf32, #tpu.memory_space<hbm>>
    %dma_start3A_1012 = arith.constant 0 : i32
    %dma_start3A_1013 = arith.constant 0 : i32
    %dma_start3A_1014 = tpu.memref_slice %arg3[%dma_start3A_1012, %add3A_1008, %dma_start3A_1013] : memref<12x16384x128xf32, #tpu.memory_space<hbm>> -> memref<12x8x128xf32, #tpu.memory_space<hbm>>
    tpu.enqueue_dma source(%arg4 : memref<12x8x128xf32, #tpu.memory_space<vmem>>) target(%dma_start3A_1014 : memref<12x8x128xf32, #tpu.memory_space<hbm>>) target_semaphore(%arg5 : memref<!tpu.dma_semaphore, #tpu.memory_space<semaphore_mem>>)
    %add3A_1015 = arith.constant 320 : i32
    %add3A_1016 = arith.addi %mul3A_694, %add3A_1015 : i32
    %dma_start3A_1017 = arith.constant 0 : i32
    %dma_start3A_1018 = arith.constant 0 : i32
    %dma_start3A_1019 = tpu.memref_slice %arg3[%dma_start3A_1017, %add3A_1016, %dma_start3A_1018] : memref<12x16384x128xf32, #tpu.memory_space<hbm>> -> memref<12x8x128xf32, #tpu.memory_space<hbm>>
    %dma_start3A_1020 = arith.constant 0 : i32
    %dma_start3A_1021 = arith.constant 0 : i32
    %dma_start3A_1022 = tpu.memref_slice %arg3[%dma_start3A_1020, %add3A_1016, %dma_start3A_1021] : memref<12x16384x128xf32, #tpu.memory_space<hbm>> -> memref<12x8x128xf32, #tpu.memory_space<hbm>>
    tpu.enqueue_dma source(%arg4 : memref<12x8x128xf32, #tpu.memory_space<vmem>>) target(%dma_start3A_1022 : memref<12x8x128xf32, #tpu.memory_space<hbm>>) target_semaphore(%arg5 : memref<!tpu.dma_semaphore, #tpu.memory_space<semaphore_mem>>)
    %add3A_1023 = arith.constant 328 : i32
    %add3A_1024 = arith.addi %mul3A_694, %add3A_1023 : i32
    %dma_start3A_1025 = arith.constant 0 : i32
    %dma_start3A_1026 = arith.constant 0 : i32
    %dma_start3A_1027 = tpu.memref_slice %arg3[%dma_start3A_1025, %add3A_1024, %dma_start3A_1026] : memref<12x16384x128xf32, #tpu.memory_space<hbm>> -> memref<12x8x128xf32, #tpu.memory_space<hbm>>
    %dma_start3A_1028 = arith.constant 0 : i32
    %dma_start3A_1029 = arith.constant 0 : i32
    %dma_start3A_1030 = tpu.memref_slice %arg3[%dma_start3A_1028, %add3A_1024, %dma_start3A_1029] : memref<12x16384x128xf32, #tpu.memory_space<hbm>> -> memref<12x8x128xf32, #tpu.memory_space<hbm>>
    tpu.enqueue_dma source(%arg4 : memref<12x8x128xf32, #tpu.memory_space<vmem>>) target(%dma_start3A_1030 : memref<12x8x128xf32, #tpu.memory_space<hbm>>) target_semaphore(%arg5 : memref<!tpu.dma_semaphore, #tpu.memory_space<semaphore_mem>>)
    %add3A_1031 = arith.constant 336 : i32
    %add3A_1032 = arith.addi %mul3A_694, %add3A_1031 : i32
    %dma_start3A_1033 = arith.constant 0 : i32
    %dma_start3A_1034 = arith.constant 0 : i32
    %dma_start3A_1035 = tpu.memref_slice %arg3[%dma_start3A_1033, %add3A_1032, %dma_start3A_1034] : memref<12x16384x128xf32, #tpu.memory_space<hbm>> -> memref<12x8x128xf32, #tpu.memory_space<hbm>>
    %dma_start3A_1036 = arith.constant 0 : i32
    %dma_start3A_1037 = arith.constant 0 : i32
    %dma_start3A_1038 = tpu.memref_slice %arg3[%dma_start3A_1036, %add3A_1032, %dma_start3A_1037] : memref<12x16384x128xf32, #tpu.memory_space<hbm>> -> memref<12x8x128xf32, #tpu.memory_space<hbm>>
    tpu.enqueue_dma source(%arg4 : memref<12x8x128xf32, #tpu.memory_space<vmem>>) target(%dma_start3A_1038 : memref<12x8x128xf32, #tpu.memory_space<hbm>>) target_semaphore(%arg5 : memref<!tpu.dma_semaphore, #tpu.memory_space<semaphore_mem>>)
    %add3A_1039 = arith.constant 344 : i32
    %add3A_1040 = arith.addi %mul3A_694, %add3A_1039 : i32
    %dma_start3A_1041 = arith.constant 0 : i32
    %dma_start3A_1042 = arith.constant 0 : i32
    %dma_start3A_1043 = tpu.memref_slice %arg3[%dma_start3A_1041, %add3A_1040, %dma_start3A_1042] : memref<12x16384x128xf32, #tpu.memory_space<hbm>> -> memref<12x8x128xf32, #tpu.memory_space<hbm>>
    %dma_start3A_1044 = arith.constant 0 : i32
    %dma_start3A_1045 = arith.constant 0 : i32
    %dma_start3A_1046 = tpu.memref_slice %arg3[%dma_start3A_1044, %add3A_1040, %dma_start3A_1045] : memref<12x16384x128xf32, #tpu.memory_space<hbm>> -> memref<12x8x128xf32, #tpu.memory_space<hbm>>
    tpu.enqueue_dma source(%arg4 : memref<12x8x128xf32, #tpu.memory_space<vmem>>) target(%dma_start3A_1046 : memref<12x8x128xf32, #tpu.memory_space<hbm>>) target_semaphore(%arg5 : memref<!tpu.dma_semaphore, #tpu.memory_space<semaphore_mem>>)
    %add3A_1047 = arith.constant 352 : i32
    %add3A_1048 = arith.addi %mul3A_694, %add3A_1047 : i32
    %dma_start3A_1049 = arith.constant 0 : i32
    %dma_start3A_1050 = arith.constant 0 : i32
    %dma_start3A_1051 = tpu.memref_slice %arg3[%dma_start3A_1049, %add3A_1048, %dma_start3A_1050] : memref<12x16384x128xf32, #tpu.memory_space<hbm>> -> memref<12x8x128xf32, #tpu.memory_space<hbm>>
    %dma_start3A_1052 = arith.constant 0 : i32
    %dma_start3A_1053 = arith.constant 0 : i32
    %dma_start3A_1054 = tpu.memref_slice %arg3[%dma_start3A_1052, %add3A_1048, %dma_start3A_1053] : memref<12x16384x128xf32, #tpu.memory_space<hbm>> -> memref<12x8x128xf32, #tpu.memory_space<hbm>>
    tpu.enqueue_dma source(%arg4 : memref<12x8x128xf32, #tpu.memory_space<vmem>>) target(%dma_start3A_1054 : memref<12x8x128xf32, #tpu.memory_space<hbm>>) target_semaphore(%arg5 : memref<!tpu.dma_semaphore, #tpu.memory_space<semaphore_mem>>)
    %add3A_1055 = arith.constant 360 : i32
    %add3A_1056 = arith.addi %mul3A_694, %add3A_1055 : i32
    %dma_start3A_1057 = arith.constant 0 : i32
    %dma_start3A_1058 = arith.constant 0 : i32
    %dma_start3A_1059 = tpu.memref_slice %arg3[%dma_start3A_1057, %add3A_1056, %dma_start3A_1058] : memref<12x16384x128xf32, #tpu.memory_space<hbm>> -> memref<12x8x128xf32, #tpu.memory_space<hbm>>
    %dma_start3A_1060 = arith.constant 0 : i32
    %dma_start3A_1061 = arith.constant 0 : i32
    %dma_start3A_1062 = tpu.memref_slice %arg3[%dma_start3A_1060, %add3A_1056, %dma_start3A_1061] : memref<12x16384x128xf32, #tpu.memory_space<hbm>> -> memref<12x8x128xf32, #tpu.memory_space<hbm>>
    tpu.enqueue_dma source(%arg4 : memref<12x8x128xf32, #tpu.memory_space<vmem>>) target(%dma_start3A_1062 : memref<12x8x128xf32, #tpu.memory_space<hbm>>) target_semaphore(%arg5 : memref<!tpu.dma_semaphore, #tpu.memory_space<semaphore_mem>>)
    %add3A_1063 = arith.constant 368 : i32
    %add3A_1064 = arith.addi %mul3A_694, %add3A_1063 : i32
    %dma_start3A_1065 = arith.constant 0 : i32
    %dma_start3A_1066 = arith.constant 0 : i32
    %dma_start3A_1067 = tpu.memref_slice %arg3[%dma_start3A_1065, %add3A_1064, %dma_start3A_1066] : memref<12x16384x128xf32, #tpu.memory_space<hbm>> -> memref<12x8x128xf32, #tpu.memory_space<hbm>>
    %dma_start3A_1068 = arith.constant 0 : i32
    %dma_start3A_1069 = arith.constant 0 : i32
    %dma_start3A_1070 = tpu.memref_slice %arg3[%dma_start3A_1068, %add3A_1064, %dma_start3A_1069] : memref<12x16384x128xf32, #tpu.memory_space<hbm>> -> memref<12x8x128xf32, #tpu.memory_space<hbm>>
    tpu.enqueue_dma source(%arg4 : memref<12x8x128xf32, #tpu.memory_space<vmem>>) target(%dma_start3A_1070 : memref<12x8x128xf32, #tpu.memory_space<hbm>>) target_semaphore(%arg5 : memref<!tpu.dma_semaphore, #tpu.memory_space<semaphore_mem>>)
    %add3A_1071 = arith.constant 376 : i32
    %add3A_1072 = arith.addi %mul3A_694, %add3A_1071 : i32
    %dma_start3A_1073 = arith.constant 0 : i32
    %dma_start3A_1074 = arith.constant 0 : i32
    %dma_start3A_1075 = tpu.memref_slice %arg3[%dma_start3A_1073, %add3A_1072, %dma_start3A_1074] : memref<12x16384x128xf32, #tpu.memory_space<hbm>> -> memref<12x8x128xf32, #tpu.memory_space<hbm>>
    %dma_start3A_1076 = arith.constant 0 : i32
    %dma_start3A_1077 = arith.constant 0 : i32
    %dma_start3A_1078 = tpu.memref_slice %arg3[%dma_start3A_1076, %add3A_1072, %dma_start3A_1077] : memref<12x16384x128xf32, #tpu.memory_space<hbm>> -> memref<12x8x128xf32, #tpu.memory_space<hbm>>
    tpu.enqueue_dma source(%arg4 : memref<12x8x128xf32, #tpu.memory_space<vmem>>) target(%dma_start3A_1078 : memref<12x8x128xf32, #tpu.memory_space<hbm>>) target_semaphore(%arg5 : memref<!tpu.dma_semaphore, #tpu.memory_space<semaphore_mem>>)
    %add3A_1079 = arith.constant 384 : i32
    %add3A_1080 = arith.addi %mul3A_694, %add3A_1079 : i32
    %dma_start3A_1081 = arith.constant 0 : i32
    %dma_start3A_1082 = arith.constant 0 : i32
    %dma_start3A_1083 = tpu.memref_slice %arg3[%dma_start3A_1081, %add3A_1080, %dma_start3A_1082] : memref<12x16384x128xf32, #tpu.memory_space<hbm>> -> memref<12x8x128xf32, #tpu.memory_space<hbm>>
    %dma_start3A_1084 = arith.constant 0 : i32
    %dma_start3A_1085 = arith.constant 0 : i32
    %dma_start3A_1086 = tpu.memref_slice %arg3[%dma_start3A_1084, %add3A_1080, %dma_start3A_1085] : memref<12x16384x128xf32, #tpu.memory_space<hbm>> -> memref<12x8x128xf32, #tpu.memory_space<hbm>>
    tpu.enqueue_dma source(%arg4 : memref<12x8x128xf32, #tpu.memory_space<vmem>>) target(%dma_start3A_1086 : memref<12x8x128xf32, #tpu.memory_space<hbm>>) target_semaphore(%arg5 : memref<!tpu.dma_semaphore, #tpu.memory_space<semaphore_mem>>)
    %add3A_1087 = arith.constant 392 : i32
    %add3A_1088 = arith.addi %mul3A_694, %add3A_1087 : i32
    %dma_start3A_1089 = arith.constant 0 : i32
    %dma_start3A_1090 = arith.constant 0 : i32
    %dma_start3A_1091 = tpu.memref_slice %arg3[%dma_start3A_1089, %add3A_1088, %dma_start3A_1090] : memref<12x16384x128xf32, #tpu.memory_space<hbm>> -> memref<12x8x128xf32, #tpu.memory_space<hbm>>
    %dma_start3A_1092 = arith.constant 0 : i32
    %dma_start3A_1093 = arith.constant 0 : i32
    %dma_start3A_1094 = tpu.memref_slice %arg3[%dma_start3A_1092, %add3A_1088, %dma_start3A_1093] : memref<12x16384x128xf32, #tpu.memory_space<hbm>> -> memref<12x8x128xf32, #tpu.memory_space<hbm>>
    tpu.enqueue_dma source(%arg4 : memref<12x8x128xf32, #tpu.memory_space<vmem>>) target(%dma_start3A_1094 : memref<12x8x128xf32, #tpu.memory_space<hbm>>) target_semaphore(%arg5 : memref<!tpu.dma_semaphore, #tpu.memory_space<semaphore_mem>>)
    %add3A_1095 = arith.constant 400 : i32
    %add3A_1096 = arith.addi %mul3A_694, %add3A_1095 : i32
    %dma_start3A_1097 = arith.constant 0 : i32
    %dma_start3A_1098 = arith.constant 0 : i32
    %dma_start3A_1099 = tpu.memref_slice %arg3[%dma_start3A_1097, %add3A_1096, %dma_start3A_1098] : memref<12x16384x128xf32, #tpu.memory_space<hbm>> -> memref<12x8x128xf32, #tpu.memory_space<hbm>>
    %dma_start3A_1100 = arith.constant 0 : i32
    %dma_start3A_1101 = arith.constant 0 : i32
    %dma_start3A_1102 = tpu.memref_slice %arg3[%dma_start3A_1100, %add3A_1096, %dma_start3A_1101] : memref<12x16384x128xf32, #tpu.memory_space<hbm>> -> memref<12x8x128xf32, #tpu.memory_space<hbm>>
    tpu.enqueue_dma source(%arg4 : memref<12x8x128xf32, #tpu.memory_space<vmem>>) target(%dma_start3A_1102 : memref<12x8x128xf32, #tpu.memory_space<hbm>>) target_semaphore(%arg5 : memref<!tpu.dma_semaphore, #tpu.memory_space<semaphore_mem>>)
    %add3A_1103 = arith.constant 408 : i32
    %add3A_1104 = arith.addi %mul3A_694, %add3A_1103 : i32
    %dma_start3A_1105 = arith.constant 0 : i32
    %dma_start3A_1106 = arith.constant 0 : i32
    %dma_start3A_1107 = tpu.memref_slice %arg3[%dma_start3A_1105, %add3A_1104, %dma_start3A_1106] : memref<12x16384x128xf32, #tpu.memory_space<hbm>> -> memref<12x8x128xf32, #tpu.memory_space<hbm>>
    %dma_start3A_1108 = arith.constant 0 : i32
    %dma_start3A_1109 = arith.constant 0 : i32
    %dma_start3A_1110 = tpu.memref_slice %arg3[%dma_start3A_1108, %add3A_1104, %dma_start3A_1109] : memref<12x16384x128xf32, #tpu.memory_space<hbm>> -> memref<12x8x128xf32, #tpu.memory_space<hbm>>
    tpu.enqueue_dma source(%arg4 : memref<12x8x128xf32, #tpu.memory_space<vmem>>) target(%dma_start3A_1110 : memref<12x8x128xf32, #tpu.memory_space<hbm>>) target_semaphore(%arg5 : memref<!tpu.dma_semaphore, #tpu.memory_space<semaphore_mem>>)
    %add3A_1111 = arith.constant 416 : i32
    %add3A_1112 = arith.addi %mul3A_694, %add3A_1111 : i32
    %dma_start3A_1113 = arith.constant 0 : i32
    %dma_start3A_1114 = arith.constant 0 : i32
    %dma_start3A_1115 = tpu.memref_slice %arg3[%dma_start3A_1113, %add3A_1112, %dma_start3A_1114] : memref<12x16384x128xf32, #tpu.memory_space<hbm>> -> memref<12x8x128xf32, #tpu.memory_space<hbm>>
    %dma_start3A_1116 = arith.constant 0 : i32
    %dma_start3A_1117 = arith.constant 0 : i32
    %dma_start3A_1118 = tpu.memref_slice %arg3[%dma_start3A_1116, %add3A_1112, %dma_start3A_1117] : memref<12x16384x128xf32, #tpu.memory_space<hbm>> -> memref<12x8x128xf32, #tpu.memory_space<hbm>>
    tpu.enqueue_dma source(%arg4 : memref<12x8x128xf32, #tpu.memory_space<vmem>>) target(%dma_start3A_1118 : memref<12x8x128xf32, #tpu.memory_space<hbm>>) target_semaphore(%arg5 : memref<!tpu.dma_semaphore, #tpu.memory_space<semaphore_mem>>)
    %add3A_1119 = arith.constant 424 : i32
    %add3A_1120 = arith.addi %mul3A_694, %add3A_1119 : i32
    %dma_start3A_1121 = arith.constant 0 : i32
    %dma_start3A_1122 = arith.constant 0 : i32
    %dma_start3A_1123 = tpu.memref_slice %arg3[%dma_start3A_1121, %add3A_1120, %dma_start3A_1122] : memref<12x16384x128xf32, #tpu.memory_space<hbm>> -> memref<12x8x128xf32, #tpu.memory_space<hbm>>
    %dma_start3A_1124 = arith.constant 0 : i32
    %dma_start3A_1125 = arith.constant 0 : i32
    %dma_start3A_1126 = tpu.memref_slice %arg3[%dma_start3A_1124, %add3A_1120, %dma_start3A_1125] : memref<12x16384x128xf32, #tpu.memory_space<hbm>> -> memref<12x8x128xf32, #tpu.memory_space<hbm>>
    tpu.enqueue_dma source(%arg4 : memref<12x8x128xf32, #tpu.memory_space<vmem>>) target(%dma_start3A_1126 : memref<12x8x128xf32, #tpu.memory_space<hbm>>) target_semaphore(%arg5 : memref<!tpu.dma_semaphore, #tpu.memory_space<semaphore_mem>>)
    %add3A_1127 = arith.constant 432 : i32
    %add3A_1128 = arith.addi %mul3A_694, %add3A_1127 : i32
    %dma_start3A_1129 = arith.constant 0 : i32
    %dma_start3A_1130 = arith.constant 0 : i32
    %dma_start3A_1131 = tpu.memref_slice %arg3[%dma_start3A_1129, %add3A_1128, %dma_start3A_1130] : memref<12x16384x128xf32, #tpu.memory_space<hbm>> -> memref<12x8x128xf32, #tpu.memory_space<hbm>>
    %dma_start3A_1132 = arith.constant 0 : i32
    %dma_start3A_1133 = arith.constant 0 : i32
    %dma_start3A_1134 = tpu.memref_slice %arg3[%dma_start3A_1132, %add3A_1128, %dma_start3A_1133] : memref<12x16384x128xf32, #tpu.memory_space<hbm>> -> memref<12x8x128xf32, #tpu.memory_space<hbm>>
    tpu.enqueue_dma source(%arg4 : memref<12x8x128xf32, #tpu.memory_space<vmem>>) target(%dma_start3A_1134 : memref<12x8x128xf32, #tpu.memory_space<hbm>>) target_semaphore(%arg5 : memref<!tpu.dma_semaphore, #tpu.memory_space<semaphore_mem>>)
    %add3A_1135 = arith.constant 440 : i32
    %add3A_1136 = arith.addi %mul3A_694, %add3A_1135 : i32
    %dma_start3A_1137 = arith.constant 0 : i32
    %dma_start3A_1138 = arith.constant 0 : i32
    %dma_start3A_1139 = tpu.memref_slice %arg3[%dma_start3A_1137, %add3A_1136, %dma_start3A_1138] : memref<12x16384x128xf32, #tpu.memory_space<hbm>> -> memref<12x8x128xf32, #tpu.memory_space<hbm>>
    %dma_start3A_1140 = arith.constant 0 : i32
    %dma_start3A_1141 = arith.constant 0 : i32
    %dma_start3A_1142 = tpu.memref_slice %arg3[%dma_start3A_1140, %add3A_1136, %dma_start3A_1141] : memref<12x16384x128xf32, #tpu.memory_space<hbm>> -> memref<12x8x128xf32, #tpu.memory_space<hbm>>
    tpu.enqueue_dma source(%arg4 : memref<12x8x128xf32, #tpu.memory_space<vmem>>) target(%dma_start3A_1142 : memref<12x8x128xf32, #tpu.memory_space<hbm>>) target_semaphore(%arg5 : memref<!tpu.dma_semaphore, #tpu.memory_space<semaphore_mem>>)
    %add3A_1143 = arith.constant 448 : i32
    %add3A_1144 = arith.addi %mul3A_694, %add3A_1143 : i32
    %dma_start3A_1145 = arith.constant 0 : i32
    %dma_start3A_1146 = arith.constant 0 : i32
    %dma_start3A_1147 = tpu.memref_slice %arg3[%dma_start3A_1145, %add3A_1144, %dma_start3A_1146] : memref<12x16384x128xf32, #tpu.memory_space<hbm>> -> memref<12x8x128xf32, #tpu.memory_space<hbm>>
    %dma_start3A_1148 = arith.constant 0 : i32
    %dma_start3A_1149 = arith.constant 0 : i32
    %dma_start3A_1150 = tpu.memref_slice %arg3[%dma_start3A_1148, %add3A_1144, %dma_start3A_1149] : memref<12x16384x128xf32, #tpu.memory_space<hbm>> -> memref<12x8x128xf32, #tpu.memory_space<hbm>>
    tpu.enqueue_dma source(%arg4 : memref<12x8x128xf32, #tpu.memory_space<vmem>>) target(%dma_start3A_1150 : memref<12x8x128xf32, #tpu.memory_space<hbm>>) target_semaphore(%arg5 : memref<!tpu.dma_semaphore, #tpu.memory_space<semaphore_mem>>)
    %add3A_1151 = arith.constant 456 : i32
    %add3A_1152 = arith.addi %mul3A_694, %add3A_1151 : i32
    %dma_start3A_1153 = arith.constant 0 : i32
    %dma_start3A_1154 = arith.constant 0 : i32
    %dma_start3A_1155 = tpu.memref_slice %arg3[%dma_start3A_1153, %add3A_1152, %dma_start3A_1154] : memref<12x16384x128xf32, #tpu.memory_space<hbm>> -> memref<12x8x128xf32, #tpu.memory_space<hbm>>
    %dma_start3A_1156 = arith.constant 0 : i32
    %dma_start3A_1157 = arith.constant 0 : i32
    %dma_start3A_1158 = tpu.memref_slice %arg3[%dma_start3A_1156, %add3A_1152, %dma_start3A_1157] : memref<12x16384x128xf32, #tpu.memory_space<hbm>> -> memref<12x8x128xf32, #tpu.memory_space<hbm>>
    tpu.enqueue_dma source(%arg4 : memref<12x8x128xf32, #tpu.memory_space<vmem>>) target(%dma_start3A_1158 : memref<12x8x128xf32, #tpu.memory_space<hbm>>) target_semaphore(%arg5 : memref<!tpu.dma_semaphore, #tpu.memory_space<semaphore_mem>>)
    %add3A_1159 = arith.constant 464 : i32
    %add3A_1160 = arith.addi %mul3A_694, %add3A_1159 : i32
    %dma_start3A_1161 = arith.constant 0 : i32
    %dma_start3A_1162 = arith.constant 0 : i32
    %dma_start3A_1163 = tpu.memref_slice %arg3[%dma_start3A_1161, %add3A_1160, %dma_start3A_1162] : memref<12x16384x128xf32, #tpu.memory_space<hbm>> -> memref<12x8x128xf32, #tpu.memory_space<hbm>>
    %dma_start3A_1164 = arith.constant 0 : i32
    %dma_start3A_1165 = arith.constant 0 : i32
    %dma_start3A_1166 = tpu.memref_slice %arg3[%dma_start3A_1164, %add3A_1160, %dma_start3A_1165] : memref<12x16384x128xf32, #tpu.memory_space<hbm>> -> memref<12x8x128xf32, #tpu.memory_space<hbm>>
    tpu.enqueue_dma source(%arg4 : memref<12x8x128xf32, #tpu.memory_space<vmem>>) target(%dma_start3A_1166 : memref<12x8x128xf32, #tpu.memory_space<hbm>>) target_semaphore(%arg5 : memref<!tpu.dma_semaphore, #tpu.memory_space<semaphore_mem>>)
    %add3A_1167 = arith.constant 472 : i32
    %add3A_1168 = arith.addi %mul3A_694, %add3A_1167 : i32
    %dma_start3A_1169 = arith.constant 0 : i32
    %dma_start3A_1170 = arith.constant 0 : i32
    %dma_start3A_1171 = tpu.memref_slice %arg3[%dma_start3A_1169, %add3A_1168, %dma_start3A_1170] : memref<12x16384x128xf32, #tpu.memory_space<hbm>> -> memref<12x8x128xf32, #tpu.memory_space<hbm>>
    %dma_start3A_1172 = arith.constant 0 : i32
    %dma_start3A_1173 = arith.constant 0 : i32
    %dma_start3A_1174 = tpu.memref_slice %arg3[%dma_start3A_1172, %add3A_1168, %dma_start3A_1173] : memref<12x16384x128xf32, #tpu.memory_space<hbm>> -> memref<12x8x128xf32, #tpu.memory_space<hbm>>
    tpu.enqueue_dma source(%arg4 : memref<12x8x128xf32, #tpu.memory_space<vmem>>) target(%dma_start3A_1174 : memref<12x8x128xf32, #tpu.memory_space<hbm>>) target_semaphore(%arg5 : memref<!tpu.dma_semaphore, #tpu.memory_space<semaphore_mem>>)
    %add3A_1175 = arith.constant 480 : i32
    %add3A_1176 = arith.addi %mul3A_694, %add3A_1175 : i32
    %dma_start3A_1177 = arith.constant 0 : i32
    %dma_start3A_1178 = arith.constant 0 : i32
    %dma_start3A_1179 = tpu.memref_slice %arg3[%dma_start3A_1177, %add3A_1176, %dma_start3A_1178] : memref<12x16384x128xf32, #tpu.memory_space<hbm>> -> memref<12x8x128xf32, #tpu.memory_space<hbm>>
    %dma_start3A_1180 = arith.constant 0 : i32
    %dma_start3A_1181 = arith.constant 0 : i32
    %dma_start3A_1182 = tpu.memref_slice %arg3[%dma_start3A_1180, %add3A_1176, %dma_start3A_1181] : memref<12x16384x128xf32, #tpu.memory_space<hbm>> -> memref<12x8x128xf32, #tpu.memory_space<hbm>>
    tpu.enqueue_dma source(%arg4 : memref<12x8x128xf32, #tpu.memory_space<vmem>>) target(%dma_start3A_1182 : memref<12x8x128xf32, #tpu.memory_space<hbm>>) target_semaphore(%arg5 : memref<!tpu.dma_semaphore, #tpu.memory_space<semaphore_mem>>)
    %add3A_1183 = arith.constant 488 : i32
    %add3A_1184 = arith.addi %mul3A_694, %add3A_1183 : i32
    %dma_start3A_1185 = arith.constant 0 : i32
    %dma_start3A_1186 = arith.constant 0 : i32
    %dma_start3A_1187 = tpu.memref_slice %arg3[%dma_start3A_1185, %add3A_1184, %dma_start3A_1186] : memref<12x16384x128xf32, #tpu.memory_space<hbm>> -> memref<12x8x128xf32, #tpu.memory_space<hbm>>
    %dma_start3A_1188 = arith.constant 0 : i32
    %dma_start3A_1189 = arith.constant 0 : i32
    %dma_start3A_1190 = tpu.memref_slice %arg3[%dma_start3A_1188, %add3A_1184, %dma_start3A_1189] : memref<12x16384x128xf32, #tpu.memory_space<hbm>> -> memref<12x8x128xf32, #tpu.memory_space<hbm>>
    tpu.enqueue_dma source(%arg4 : memref<12x8x128xf32, #tpu.memory_space<vmem>>) target(%dma_start3A_1190 : memref<12x8x128xf32, #tpu.memory_space<hbm>>) target_semaphore(%arg5 : memref<!tpu.dma_semaphore, #tpu.memory_space<semaphore_mem>>)
    %add3A_1191 = arith.constant 496 : i32
    %add3A_1192 = arith.addi %mul3A_694, %add3A_1191 : i32
    %dma_start3A_1193 = arith.constant 0 : i32
    %dma_start3A_1194 = arith.constant 0 : i32
    %dma_start3A_1195 = tpu.memref_slice %arg3[%dma_start3A_1193, %add3A_1192, %dma_start3A_1194] : memref<12x16384x128xf32, #tpu.memory_space<hbm>> -> memref<12x8x128xf32, #tpu.memory_space<hbm>>
    %dma_start3A_1196 = arith.constant 0 : i32
    %dma_start3A_1197 = arith.constant 0 : i32
    %dma_start3A_1198 = tpu.memref_slice %arg3[%dma_start3A_1196, %add3A_1192, %dma_start3A_1197] : memref<12x16384x128xf32, #tpu.memory_space<hbm>> -> memref<12x8x128xf32, #tpu.memory_space<hbm>>
    tpu.enqueue_dma source(%arg4 : memref<12x8x128xf32, #tpu.memory_space<vmem>>) target(%dma_start3A_1198 : memref<12x8x128xf32, #tpu.memory_space<hbm>>) target_semaphore(%arg5 : memref<!tpu.dma_semaphore, #tpu.memory_space<semaphore_mem>>)
    %add3A_1199 = arith.constant 504 : i32
    %add3A_1200 = arith.addi %mul3A_694, %add3A_1199 : i32
    %dma_start3A_1201 = arith.constant 0 : i32
    %dma_start3A_1202 = arith.constant 0 : i32
    %dma_start3A_1203 = tpu.memref_slice %arg3[%dma_start3A_1201, %add3A_1200, %dma_start3A_1202] : memref<12x16384x128xf32, #tpu.memory_space<hbm>> -> memref<12x8x128xf32, #tpu.memory_space<hbm>>
    %dma_start3A_1204 = arith.constant 0 : i32
    %dma_start3A_1205 = arith.constant 0 : i32
    %dma_start3A_1206 = tpu.memref_slice %arg3[%dma_start3A_1204, %add3A_1200, %dma_start3A_1205] : memref<12x16384x128xf32, #tpu.memory_space<hbm>> -> memref<12x8x128xf32, #tpu.memory_space<hbm>>
    tpu.enqueue_dma source(%arg4 : memref<12x8x128xf32, #tpu.memory_space<vmem>>) target(%dma_start3A_1206 : memref<12x8x128xf32, #tpu.memory_space<hbm>>) target_semaphore(%arg5 : memref<!tpu.dma_semaphore, #tpu.memory_space<semaphore_mem>>)
    %dma_wait3A_1207 = arith.constant 0 : i32
    %dma_wait3A_1208 = arith.constant 0 : i32
    %dma_wait3A_1209 = tpu.memref_slice %arg3[%dma_wait3A_1207, %add3A_696, %dma_wait3A_1208] : memref<12x16384x128xf32, #tpu.memory_space<hbm>> -> memref<12x8x128xf32, #tpu.memory_space<hbm>>
    %dma_wait3A_1210 = arith.constant 0 : i32
    %dma_wait3A_1211 = arith.constant 0 : i32
    %dma_wait3A_1212 = tpu.memref_slice %arg3[%dma_wait3A_1210, %add3A_696, %dma_wait3A_1211] : memref<12x16384x128xf32, #tpu.memory_space<hbm>> -> memref<12x8x128xf32, #tpu.memory_space<hbm>>
    tpu.wait_dma2 semaphore(%arg5 : memref<!tpu.dma_semaphore, #tpu.memory_space<semaphore_mem>>) src(%arg4 : memref<12x8x128xf32, #tpu.memory_space<vmem>>) dst(%dma_wait3A_1212 : memref<12x8x128xf32, #tpu.memory_space<hbm>>)
    %dma_wait3A_1213 = arith.constant 0 : i32
    %dma_wait3A_1214 = arith.constant 0 : i32
    %dma_wait3A_1215 = tpu.memref_slice %arg3[%dma_wait3A_1213, %add3A_704, %dma_wait3A_1214] : memref<12x16384x128xf32, #tpu.memory_space<hbm>> -> memref<12x8x128xf32, #tpu.memory_space<hbm>>
    %dma_wait3A_1216 = arith.constant 0 : i32
    %dma_wait3A_1217 = arith.constant 0 : i32
    %dma_wait3A_1218 = tpu.memref_slice %arg3[%dma_wait3A_1216, %add3A_704, %dma_wait3A_1217] : memref<12x16384x128xf32, #tpu.memory_space<hbm>> -> memref<12x8x128xf32, #tpu.memory_space<hbm>>
    tpu.wait_dma2 semaphore(%arg5 : memref<!tpu.dma_semaphore, #tpu.memory_space<semaphore_mem>>) src(%arg4 : memref<12x8x128xf32, #tpu.memory_space<vmem>>) dst(%dma_wait3A_1218 : memref<12x8x128xf32, #tpu.memory_space<hbm>>)
    %dma_wait3A_1219 = arith.constant 0 : i32
    %dma_wait3A_1220 = arith.constant 0 : i32
    %dma_wait3A_1221 = tpu.memref_slice %arg3[%dma_wait3A_1219, %add3A_712, %dma_wait3A_1220] : memref<12x16384x128xf32, #tpu.memory_space<hbm>> -> memref<12x8x128xf32, #tpu.memory_space<hbm>>
    %dma_wait3A_1222 = arith.constant 0 : i32
    %dma_wait3A_1223 = arith.constant 0 : i32
    %dma_wait3A_1224 = tpu.memref_slice %arg3[%dma_wait3A_1222, %add3A_712, %dma_wait3A_1223] : memref<12x16384x128xf32, #tpu.memory_space<hbm>> -> memref<12x8x128xf32, #tpu.memory_space<hbm>>
    tpu.wait_dma2 semaphore(%arg5 : memref<!tpu.dma_semaphore, #tpu.memory_space<semaphore_mem>>) src(%arg4 : memref<12x8x128xf32, #tpu.memory_space<vmem>>) dst(%dma_wait3A_1224 : memref<12x8x128xf32, #tpu.memory_space<hbm>>)
    %dma_wait3A_1225 = arith.constant 0 : i32
    %dma_wait3A_1226 = arith.constant 0 : i32
    %dma_wait3A_1227 = tpu.memref_slice %arg3[%dma_wait3A_1225, %add3A_720, %dma_wait3A_1226] : memref<12x16384x128xf32, #tpu.memory_space<hbm>> -> memref<12x8x128xf32, #tpu.memory_space<hbm>>
    %dma_wait3A_1228 = arith.constant 0 : i32
    %dma_wait3A_1229 = arith.constant 0 : i32
    %dma_wait3A_1230 = tpu.memref_slice %arg3[%dma_wait3A_1228, %add3A_720, %dma_wait3A_1229] : memref<12x16384x128xf32, #tpu.memory_space<hbm>> -> memref<12x8x128xf32, #tpu.memory_space<hbm>>
    tpu.wait_dma2 semaphore(%arg5 : memref<!tpu.dma_semaphore, #tpu.memory_space<semaphore_mem>>) src(%arg4 : memref<12x8x128xf32, #tpu.memory_space<vmem>>) dst(%dma_wait3A_1230 : memref<12x8x128xf32, #tpu.memory_space<hbm>>)
    %dma_wait3A_1231 = arith.constant 0 : i32
    %dma_wait3A_1232 = arith.constant 0 : i32
    %dma_wait3A_1233 = tpu.memref_slice %arg3[%dma_wait3A_1231, %add3A_728, %dma_wait3A_1232] : memref<12x16384x128xf32, #tpu.memory_space<hbm>> -> memref<12x8x128xf32, #tpu.memory_space<hbm>>
    %dma_wait3A_1234 = arith.constant 0 : i32
    %dma_wait3A_1235 = arith.constant 0 : i32
    %dma_wait3A_1236 = tpu.memref_slice %arg3[%dma_wait3A_1234, %add3A_728, %dma_wait3A_1235] : memref<12x16384x128xf32, #tpu.memory_space<hbm>> -> memref<12x8x128xf32, #tpu.memory_space<hbm>>
    tpu.wait_dma2 semaphore(%arg5 : memref<!tpu.dma_semaphore, #tpu.memory_space<semaphore_mem>>) src(%arg4 : memref<12x8x128xf32, #tpu.memory_space<vmem>>) dst(%dma_wait3A_1236 : memref<12x8x128xf32, #tpu.memory_space<hbm>>)
    %dma_wait3A_1237 = arith.constant 0 : i32
    %dma_wait3A_1238 = arith.constant 0 : i32
    %dma_wait3A_1239 = tpu.memref_slice %arg3[%dma_wait3A_1237, %add3A_736, %dma_wait3A_1238] : memref<12x16384x128xf32, #tpu.memory_space<hbm>> -> memref<12x8x128xf32, #tpu.memory_space<hbm>>
    %dma_wait3A_1240 = arith.constant 0 : i32
    %dma_wait3A_1241 = arith.constant 0 : i32
    %dma_wait3A_1242 = tpu.memref_slice %arg3[%dma_wait3A_1240, %add3A_736, %dma_wait3A_1241] : memref<12x16384x128xf32, #tpu.memory_space<hbm>> -> memref<12x8x128xf32, #tpu.memory_space<hbm>>
    tpu.wait_dma2 semaphore(%arg5 : memref<!tpu.dma_semaphore, #tpu.memory_space<semaphore_mem>>) src(%arg4 : memref<12x8x128xf32, #tpu.memory_space<vmem>>) dst(%dma_wait3A_1242 : memref<12x8x128xf32, #tpu.memory_space<hbm>>)
    %dma_wait3A_1243 = arith.constant 0 : i32
    %dma_wait3A_1244 = arith.constant 0 : i32
    %dma_wait3A_1245 = tpu.memref_slice %arg3[%dma_wait3A_1243, %add3A_744, %dma_wait3A_1244] : memref<12x16384x128xf32, #tpu.memory_space<hbm>> -> memref<12x8x128xf32, #tpu.memory_space<hbm>>
    %dma_wait3A_1246 = arith.constant 0 : i32
    %dma_wait3A_1247 = arith.constant 0 : i32
    %dma_wait3A_1248 = tpu.memref_slice %arg3[%dma_wait3A_1246, %add3A_744, %dma_wait3A_1247] : memref<12x16384x128xf32, #tpu.memory_space<hbm>> -> memref<12x8x128xf32, #tpu.memory_space<hbm>>
    tpu.wait_dma2 semaphore(%arg5 : memref<!tpu.dma_semaphore, #tpu.memory_space<semaphore_mem>>) src(%arg4 : memref<12x8x128xf32, #tpu.memory_space<vmem>>) dst(%dma_wait3A_1248 : memref<12x8x128xf32, #tpu.memory_space<hbm>>)
    %dma_wait3A_1249 = arith.constant 0 : i32
    %dma_wait3A_1250 = arith.constant 0 : i32
    %dma_wait3A_1251 = tpu.memref_slice %arg3[%dma_wait3A_1249, %add3A_752, %dma_wait3A_1250] : memref<12x16384x128xf32, #tpu.memory_space<hbm>> -> memref<12x8x128xf32, #tpu.memory_space<hbm>>
    %dma_wait3A_1252 = arith.constant 0 : i32
    %dma_wait3A_1253 = arith.constant 0 : i32
    %dma_wait3A_1254 = tpu.memref_slice %arg3[%dma_wait3A_1252, %add3A_752, %dma_wait3A_1253] : memref<12x16384x128xf32, #tpu.memory_space<hbm>> -> memref<12x8x128xf32, #tpu.memory_space<hbm>>
    tpu.wait_dma2 semaphore(%arg5 : memref<!tpu.dma_semaphore, #tpu.memory_space<semaphore_mem>>) src(%arg4 : memref<12x8x128xf32, #tpu.memory_space<vmem>>) dst(%dma_wait3A_1254 : memref<12x8x128xf32, #tpu.memory_space<hbm>>)
    %dma_wait3A_1255 = arith.constant 0 : i32
    %dma_wait3A_1256 = arith.constant 0 : i32
    %dma_wait3A_1257 = tpu.memref_slice %arg3[%dma_wait3A_1255, %add3A_760, %dma_wait3A_1256] : memref<12x16384x128xf32, #tpu.memory_space<hbm>> -> memref<12x8x128xf32, #tpu.memory_space<hbm>>
    %dma_wait3A_1258 = arith.constant 0 : i32
    %dma_wait3A_1259 = arith.constant 0 : i32
    %dma_wait3A_1260 = tpu.memref_slice %arg3[%dma_wait3A_1258, %add3A_760, %dma_wait3A_1259] : memref<12x16384x128xf32, #tpu.memory_space<hbm>> -> memref<12x8x128xf32, #tpu.memory_space<hbm>>
    tpu.wait_dma2 semaphore(%arg5 : memref<!tpu.dma_semaphore, #tpu.memory_space<semaphore_mem>>) src(%arg4 : memref<12x8x128xf32, #tpu.memory_space<vmem>>) dst(%dma_wait3A_1260 : memref<12x8x128xf32, #tpu.memory_space<hbm>>)
    %dma_wait3A_1261 = arith.constant 0 : i32
    %dma_wait3A_1262 = arith.constant 0 : i32
    %dma_wait3A_1263 = tpu.memref_slice %arg3[%dma_wait3A_1261, %add3A_768, %dma_wait3A_1262] : memref<12x16384x128xf32, #tpu.memory_space<hbm>> -> memref<12x8x128xf32, #tpu.memory_space<hbm>>
    %dma_wait3A_1264 = arith.constant 0 : i32
    %dma_wait3A_1265 = arith.constant 0 : i32
    %dma_wait3A_1266 = tpu.memref_slice %arg3[%dma_wait3A_1264, %add3A_768, %dma_wait3A_1265] : memref<12x16384x128xf32, #tpu.memory_space<hbm>> -> memref<12x8x128xf32, #tpu.memory_space<hbm>>
    tpu.wait_dma2 semaphore(%arg5 : memref<!tpu.dma_semaphore, #tpu.memory_space<semaphore_mem>>) src(%arg4 : memref<12x8x128xf32, #tpu.memory_space<vmem>>) dst(%dma_wait3A_1266 : memref<12x8x128xf32, #tpu.memory_space<hbm>>)
    %dma_wait3A_1267 = arith.constant 0 : i32
    %dma_wait3A_1268 = arith.constant 0 : i32
    %dma_wait3A_1269 = tpu.memref_slice %arg3[%dma_wait3A_1267, %add3A_776, %dma_wait3A_1268] : memref<12x16384x128xf32, #tpu.memory_space<hbm>> -> memref<12x8x128xf32, #tpu.memory_space<hbm>>
    %dma_wait3A_1270 = arith.constant 0 : i32
    %dma_wait3A_1271 = arith.constant 0 : i32
    %dma_wait3A_1272 = tpu.memref_slice %arg3[%dma_wait3A_1270, %add3A_776, %dma_wait3A_1271] : memref<12x16384x128xf32, #tpu.memory_space<hbm>> -> memref<12x8x128xf32, #tpu.memory_space<hbm>>
    tpu.wait_dma2 semaphore(%arg5 : memref<!tpu.dma_semaphore, #tpu.memory_space<semaphore_mem>>) src(%arg4 : memref<12x8x128xf32, #tpu.memory_space<vmem>>) dst(%dma_wait3A_1272 : memref<12x8x128xf32, #tpu.memory_space<hbm>>)
    %dma_wait3A_1273 = arith.constant 0 : i32
    %dma_wait3A_1274 = arith.constant 0 : i32
    %dma_wait3A_1275 = tpu.memref_slice %arg3[%dma_wait3A_1273, %add3A_784, %dma_wait3A_1274] : memref<12x16384x128xf32, #tpu.memory_space<hbm>> -> memref<12x8x128xf32, #tpu.memory_space<hbm>>
    %dma_wait3A_1276 = arith.constant 0 : i32
    %dma_wait3A_1277 = arith.constant 0 : i32
    %dma_wait3A_1278 = tpu.memref_slice %arg3[%dma_wait3A_1276, %add3A_784, %dma_wait3A_1277] : memref<12x16384x128xf32, #tpu.memory_space<hbm>> -> memref<12x8x128xf32, #tpu.memory_space<hbm>>
    tpu.wait_dma2 semaphore(%arg5 : memref<!tpu.dma_semaphore, #tpu.memory_space<semaphore_mem>>) src(%arg4 : memref<12x8x128xf32, #tpu.memory_space<vmem>>) dst(%dma_wait3A_1278 : memref<12x8x128xf32, #tpu.memory_space<hbm>>)
    %dma_wait3A_1279 = arith.constant 0 : i32
    %dma_wait3A_1280 = arith.constant 0 : i32
    %dma_wait3A_1281 = tpu.memref_slice %arg3[%dma_wait3A_1279, %add3A_792, %dma_wait3A_1280] : memref<12x16384x128xf32, #tpu.memory_space<hbm>> -> memref<12x8x128xf32, #tpu.memory_space<hbm>>
    %dma_wait3A_1282 = arith.constant 0 : i32
    %dma_wait3A_1283 = arith.constant 0 : i32
    %dma_wait3A_1284 = tpu.memref_slice %arg3[%dma_wait3A_1282, %add3A_792, %dma_wait3A_1283] : memref<12x16384x128xf32, #tpu.memory_space<hbm>> -> memref<12x8x128xf32, #tpu.memory_space<hbm>>
    tpu.wait_dma2 semaphore(%arg5 : memref<!tpu.dma_semaphore, #tpu.memory_space<semaphore_mem>>) src(%arg4 : memref<12x8x128xf32, #tpu.memory_space<vmem>>) dst(%dma_wait3A_1284 : memref<12x8x128xf32, #tpu.memory_space<hbm>>)
    %dma_wait3A_1285 = arith.constant 0 : i32
    %dma_wait3A_1286 = arith.constant 0 : i32
    %dma_wait3A_1287 = tpu.memref_slice %arg3[%dma_wait3A_1285, %add3A_800, %dma_wait3A_1286] : memref<12x16384x128xf32, #tpu.memory_space<hbm>> -> memref<12x8x128xf32, #tpu.memory_space<hbm>>
    %dma_wait3A_1288 = arith.constant 0 : i32
    %dma_wait3A_1289 = arith.constant 0 : i32
    %dma_wait3A_1290 = tpu.memref_slice %arg3[%dma_wait3A_1288, %add3A_800, %dma_wait3A_1289] : memref<12x16384x128xf32, #tpu.memory_space<hbm>> -> memref<12x8x128xf32, #tpu.memory_space<hbm>>
    tpu.wait_dma2 semaphore(%arg5 : memref<!tpu.dma_semaphore, #tpu.memory_space<semaphore_mem>>) src(%arg4 : memref<12x8x128xf32, #tpu.memory_space<vmem>>) dst(%dma_wait3A_1290 : memref<12x8x128xf32, #tpu.memory_space<hbm>>)
    %dma_wait3A_1291 = arith.constant 0 : i32
    %dma_wait3A_1292 = arith.constant 0 : i32
    %dma_wait3A_1293 = tpu.memref_slice %arg3[%dma_wait3A_1291, %add3A_808, %dma_wait3A_1292] : memref<12x16384x128xf32, #tpu.memory_space<hbm>> -> memref<12x8x128xf32, #tpu.memory_space<hbm>>
    %dma_wait3A_1294 = arith.constant 0 : i32
    %dma_wait3A_1295 = arith.constant 0 : i32
    %dma_wait3A_1296 = tpu.memref_slice %arg3[%dma_wait3A_1294, %add3A_808, %dma_wait3A_1295] : memref<12x16384x128xf32, #tpu.memory_space<hbm>> -> memref<12x8x128xf32, #tpu.memory_space<hbm>>
    tpu.wait_dma2 semaphore(%arg5 : memref<!tpu.dma_semaphore, #tpu.memory_space<semaphore_mem>>) src(%arg4 : memref<12x8x128xf32, #tpu.memory_space<vmem>>) dst(%dma_wait3A_1296 : memref<12x8x128xf32, #tpu.memory_space<hbm>>)
    %dma_wait3A_1297 = arith.constant 0 : i32
    %dma_wait3A_1298 = arith.constant 0 : i32
    %dma_wait3A_1299 = tpu.memref_slice %arg3[%dma_wait3A_1297, %add3A_816, %dma_wait3A_1298] : memref<12x16384x128xf32, #tpu.memory_space<hbm>> -> memref<12x8x128xf32, #tpu.memory_space<hbm>>
    %dma_wait3A_1300 = arith.constant 0 : i32
    %dma_wait3A_1301 = arith.constant 0 : i32
    %dma_wait3A_1302 = tpu.memref_slice %arg3[%dma_wait3A_1300, %add3A_816, %dma_wait3A_1301] : memref<12x16384x128xf32, #tpu.memory_space<hbm>> -> memref<12x8x128xf32, #tpu.memory_space<hbm>>
    tpu.wait_dma2 semaphore(%arg5 : memref<!tpu.dma_semaphore, #tpu.memory_space<semaphore_mem>>) src(%arg4 : memref<12x8x128xf32, #tpu.memory_space<vmem>>) dst(%dma_wait3A_1302 : memref<12x8x128xf32, #tpu.memory_space<hbm>>)
    %dma_wait3A_1303 = arith.constant 0 : i32
    %dma_wait3A_1304 = arith.constant 0 : i32
    %dma_wait3A_1305 = tpu.memref_slice %arg3[%dma_wait3A_1303, %add3A_824, %dma_wait3A_1304] : memref<12x16384x128xf32, #tpu.memory_space<hbm>> -> memref<12x8x128xf32, #tpu.memory_space<hbm>>
    %dma_wait3A_1306 = arith.constant 0 : i32
    %dma_wait3A_1307 = arith.constant 0 : i32
    %dma_wait3A_1308 = tpu.memref_slice %arg3[%dma_wait3A_1306, %add3A_824, %dma_wait3A_1307] : memref<12x16384x128xf32, #tpu.memory_space<hbm>> -> memref<12x8x128xf32, #tpu.memory_space<hbm>>
    tpu.wait_dma2 semaphore(%arg5 : memref<!tpu.dma_semaphore, #tpu.memory_space<semaphore_mem>>) src(%arg4 : memref<12x8x128xf32, #tpu.memory_space<vmem>>) dst(%dma_wait3A_1308 : memref<12x8x128xf32, #tpu.memory_space<hbm>>)
    %dma_wait3A_1309 = arith.constant 0 : i32
    %dma_wait3A_1310 = arith.constant 0 : i32
    %dma_wait3A_1311 = tpu.memref_slice %arg3[%dma_wait3A_1309, %add3A_832, %dma_wait3A_1310] : memref<12x16384x128xf32, #tpu.memory_space<hbm>> -> memref<12x8x128xf32, #tpu.memory_space<hbm>>
    %dma_wait3A_1312 = arith.constant 0 : i32
    %dma_wait3A_1313 = arith.constant 0 : i32
    %dma_wait3A_1314 = tpu.memref_slice %arg3[%dma_wait3A_1312, %add3A_832, %dma_wait3A_1313] : memref<12x16384x128xf32, #tpu.memory_space<hbm>> -> memref<12x8x128xf32, #tpu.memory_space<hbm>>
    tpu.wait_dma2 semaphore(%arg5 : memref<!tpu.dma_semaphore, #tpu.memory_space<semaphore_mem>>) src(%arg4 : memref<12x8x128xf32, #tpu.memory_space<vmem>>) dst(%dma_wait3A_1314 : memref<12x8x128xf32, #tpu.memory_space<hbm>>)
    %dma_wait3A_1315 = arith.constant 0 : i32
    %dma_wait3A_1316 = arith.constant 0 : i32
    %dma_wait3A_1317 = tpu.memref_slice %arg3[%dma_wait3A_1315, %add3A_840, %dma_wait3A_1316] : memref<12x16384x128xf32, #tpu.memory_space<hbm>> -> memref<12x8x128xf32, #tpu.memory_space<hbm>>
    %dma_wait3A_1318 = arith.constant 0 : i32
    %dma_wait3A_1319 = arith.constant 0 : i32
    %dma_wait3A_1320 = tpu.memref_slice %arg3[%dma_wait3A_1318, %add3A_840, %dma_wait3A_1319] : memref<12x16384x128xf32, #tpu.memory_space<hbm>> -> memref<12x8x128xf32, #tpu.memory_space<hbm>>
    tpu.wait_dma2 semaphore(%arg5 : memref<!tpu.dma_semaphore, #tpu.memory_space<semaphore_mem>>) src(%arg4 : memref<12x8x128xf32, #tpu.memory_space<vmem>>) dst(%dma_wait3A_1320 : memref<12x8x128xf32, #tpu.memory_space<hbm>>)
    %dma_wait3A_1321 = arith.constant 0 : i32
    %dma_wait3A_1322 = arith.constant 0 : i32
    %dma_wait3A_1323 = tpu.memref_slice %arg3[%dma_wait3A_1321, %add3A_848, %dma_wait3A_1322] : memref<12x16384x128xf32, #tpu.memory_space<hbm>> -> memref<12x8x128xf32, #tpu.memory_space<hbm>>
    %dma_wait3A_1324 = arith.constant 0 : i32
    %dma_wait3A_1325 = arith.constant 0 : i32
    %dma_wait3A_1326 = tpu.memref_slice %arg3[%dma_wait3A_1324, %add3A_848, %dma_wait3A_1325] : memref<12x16384x128xf32, #tpu.memory_space<hbm>> -> memref<12x8x128xf32, #tpu.memory_space<hbm>>
    tpu.wait_dma2 semaphore(%arg5 : memref<!tpu.dma_semaphore, #tpu.memory_space<semaphore_mem>>) src(%arg4 : memref<12x8x128xf32, #tpu.memory_space<vmem>>) dst(%dma_wait3A_1326 : memref<12x8x128xf32, #tpu.memory_space<hbm>>)
    %dma_wait3A_1327 = arith.constant 0 : i32
    %dma_wait3A_1328 = arith.constant 0 : i32
    %dma_wait3A_1329 = tpu.memref_slice %arg3[%dma_wait3A_1327, %add3A_856, %dma_wait3A_1328] : memref<12x16384x128xf32, #tpu.memory_space<hbm>> -> memref<12x8x128xf32, #tpu.memory_space<hbm>>
    %dma_wait3A_1330 = arith.constant 0 : i32
    %dma_wait3A_1331 = arith.constant 0 : i32
    %dma_wait3A_1332 = tpu.memref_slice %arg3[%dma_wait3A_1330, %add3A_856, %dma_wait3A_1331] : memref<12x16384x128xf32, #tpu.memory_space<hbm>> -> memref<12x8x128xf32, #tpu.memory_space<hbm>>
    tpu.wait_dma2 semaphore(%arg5 : memref<!tpu.dma_semaphore, #tpu.memory_space<semaphore_mem>>) src(%arg4 : memref<12x8x128xf32, #tpu.memory_space<vmem>>) dst(%dma_wait3A_1332 : memref<12x8x128xf32, #tpu.memory_space<hbm>>)
    %dma_wait3A_1333 = arith.constant 0 : i32
    %dma_wait3A_1334 = arith.constant 0 : i32
    %dma_wait3A_1335 = tpu.memref_slice %arg3[%dma_wait3A_1333, %add3A_864, %dma_wait3A_1334] : memref<12x16384x128xf32, #tpu.memory_space<hbm>> -> memref<12x8x128xf32, #tpu.memory_space<hbm>>
    %dma_wait3A_1336 = arith.constant 0 : i32
    %dma_wait3A_1337 = arith.constant 0 : i32
    %dma_wait3A_1338 = tpu.memref_slice %arg3[%dma_wait3A_1336, %add3A_864, %dma_wait3A_1337] : memref<12x16384x128xf32, #tpu.memory_space<hbm>> -> memref<12x8x128xf32, #tpu.memory_space<hbm>>
    tpu.wait_dma2 semaphore(%arg5 : memref<!tpu.dma_semaphore, #tpu.memory_space<semaphore_mem>>) src(%arg4 : memref<12x8x128xf32, #tpu.memory_space<vmem>>) dst(%dma_wait3A_1338 : memref<12x8x128xf32, #tpu.memory_space<hbm>>)
    %dma_wait3A_1339 = arith.constant 0 : i32
    %dma_wait3A_1340 = arith.constant 0 : i32
    %dma_wait3A_1341 = tpu.memref_slice %arg3[%dma_wait3A_1339, %add3A_872, %dma_wait3A_1340] : memref<12x16384x128xf32, #tpu.memory_space<hbm>> -> memref<12x8x128xf32, #tpu.memory_space<hbm>>
    %dma_wait3A_1342 = arith.constant 0 : i32
    %dma_wait3A_1343 = arith.constant 0 : i32
    %dma_wait3A_1344 = tpu.memref_slice %arg3[%dma_wait3A_1342, %add3A_872, %dma_wait3A_1343] : memref<12x16384x128xf32, #tpu.memory_space<hbm>> -> memref<12x8x128xf32, #tpu.memory_space<hbm>>
    tpu.wait_dma2 semaphore(%arg5 : memref<!tpu.dma_semaphore, #tpu.memory_space<semaphore_mem>>) src(%arg4 : memref<12x8x128xf32, #tpu.memory_space<vmem>>) dst(%dma_wait3A_1344 : memref<12x8x128xf32, #tpu.memory_space<hbm>>)
    %dma_wait3A_1345 = arith.constant 0 : i32
    %dma_wait3A_1346 = arith.constant 0 : i32
    %dma_wait3A_1347 = tpu.memref_slice %arg3[%dma_wait3A_1345, %add3A_880, %dma_wait3A_1346] : memref<12x16384x128xf32, #tpu.memory_space<hbm>> -> memref<12x8x128xf32, #tpu.memory_space<hbm>>
    %dma_wait3A_1348 = arith.constant 0 : i32
    %dma_wait3A_1349 = arith.constant 0 : i32
    %dma_wait3A_1350 = tpu.memref_slice %arg3[%dma_wait3A_1348, %add3A_880, %dma_wait3A_1349] : memref<12x16384x128xf32, #tpu.memory_space<hbm>> -> memref<12x8x128xf32, #tpu.memory_space<hbm>>
    tpu.wait_dma2 semaphore(%arg5 : memref<!tpu.dma_semaphore, #tpu.memory_space<semaphore_mem>>) src(%arg4 : memref<12x8x128xf32, #tpu.memory_space<vmem>>) dst(%dma_wait3A_1350 : memref<12x8x128xf32, #tpu.memory_space<hbm>>)
    %dma_wait3A_1351 = arith.constant 0 : i32
    %dma_wait3A_1352 = arith.constant 0 : i32
    %dma_wait3A_1353 = tpu.memref_slice %arg3[%dma_wait3A_1351, %add3A_888, %dma_wait3A_1352] : memref<12x16384x128xf32, #tpu.memory_space<hbm>> -> memref<12x8x128xf32, #tpu.memory_space<hbm>>
    %dma_wait3A_1354 = arith.constant 0 : i32
    %dma_wait3A_1355 = arith.constant 0 : i32
    %dma_wait3A_1356 = tpu.memref_slice %arg3[%dma_wait3A_1354, %add3A_888, %dma_wait3A_1355] : memref<12x16384x128xf32, #tpu.memory_space<hbm>> -> memref<12x8x128xf32, #tpu.memory_space<hbm>>
    tpu.wait_dma2 semaphore(%arg5 : memref<!tpu.dma_semaphore, #tpu.memory_space<semaphore_mem>>) src(%arg4 : memref<12x8x128xf32, #tpu.memory_space<vmem>>) dst(%dma_wait3A_1356 : memref<12x8x128xf32, #tpu.memory_space<hbm>>)
    %dma_wait3A_1357 = arith.constant 0 : i32
    %dma_wait3A_1358 = arith.constant 0 : i32
    %dma_wait3A_1359 = tpu.memref_slice %arg3[%dma_wait3A_1357, %add3A_896, %dma_wait3A_1358] : memref<12x16384x128xf32, #tpu.memory_space<hbm>> -> memref<12x8x128xf32, #tpu.memory_space<hbm>>
    %dma_wait3A_1360 = arith.constant 0 : i32
    %dma_wait3A_1361 = arith.constant 0 : i32
    %dma_wait3A_1362 = tpu.memref_slice %arg3[%dma_wait3A_1360, %add3A_896, %dma_wait3A_1361] : memref<12x16384x128xf32, #tpu.memory_space<hbm>> -> memref<12x8x128xf32, #tpu.memory_space<hbm>>
    tpu.wait_dma2 semaphore(%arg5 : memref<!tpu.dma_semaphore, #tpu.memory_space<semaphore_mem>>) src(%arg4 : memref<12x8x128xf32, #tpu.memory_space<vmem>>) dst(%dma_wait3A_1362 : memref<12x8x128xf32, #tpu.memory_space<hbm>>)
    %dma_wait3A_1363 = arith.constant 0 : i32
    %dma_wait3A_1364 = arith.constant 0 : i32
    %dma_wait3A_1365 = tpu.memref_slice %arg3[%dma_wait3A_1363, %add3A_904, %dma_wait3A_1364] : memref<12x16384x128xf32, #tpu.memory_space<hbm>> -> memref<12x8x128xf32, #tpu.memory_space<hbm>>
    %dma_wait3A_1366 = arith.constant 0 : i32
    %dma_wait3A_1367 = arith.constant 0 : i32
    %dma_wait3A_1368 = tpu.memref_slice %arg3[%dma_wait3A_1366, %add3A_904, %dma_wait3A_1367] : memref<12x16384x128xf32, #tpu.memory_space<hbm>> -> memref<12x8x128xf32, #tpu.memory_space<hbm>>
    tpu.wait_dma2 semaphore(%arg5 : memref<!tpu.dma_semaphore, #tpu.memory_space<semaphore_mem>>) src(%arg4 : memref<12x8x128xf32, #tpu.memory_space<vmem>>) dst(%dma_wait3A_1368 : memref<12x8x128xf32, #tpu.memory_space<hbm>>)
    %dma_wait3A_1369 = arith.constant 0 : i32
    %dma_wait3A_1370 = arith.constant 0 : i32
    %dma_wait3A_1371 = tpu.memref_slice %arg3[%dma_wait3A_1369, %add3A_912, %dma_wait3A_1370] : memref<12x16384x128xf32, #tpu.memory_space<hbm>> -> memref<12x8x128xf32, #tpu.memory_space<hbm>>
    %dma_wait3A_1372 = arith.constant 0 : i32
    %dma_wait3A_1373 = arith.constant 0 : i32
    %dma_wait3A_1374 = tpu.memref_slice %arg3[%dma_wait3A_1372, %add3A_912, %dma_wait3A_1373] : memref<12x16384x128xf32, #tpu.memory_space<hbm>> -> memref<12x8x128xf32, #tpu.memory_space<hbm>>
    tpu.wait_dma2 semaphore(%arg5 : memref<!tpu.dma_semaphore, #tpu.memory_space<semaphore_mem>>) src(%arg4 : memref<12x8x128xf32, #tpu.memory_space<vmem>>) dst(%dma_wait3A_1374 : memref<12x8x128xf32, #tpu.memory_space<hbm>>)
    %dma_wait3A_1375 = arith.constant 0 : i32
    %dma_wait3A_1376 = arith.constant 0 : i32
    %dma_wait3A_1377 = tpu.memref_slice %arg3[%dma_wait3A_1375, %add3A_920, %dma_wait3A_1376] : memref<12x16384x128xf32, #tpu.memory_space<hbm>> -> memref<12x8x128xf32, #tpu.memory_space<hbm>>
    %dma_wait3A_1378 = arith.constant 0 : i32
    %dma_wait3A_1379 = arith.constant 0 : i32
    %dma_wait3A_1380 = tpu.memref_slice %arg3[%dma_wait3A_1378, %add3A_920, %dma_wait3A_1379] : memref<12x16384x128xf32, #tpu.memory_space<hbm>> -> memref<12x8x128xf32, #tpu.memory_space<hbm>>
    tpu.wait_dma2 semaphore(%arg5 : memref<!tpu.dma_semaphore, #tpu.memory_space<semaphore_mem>>) src(%arg4 : memref<12x8x128xf32, #tpu.memory_space<vmem>>) dst(%dma_wait3A_1380 : memref<12x8x128xf32, #tpu.memory_space<hbm>>)
    %dma_wait3A_1381 = arith.constant 0 : i32
    %dma_wait3A_1382 = arith.constant 0 : i32
    %dma_wait3A_1383 = tpu.memref_slice %arg3[%dma_wait3A_1381, %add3A_928, %dma_wait3A_1382] : memref<12x16384x128xf32, #tpu.memory_space<hbm>> -> memref<12x8x128xf32, #tpu.memory_space<hbm>>
    %dma_wait3A_1384 = arith.constant 0 : i32
    %dma_wait3A_1385 = arith.constant 0 : i32
    %dma_wait3A_1386 = tpu.memref_slice %arg3[%dma_wait3A_1384, %add3A_928, %dma_wait3A_1385] : memref<12x16384x128xf32, #tpu.memory_space<hbm>> -> memref<12x8x128xf32, #tpu.memory_space<hbm>>
    tpu.wait_dma2 semaphore(%arg5 : memref<!tpu.dma_semaphore, #tpu.memory_space<semaphore_mem>>) src(%arg4 : memref<12x8x128xf32, #tpu.memory_space<vmem>>) dst(%dma_wait3A_1386 : memref<12x8x128xf32, #tpu.memory_space<hbm>>)
    %dma_wait3A_1387 = arith.constant 0 : i32
    %dma_wait3A_1388 = arith.constant 0 : i32
    %dma_wait3A_1389 = tpu.memref_slice %arg3[%dma_wait3A_1387, %add3A_936, %dma_wait3A_1388] : memref<12x16384x128xf32, #tpu.memory_space<hbm>> -> memref<12x8x128xf32, #tpu.memory_space<hbm>>
    %dma_wait3A_1390 = arith.constant 0 : i32
    %dma_wait3A_1391 = arith.constant 0 : i32
    %dma_wait3A_1392 = tpu.memref_slice %arg3[%dma_wait3A_1390, %add3A_936, %dma_wait3A_1391] : memref<12x16384x128xf32, #tpu.memory_space<hbm>> -> memref<12x8x128xf32, #tpu.memory_space<hbm>>
    tpu.wait_dma2 semaphore(%arg5 : memref<!tpu.dma_semaphore, #tpu.memory_space<semaphore_mem>>) src(%arg4 : memref<12x8x128xf32, #tpu.memory_space<vmem>>) dst(%dma_wait3A_1392 : memref<12x8x128xf32, #tpu.memory_space<hbm>>)
    %dma_wait3A_1393 = arith.constant 0 : i32
    %dma_wait3A_1394 = arith.constant 0 : i32
    %dma_wait3A_1395 = tpu.memref_slice %arg3[%dma_wait3A_1393, %add3A_944, %dma_wait3A_1394] : memref<12x16384x128xf32, #tpu.memory_space<hbm>> -> memref<12x8x128xf32, #tpu.memory_space<hbm>>
    %dma_wait3A_1396 = arith.constant 0 : i32
    %dma_wait3A_1397 = arith.constant 0 : i32
    %dma_wait3A_1398 = tpu.memref_slice %arg3[%dma_wait3A_1396, %add3A_944, %dma_wait3A_1397] : memref<12x16384x128xf32, #tpu.memory_space<hbm>> -> memref<12x8x128xf32, #tpu.memory_space<hbm>>
    tpu.wait_dma2 semaphore(%arg5 : memref<!tpu.dma_semaphore, #tpu.memory_space<semaphore_mem>>) src(%arg4 : memref<12x8x128xf32, #tpu.memory_space<vmem>>) dst(%dma_wait3A_1398 : memref<12x8x128xf32, #tpu.memory_space<hbm>>)
    %dma_wait3A_1399 = arith.constant 0 : i32
    %dma_wait3A_1400 = arith.constant 0 : i32
    %dma_wait3A_1401 = tpu.memref_slice %arg3[%dma_wait3A_1399, %add3A_952, %dma_wait3A_1400] : memref<12x16384x128xf32, #tpu.memory_space<hbm>> -> memref<12x8x128xf32, #tpu.memory_space<hbm>>
    %dma_wait3A_1402 = arith.constant 0 : i32
    %dma_wait3A_1403 = arith.constant 0 : i32
    %dma_wait3A_1404 = tpu.memref_slice %arg3[%dma_wait3A_1402, %add3A_952, %dma_wait3A_1403] : memref<12x16384x128xf32, #tpu.memory_space<hbm>> -> memref<12x8x128xf32, #tpu.memory_space<hbm>>
    tpu.wait_dma2 semaphore(%arg5 : memref<!tpu.dma_semaphore, #tpu.memory_space<semaphore_mem>>) src(%arg4 : memref<12x8x128xf32, #tpu.memory_space<vmem>>) dst(%dma_wait3A_1404 : memref<12x8x128xf32, #tpu.memory_space<hbm>>)
    %dma_wait3A_1405 = arith.constant 0 : i32
    %dma_wait3A_1406 = arith.constant 0 : i32
    %dma_wait3A_1407 = tpu.memref_slice %arg3[%dma_wait3A_1405, %add3A_960, %dma_wait3A_1406] : memref<12x16384x128xf32, #tpu.memory_space<hbm>> -> memref<12x8x128xf32, #tpu.memory_space<hbm>>
    %dma_wait3A_1408 = arith.constant 0 : i32
    %dma_wait3A_1409 = arith.constant 0 : i32
    %dma_wait3A_1410 = tpu.memref_slice %arg3[%dma_wait3A_1408, %add3A_960, %dma_wait3A_1409] : memref<12x16384x128xf32, #tpu.memory_space<hbm>> -> memref<12x8x128xf32, #tpu.memory_space<hbm>>
    tpu.wait_dma2 semaphore(%arg5 : memref<!tpu.dma_semaphore, #tpu.memory_space<semaphore_mem>>) src(%arg4 : memref<12x8x128xf32, #tpu.memory_space<vmem>>) dst(%dma_wait3A_1410 : memref<12x8x128xf32, #tpu.memory_space<hbm>>)
    %dma_wait3A_1411 = arith.constant 0 : i32
    %dma_wait3A_1412 = arith.constant 0 : i32
    %dma_wait3A_1413 = tpu.memref_slice %arg3[%dma_wait3A_1411, %add3A_968, %dma_wait3A_1412] : memref<12x16384x128xf32, #tpu.memory_space<hbm>> -> memref<12x8x128xf32, #tpu.memory_space<hbm>>
    %dma_wait3A_1414 = arith.constant 0 : i32
    %dma_wait3A_1415 = arith.constant 0 : i32
    %dma_wait3A_1416 = tpu.memref_slice %arg3[%dma_wait3A_1414, %add3A_968, %dma_wait3A_1415] : memref<12x16384x128xf32, #tpu.memory_space<hbm>> -> memref<12x8x128xf32, #tpu.memory_space<hbm>>
    tpu.wait_dma2 semaphore(%arg5 : memref<!tpu.dma_semaphore, #tpu.memory_space<semaphore_mem>>) src(%arg4 : memref<12x8x128xf32, #tpu.memory_space<vmem>>) dst(%dma_wait3A_1416 : memref<12x8x128xf32, #tpu.memory_space<hbm>>)
    %dma_wait3A_1417 = arith.constant 0 : i32
    %dma_wait3A_1418 = arith.constant 0 : i32
    %dma_wait3A_1419 = tpu.memref_slice %arg3[%dma_wait3A_1417, %add3A_976, %dma_wait3A_1418] : memref<12x16384x128xf32, #tpu.memory_space<hbm>> -> memref<12x8x128xf32, #tpu.memory_space<hbm>>
    %dma_wait3A_1420 = arith.constant 0 : i32
    %dma_wait3A_1421 = arith.constant 0 : i32
    %dma_wait3A_1422 = tpu.memref_slice %arg3[%dma_wait3A_1420, %add3A_976, %dma_wait3A_1421] : memref<12x16384x128xf32, #tpu.memory_space<hbm>> -> memref<12x8x128xf32, #tpu.memory_space<hbm>>
    tpu.wait_dma2 semaphore(%arg5 : memref<!tpu.dma_semaphore, #tpu.memory_space<semaphore_mem>>) src(%arg4 : memref<12x8x128xf32, #tpu.memory_space<vmem>>) dst(%dma_wait3A_1422 : memref<12x8x128xf32, #tpu.memory_space<hbm>>)
    %dma_wait3A_1423 = arith.constant 0 : i32
    %dma_wait3A_1424 = arith.constant 0 : i32
    %dma_wait3A_1425 = tpu.memref_slice %arg3[%dma_wait3A_1423, %add3A_984, %dma_wait3A_1424] : memref<12x16384x128xf32, #tpu.memory_space<hbm>> -> memref<12x8x128xf32, #tpu.memory_space<hbm>>
    %dma_wait3A_1426 = arith.constant 0 : i32
    %dma_wait3A_1427 = arith.constant 0 : i32
    %dma_wait3A_1428 = tpu.memref_slice %arg3[%dma_wait3A_1426, %add3A_984, %dma_wait3A_1427] : memref<12x16384x128xf32, #tpu.memory_space<hbm>> -> memref<12x8x128xf32, #tpu.memory_space<hbm>>
    tpu.wait_dma2 semaphore(%arg5 : memref<!tpu.dma_semaphore, #tpu.memory_space<semaphore_mem>>) src(%arg4 : memref<12x8x128xf32, #tpu.memory_space<vmem>>) dst(%dma_wait3A_1428 : memref<12x8x128xf32, #tpu.memory_space<hbm>>)
    %dma_wait3A_1429 = arith.constant 0 : i32
    %dma_wait3A_1430 = arith.constant 0 : i32
    %dma_wait3A_1431 = tpu.memref_slice %arg3[%dma_wait3A_1429, %add3A_992, %dma_wait3A_1430] : memref<12x16384x128xf32, #tpu.memory_space<hbm>> -> memref<12x8x128xf32, #tpu.memory_space<hbm>>
    %dma_wait3A_1432 = arith.constant 0 : i32
    %dma_wait3A_1433 = arith.constant 0 : i32
    %dma_wait3A_1434 = tpu.memref_slice %arg3[%dma_wait3A_1432, %add3A_992, %dma_wait3A_1433] : memref<12x16384x128xf32, #tpu.memory_space<hbm>> -> memref<12x8x128xf32, #tpu.memory_space<hbm>>
    tpu.wait_dma2 semaphore(%arg5 : memref<!tpu.dma_semaphore, #tpu.memory_space<semaphore_mem>>) src(%arg4 : memref<12x8x128xf32, #tpu.memory_space<vmem>>) dst(%dma_wait3A_1434 : memref<12x8x128xf32, #tpu.memory_space<hbm>>)
    %dma_wait3A_1435 = arith.constant 0 : i32
    %dma_wait3A_1436 = arith.constant 0 : i32
    %dma_wait3A_1437 = tpu.memref_slice %arg3[%dma_wait3A_1435, %add3A_1000, %dma_wait3A_1436] : memref<12x16384x128xf32, #tpu.memory_space<hbm>> -> memref<12x8x128xf32, #tpu.memory_space<hbm>>
    %dma_wait3A_1438 = arith.constant 0 : i32
    %dma_wait3A_1439 = arith.constant 0 : i32
    %dma_wait3A_1440 = tpu.memref_slice %arg3[%dma_wait3A_1438, %add3A_1000, %dma_wait3A_1439] : memref<12x16384x128xf32, #tpu.memory_space<hbm>> -> memref<12x8x128xf32, #tpu.memory_space<hbm>>
    tpu.wait_dma2 semaphore(%arg5 : memref<!tpu.dma_semaphore, #tpu.memory_space<semaphore_mem>>) src(%arg4 : memref<12x8x128xf32, #tpu.memory_space<vmem>>) dst(%dma_wait3A_1440 : memref<12x8x128xf32, #tpu.memory_space<hbm>>)
    %dma_wait3A_1441 = arith.constant 0 : i32
    %dma_wait3A_1442 = arith.constant 0 : i32
    %dma_wait3A_1443 = tpu.memref_slice %arg3[%dma_wait3A_1441, %add3A_1008, %dma_wait3A_1442] : memref<12x16384x128xf32, #tpu.memory_space<hbm>> -> memref<12x8x128xf32, #tpu.memory_space<hbm>>
    %dma_wait3A_1444 = arith.constant 0 : i32
    %dma_wait3A_1445 = arith.constant 0 : i32
    %dma_wait3A_1446 = tpu.memref_slice %arg3[%dma_wait3A_1444, %add3A_1008, %dma_wait3A_1445] : memref<12x16384x128xf32, #tpu.memory_space<hbm>> -> memref<12x8x128xf32, #tpu.memory_space<hbm>>
    tpu.wait_dma2 semaphore(%arg5 : memref<!tpu.dma_semaphore, #tpu.memory_space<semaphore_mem>>) src(%arg4 : memref<12x8x128xf32, #tpu.memory_space<vmem>>) dst(%dma_wait3A_1446 : memref<12x8x128xf32, #tpu.memory_space<hbm>>)
    %dma_wait3A_1447 = arith.constant 0 : i32
    %dma_wait3A_1448 = arith.constant 0 : i32
    %dma_wait3A_1449 = tpu.memref_slice %arg3[%dma_wait3A_1447, %add3A_1016, %dma_wait3A_1448] : memref<12x16384x128xf32, #tpu.memory_space<hbm>> -> memref<12x8x128xf32, #tpu.memory_space<hbm>>
    %dma_wait3A_1450 = arith.constant 0 : i32
    %dma_wait3A_1451 = arith.constant 0 : i32
    %dma_wait3A_1452 = tpu.memref_slice %arg3[%dma_wait3A_1450, %add3A_1016, %dma_wait3A_1451] : memref<12x16384x128xf32, #tpu.memory_space<hbm>> -> memref<12x8x128xf32, #tpu.memory_space<hbm>>
    tpu.wait_dma2 semaphore(%arg5 : memref<!tpu.dma_semaphore, #tpu.memory_space<semaphore_mem>>) src(%arg4 : memref<12x8x128xf32, #tpu.memory_space<vmem>>) dst(%dma_wait3A_1452 : memref<12x8x128xf32, #tpu.memory_space<hbm>>)
    %dma_wait3A_1453 = arith.constant 0 : i32
    %dma_wait3A_1454 = arith.constant 0 : i32
    %dma_wait3A_1455 = tpu.memref_slice %arg3[%dma_wait3A_1453, %add3A_1024, %dma_wait3A_1454] : memref<12x16384x128xf32, #tpu.memory_space<hbm>> -> memref<12x8x128xf32, #tpu.memory_space<hbm>>
    %dma_wait3A_1456 = arith.constant 0 : i32
    %dma_wait3A_1457 = arith.constant 0 : i32
    %dma_wait3A_1458 = tpu.memref_slice %arg3[%dma_wait3A_1456, %add3A_1024, %dma_wait3A_1457] : memref<12x16384x128xf32, #tpu.memory_space<hbm>> -> memref<12x8x128xf32, #tpu.memory_space<hbm>>
    tpu.wait_dma2 semaphore(%arg5 : memref<!tpu.dma_semaphore, #tpu.memory_space<semaphore_mem>>) src(%arg4 : memref<12x8x128xf32, #tpu.memory_space<vmem>>) dst(%dma_wait3A_1458 : memref<12x8x128xf32, #tpu.memory_space<hbm>>)
    %dma_wait3A_1459 = arith.constant 0 : i32
    %dma_wait3A_1460 = arith.constant 0 : i32
    %dma_wait3A_1461 = tpu.memref_slice %arg3[%dma_wait3A_1459, %add3A_1032, %dma_wait3A_1460] : memref<12x16384x128xf32, #tpu.memory_space<hbm>> -> memref<12x8x128xf32, #tpu.memory_space<hbm>>
    %dma_wait3A_1462 = arith.constant 0 : i32
    %dma_wait3A_1463 = arith.constant 0 : i32
    %dma_wait3A_1464 = tpu.memref_slice %arg3[%dma_wait3A_1462, %add3A_1032, %dma_wait3A_1463] : memref<12x16384x128xf32, #tpu.memory_space<hbm>> -> memref<12x8x128xf32, #tpu.memory_space<hbm>>
    tpu.wait_dma2 semaphore(%arg5 : memref<!tpu.dma_semaphore, #tpu.memory_space<semaphore_mem>>) src(%arg4 : memref<12x8x128xf32, #tpu.memory_space<vmem>>) dst(%dma_wait3A_1464 : memref<12x8x128xf32, #tpu.memory_space<hbm>>)
    %dma_wait3A_1465 = arith.constant 0 : i32
    %dma_wait3A_1466 = arith.constant 0 : i32
    %dma_wait3A_1467 = tpu.memref_slice %arg3[%dma_wait3A_1465, %add3A_1040, %dma_wait3A_1466] : memref<12x16384x128xf32, #tpu.memory_space<hbm>> -> memref<12x8x128xf32, #tpu.memory_space<hbm>>
    %dma_wait3A_1468 = arith.constant 0 : i32
    %dma_wait3A_1469 = arith.constant 0 : i32
    %dma_wait3A_1470 = tpu.memref_slice %arg3[%dma_wait3A_1468, %add3A_1040, %dma_wait3A_1469] : memref<12x16384x128xf32, #tpu.memory_space<hbm>> -> memref<12x8x128xf32, #tpu.memory_space<hbm>>
    tpu.wait_dma2 semaphore(%arg5 : memref<!tpu.dma_semaphore, #tpu.memory_space<semaphore_mem>>) src(%arg4 : memref<12x8x128xf32, #tpu.memory_space<vmem>>) dst(%dma_wait3A_1470 : memref<12x8x128xf32, #tpu.memory_space<hbm>>)
    %dma_wait3A_1471 = arith.constant 0 : i32
    %dma_wait3A_1472 = arith.constant 0 : i32
    %dma_wait3A_1473 = tpu.memref_slice %arg3[%dma_wait3A_1471, %add3A_1048, %dma_wait3A_1472] : memref<12x16384x128xf32, #tpu.memory_space<hbm>> -> memref<12x8x128xf32, #tpu.memory_space<hbm>>
    %dma_wait3A_1474 = arith.constant 0 : i32
    %dma_wait3A_1475 = arith.constant 0 : i32
    %dma_wait3A_1476 = tpu.memref_slice %arg3[%dma_wait3A_1474, %add3A_1048, %dma_wait3A_1475] : memref<12x16384x128xf32, #tpu.memory_space<hbm>> -> memref<12x8x128xf32, #tpu.memory_space<hbm>>
    tpu.wait_dma2 semaphore(%arg5 : memref<!tpu.dma_semaphore, #tpu.memory_space<semaphore_mem>>) src(%arg4 : memref<12x8x128xf32, #tpu.memory_space<vmem>>) dst(%dma_wait3A_1476 : memref<12x8x128xf32, #tpu.memory_space<hbm>>)
    %dma_wait3A_1477 = arith.constant 0 : i32
    %dma_wait3A_1478 = arith.constant 0 : i32
    %dma_wait3A_1479 = tpu.memref_slice %arg3[%dma_wait3A_1477, %add3A_1056, %dma_wait3A_1478] : memref<12x16384x128xf32, #tpu.memory_space<hbm>> -> memref<12x8x128xf32, #tpu.memory_space<hbm>>
    %dma_wait3A_1480 = arith.constant 0 : i32
    %dma_wait3A_1481 = arith.constant 0 : i32
    %dma_wait3A_1482 = tpu.memref_slice %arg3[%dma_wait3A_1480, %add3A_1056, %dma_wait3A_1481] : memref<12x16384x128xf32, #tpu.memory_space<hbm>> -> memref<12x8x128xf32, #tpu.memory_space<hbm>>
    tpu.wait_dma2 semaphore(%arg5 : memref<!tpu.dma_semaphore, #tpu.memory_space<semaphore_mem>>) src(%arg4 : memref<12x8x128xf32, #tpu.memory_space<vmem>>) dst(%dma_wait3A_1482 : memref<12x8x128xf32, #tpu.memory_space<hbm>>)
    %dma_wait3A_1483 = arith.constant 0 : i32
    %dma_wait3A_1484 = arith.constant 0 : i32
    %dma_wait3A_1485 = tpu.memref_slice %arg3[%dma_wait3A_1483, %add3A_1064, %dma_wait3A_1484] : memref<12x16384x128xf32, #tpu.memory_space<hbm>> -> memref<12x8x128xf32, #tpu.memory_space<hbm>>
    %dma_wait3A_1486 = arith.constant 0 : i32
    %dma_wait3A_1487 = arith.constant 0 : i32
    %dma_wait3A_1488 = tpu.memref_slice %arg3[%dma_wait3A_1486, %add3A_1064, %dma_wait3A_1487] : memref<12x16384x128xf32, #tpu.memory_space<hbm>> -> memref<12x8x128xf32, #tpu.memory_space<hbm>>
    tpu.wait_dma2 semaphore(%arg5 : memref<!tpu.dma_semaphore, #tpu.memory_space<semaphore_mem>>) src(%arg4 : memref<12x8x128xf32, #tpu.memory_space<vmem>>) dst(%dma_wait3A_1488 : memref<12x8x128xf32, #tpu.memory_space<hbm>>)
    %dma_wait3A_1489 = arith.constant 0 : i32
    %dma_wait3A_1490 = arith.constant 0 : i32
    %dma_wait3A_1491 = tpu.memref_slice %arg3[%dma_wait3A_1489, %add3A_1072, %dma_wait3A_1490] : memref<12x16384x128xf32, #tpu.memory_space<hbm>> -> memref<12x8x128xf32, #tpu.memory_space<hbm>>
    %dma_wait3A_1492 = arith.constant 0 : i32
    %dma_wait3A_1493 = arith.constant 0 : i32
    %dma_wait3A_1494 = tpu.memref_slice %arg3[%dma_wait3A_1492, %add3A_1072, %dma_wait3A_1493] : memref<12x16384x128xf32, #tpu.memory_space<hbm>> -> memref<12x8x128xf32, #tpu.memory_space<hbm>>
    tpu.wait_dma2 semaphore(%arg5 : memref<!tpu.dma_semaphore, #tpu.memory_space<semaphore_mem>>) src(%arg4 : memref<12x8x128xf32, #tpu.memory_space<vmem>>) dst(%dma_wait3A_1494 : memref<12x8x128xf32, #tpu.memory_space<hbm>>)
    %dma_wait3A_1495 = arith.constant 0 : i32
    %dma_wait3A_1496 = arith.constant 0 : i32
    %dma_wait3A_1497 = tpu.memref_slice %arg3[%dma_wait3A_1495, %add3A_1080, %dma_wait3A_1496] : memref<12x16384x128xf32, #tpu.memory_space<hbm>> -> memref<12x8x128xf32, #tpu.memory_space<hbm>>
    %dma_wait3A_1498 = arith.constant 0 : i32
    %dma_wait3A_1499 = arith.constant 0 : i32
    %dma_wait3A_1500 = tpu.memref_slice %arg3[%dma_wait3A_1498, %add3A_1080, %dma_wait3A_1499] : memref<12x16384x128xf32, #tpu.memory_space<hbm>> -> memref<12x8x128xf32, #tpu.memory_space<hbm>>
    tpu.wait_dma2 semaphore(%arg5 : memref<!tpu.dma_semaphore, #tpu.memory_space<semaphore_mem>>) src(%arg4 : memref<12x8x128xf32, #tpu.memory_space<vmem>>) dst(%dma_wait3A_1500 : memref<12x8x128xf32, #tpu.memory_space<hbm>>)
    %dma_wait3A_1501 = arith.constant 0 : i32
    %dma_wait3A_1502 = arith.constant 0 : i32
    %dma_wait3A_1503 = tpu.memref_slice %arg3[%dma_wait3A_1501, %add3A_1088, %dma_wait3A_1502] : memref<12x16384x128xf32, #tpu.memory_space<hbm>> -> memref<12x8x128xf32, #tpu.memory_space<hbm>>
    %dma_wait3A_1504 = arith.constant 0 : i32
    %dma_wait3A_1505 = arith.constant 0 : i32
    %dma_wait3A_1506 = tpu.memref_slice %arg3[%dma_wait3A_1504, %add3A_1088, %dma_wait3A_1505] : memref<12x16384x128xf32, #tpu.memory_space<hbm>> -> memref<12x8x128xf32, #tpu.memory_space<hbm>>
    tpu.wait_dma2 semaphore(%arg5 : memref<!tpu.dma_semaphore, #tpu.memory_space<semaphore_mem>>) src(%arg4 : memref<12x8x128xf32, #tpu.memory_space<vmem>>) dst(%dma_wait3A_1506 : memref<12x8x128xf32, #tpu.memory_space<hbm>>)
    %dma_wait3A_1507 = arith.constant 0 : i32
    %dma_wait3A_1508 = arith.constant 0 : i32
    %dma_wait3A_1509 = tpu.memref_slice %arg3[%dma_wait3A_1507, %add3A_1096, %dma_wait3A_1508] : memref<12x16384x128xf32, #tpu.memory_space<hbm>> -> memref<12x8x128xf32, #tpu.memory_space<hbm>>
    %dma_wait3A_1510 = arith.constant 0 : i32
    %dma_wait3A_1511 = arith.constant 0 : i32
    %dma_wait3A_1512 = tpu.memref_slice %arg3[%dma_wait3A_1510, %add3A_1096, %dma_wait3A_1511] : memref<12x16384x128xf32, #tpu.memory_space<hbm>> -> memref<12x8x128xf32, #tpu.memory_space<hbm>>
    tpu.wait_dma2 semaphore(%arg5 : memref<!tpu.dma_semaphore, #tpu.memory_space<semaphore_mem>>) src(%arg4 : memref<12x8x128xf32, #tpu.memory_space<vmem>>) dst(%dma_wait3A_1512 : memref<12x8x128xf32, #tpu.memory_space<hbm>>)
    %dma_wait3A_1513 = arith.constant 0 : i32
    %dma_wait3A_1514 = arith.constant 0 : i32
    %dma_wait3A_1515 = tpu.memref_slice %arg3[%dma_wait3A_1513, %add3A_1104, %dma_wait3A_1514] : memref<12x16384x128xf32, #tpu.memory_space<hbm>> -> memref<12x8x128xf32, #tpu.memory_space<hbm>>
    %dma_wait3A_1516 = arith.constant 0 : i32
    %dma_wait3A_1517 = arith.constant 0 : i32
    %dma_wait3A_1518 = tpu.memref_slice %arg3[%dma_wait3A_1516, %add3A_1104, %dma_wait3A_1517] : memref<12x16384x128xf32, #tpu.memory_space<hbm>> -> memref<12x8x128xf32, #tpu.memory_space<hbm>>
    tpu.wait_dma2 semaphore(%arg5 : memref<!tpu.dma_semaphore, #tpu.memory_space<semaphore_mem>>) src(%arg4 : memref<12x8x128xf32, #tpu.memory_space<vmem>>) dst(%dma_wait3A_1518 : memref<12x8x128xf32, #tpu.memory_space<hbm>>)
    %dma_wait3A_1519 = arith.constant 0 : i32
    %dma_wait3A_1520 = arith.constant 0 : i32
    %dma_wait3A_1521 = tpu.memref_slice %arg3[%dma_wait3A_1519, %add3A_1112, %dma_wait3A_1520] : memref<12x16384x128xf32, #tpu.memory_space<hbm>> -> memref<12x8x128xf32, #tpu.memory_space<hbm>>
    %dma_wait3A_1522 = arith.constant 0 : i32
    %dma_wait3A_1523 = arith.constant 0 : i32
    %dma_wait3A_1524 = tpu.memref_slice %arg3[%dma_wait3A_1522, %add3A_1112, %dma_wait3A_1523] : memref<12x16384x128xf32, #tpu.memory_space<hbm>> -> memref<12x8x128xf32, #tpu.memory_space<hbm>>
    tpu.wait_dma2 semaphore(%arg5 : memref<!tpu.dma_semaphore, #tpu.memory_space<semaphore_mem>>) src(%arg4 : memref<12x8x128xf32, #tpu.memory_space<vmem>>) dst(%dma_wait3A_1524 : memref<12x8x128xf32, #tpu.memory_space<hbm>>)
    %dma_wait3A_1525 = arith.constant 0 : i32
    %dma_wait3A_1526 = arith.constant 0 : i32
    %dma_wait3A_1527 = tpu.memref_slice %arg3[%dma_wait3A_1525, %add3A_1120, %dma_wait3A_1526] : memref<12x16384x128xf32, #tpu.memory_space<hbm>> -> memref<12x8x128xf32, #tpu.memory_space<hbm>>
    %dma_wait3A_1528 = arith.constant 0 : i32
    %dma_wait3A_1529 = arith.constant 0 : i32
    %dma_wait3A_1530 = tpu.memref_slice %arg3[%dma_wait3A_1528, %add3A_1120, %dma_wait3A_1529] : memref<12x16384x128xf32, #tpu.memory_space<hbm>> -> memref<12x8x128xf32, #tpu.memory_space<hbm>>
    tpu.wait_dma2 semaphore(%arg5 : memref<!tpu.dma_semaphore, #tpu.memory_space<semaphore_mem>>) src(%arg4 : memref<12x8x128xf32, #tpu.memory_space<vmem>>) dst(%dma_wait3A_1530 : memref<12x8x128xf32, #tpu.memory_space<hbm>>)
    %dma_wait3A_1531 = arith.constant 0 : i32
    %dma_wait3A_1532 = arith.constant 0 : i32
    %dma_wait3A_1533 = tpu.memref_slice %arg3[%dma_wait3A_1531, %add3A_1128, %dma_wait3A_1532] : memref<12x16384x128xf32, #tpu.memory_space<hbm>> -> memref<12x8x128xf32, #tpu.memory_space<hbm>>
    %dma_wait3A_1534 = arith.constant 0 : i32
    %dma_wait3A_1535 = arith.constant 0 : i32
    %dma_wait3A_1536 = tpu.memref_slice %arg3[%dma_wait3A_1534, %add3A_1128, %dma_wait3A_1535] : memref<12x16384x128xf32, #tpu.memory_space<hbm>> -> memref<12x8x128xf32, #tpu.memory_space<hbm>>
    tpu.wait_dma2 semaphore(%arg5 : memref<!tpu.dma_semaphore, #tpu.memory_space<semaphore_mem>>) src(%arg4 : memref<12x8x128xf32, #tpu.memory_space<vmem>>) dst(%dma_wait3A_1536 : memref<12x8x128xf32, #tpu.memory_space<hbm>>)
    %dma_wait3A_1537 = arith.constant 0 : i32
    %dma_wait3A_1538 = arith.constant 0 : i32
    %dma_wait3A_1539 = tpu.memref_slice %arg3[%dma_wait3A_1537, %add3A_1136, %dma_wait3A_1538] : memref<12x16384x128xf32, #tpu.memory_space<hbm>> -> memref<12x8x128xf32, #tpu.memory_space<hbm>>
    %dma_wait3A_1540 = arith.constant 0 : i32
    %dma_wait3A_1541 = arith.constant 0 : i32
    %dma_wait3A_1542 = tpu.memref_slice %arg3[%dma_wait3A_1540, %add3A_1136, %dma_wait3A_1541] : memref<12x16384x128xf32, #tpu.memory_space<hbm>> -> memref<12x8x128xf32, #tpu.memory_space<hbm>>
    tpu.wait_dma2 semaphore(%arg5 : memref<!tpu.dma_semaphore, #tpu.memory_space<semaphore_mem>>) src(%arg4 : memref<12x8x128xf32, #tpu.memory_space<vmem>>) dst(%dma_wait3A_1542 : memref<12x8x128xf32, #tpu.memory_space<hbm>>)
    %dma_wait3A_1543 = arith.constant 0 : i32
    %dma_wait3A_1544 = arith.constant 0 : i32
    %dma_wait3A_1545 = tpu.memref_slice %arg3[%dma_wait3A_1543, %add3A_1144, %dma_wait3A_1544] : memref<12x16384x128xf32, #tpu.memory_space<hbm>> -> memref<12x8x128xf32, #tpu.memory_space<hbm>>
    %dma_wait3A_1546 = arith.constant 0 : i32
    %dma_wait3A_1547 = arith.constant 0 : i32
    %dma_wait3A_1548 = tpu.memref_slice %arg3[%dma_wait3A_1546, %add3A_1144, %dma_wait3A_1547] : memref<12x16384x128xf32, #tpu.memory_space<hbm>> -> memref<12x8x128xf32, #tpu.memory_space<hbm>>
    tpu.wait_dma2 semaphore(%arg5 : memref<!tpu.dma_semaphore, #tpu.memory_space<semaphore_mem>>) src(%arg4 : memref<12x8x128xf32, #tpu.memory_space<vmem>>) dst(%dma_wait3A_1548 : memref<12x8x128xf32, #tpu.memory_space<hbm>>)
    %dma_wait3A_1549 = arith.constant 0 : i32
    %dma_wait3A_1550 = arith.constant 0 : i32
    %dma_wait3A_1551 = tpu.memref_slice %arg3[%dma_wait3A_1549, %add3A_1152, %dma_wait3A_1550] : memref<12x16384x128xf32, #tpu.memory_space<hbm>> -> memref<12x8x128xf32, #tpu.memory_space<hbm>>
    %dma_wait3A_1552 = arith.constant 0 : i32
    %dma_wait3A_1553 = arith.constant 0 : i32
    %dma_wait3A_1554 = tpu.memref_slice %arg3[%dma_wait3A_1552, %add3A_1152, %dma_wait3A_1553] : memref<12x16384x128xf32, #tpu.memory_space<hbm>> -> memref<12x8x128xf32, #tpu.memory_space<hbm>>
    tpu.wait_dma2 semaphore(%arg5 : memref<!tpu.dma_semaphore, #tpu.memory_space<semaphore_mem>>) src(%arg4 : memref<12x8x128xf32, #tpu.memory_space<vmem>>) dst(%dma_wait3A_1554 : memref<12x8x128xf32, #tpu.memory_space<hbm>>)
    %dma_wait3A_1555 = arith.constant 0 : i32
    %dma_wait3A_1556 = arith.constant 0 : i32
    %dma_wait3A_1557 = tpu.memref_slice %arg3[%dma_wait3A_1555, %add3A_1160, %dma_wait3A_1556] : memref<12x16384x128xf32, #tpu.memory_space<hbm>> -> memref<12x8x128xf32, #tpu.memory_space<hbm>>
    %dma_wait3A_1558 = arith.constant 0 : i32
    %dma_wait3A_1559 = arith.constant 0 : i32
    %dma_wait3A_1560 = tpu.memref_slice %arg3[%dma_wait3A_1558, %add3A_1160, %dma_wait3A_1559] : memref<12x16384x128xf32, #tpu.memory_space<hbm>> -> memref<12x8x128xf32, #tpu.memory_space<hbm>>
    tpu.wait_dma2 semaphore(%arg5 : memref<!tpu.dma_semaphore, #tpu.memory_space<semaphore_mem>>) src(%arg4 : memref<12x8x128xf32, #tpu.memory_space<vmem>>) dst(%dma_wait3A_1560 : memref<12x8x128xf32, #tpu.memory_space<hbm>>)
    %dma_wait3A_1561 = arith.constant 0 : i32
    %dma_wait3A_1562 = arith.constant 0 : i32
    %dma_wait3A_1563 = tpu.memref_slice %arg3[%dma_wait3A_1561, %add3A_1168, %dma_wait3A_1562] : memref<12x16384x128xf32, #tpu.memory_space<hbm>> -> memref<12x8x128xf32, #tpu.memory_space<hbm>>
    %dma_wait3A_1564 = arith.constant 0 : i32
    %dma_wait3A_1565 = arith.constant 0 : i32
    %dma_wait3A_1566 = tpu.memref_slice %arg3[%dma_wait3A_1564, %add3A_1168, %dma_wait3A_1565] : memref<12x16384x128xf32, #tpu.memory_space<hbm>> -> memref<12x8x128xf32, #tpu.memory_space<hbm>>
    tpu.wait_dma2 semaphore(%arg5 : memref<!tpu.dma_semaphore, #tpu.memory_space<semaphore_mem>>) src(%arg4 : memref<12x8x128xf32, #tpu.memory_space<vmem>>) dst(%dma_wait3A_1566 : memref<12x8x128xf32, #tpu.memory_space<hbm>>)
    %dma_wait3A_1567 = arith.constant 0 : i32
    %dma_wait3A_1568 = arith.constant 0 : i32
    %dma_wait3A_1569 = tpu.memref_slice %arg3[%dma_wait3A_1567, %add3A_1176, %dma_wait3A_1568] : memref<12x16384x128xf32, #tpu.memory_space<hbm>> -> memref<12x8x128xf32, #tpu.memory_space<hbm>>
    %dma_wait3A_1570 = arith.constant 0 : i32
    %dma_wait3A_1571 = arith.constant 0 : i32
    %dma_wait3A_1572 = tpu.memref_slice %arg3[%dma_wait3A_1570, %add3A_1176, %dma_wait3A_1571] : memref<12x16384x128xf32, #tpu.memory_space<hbm>> -> memref<12x8x128xf32, #tpu.memory_space<hbm>>
    tpu.wait_dma2 semaphore(%arg5 : memref<!tpu.dma_semaphore, #tpu.memory_space<semaphore_mem>>) src(%arg4 : memref<12x8x128xf32, #tpu.memory_space<vmem>>) dst(%dma_wait3A_1572 : memref<12x8x128xf32, #tpu.memory_space<hbm>>)
    %dma_wait3A_1573 = arith.constant 0 : i32
    %dma_wait3A_1574 = arith.constant 0 : i32
    %dma_wait3A_1575 = tpu.memref_slice %arg3[%dma_wait3A_1573, %add3A_1184, %dma_wait3A_1574] : memref<12x16384x128xf32, #tpu.memory_space<hbm>> -> memref<12x8x128xf32, #tpu.memory_space<hbm>>
    %dma_wait3A_1576 = arith.constant 0 : i32
    %dma_wait3A_1577 = arith.constant 0 : i32
    %dma_wait3A_1578 = tpu.memref_slice %arg3[%dma_wait3A_1576, %add3A_1184, %dma_wait3A_1577] : memref<12x16384x128xf32, #tpu.memory_space<hbm>> -> memref<12x8x128xf32, #tpu.memory_space<hbm>>
    tpu.wait_dma2 semaphore(%arg5 : memref<!tpu.dma_semaphore, #tpu.memory_space<semaphore_mem>>) src(%arg4 : memref<12x8x128xf32, #tpu.memory_space<vmem>>) dst(%dma_wait3A_1578 : memref<12x8x128xf32, #tpu.memory_space<hbm>>)
    %dma_wait3A_1579 = arith.constant 0 : i32
    %dma_wait3A_1580 = arith.constant 0 : i32
    %dma_wait3A_1581 = tpu.memref_slice %arg3[%dma_wait3A_1579, %add3A_1192, %dma_wait3A_1580] : memref<12x16384x128xf32, #tpu.memory_space<hbm>> -> memref<12x8x128xf32, #tpu.memory_space<hbm>>
    %dma_wait3A_1582 = arith.constant 0 : i32
    %dma_wait3A_1583 = arith.constant 0 : i32
    %dma_wait3A_1584 = tpu.memref_slice %arg3[%dma_wait3A_1582, %add3A_1192, %dma_wait3A_1583] : memref<12x16384x128xf32, #tpu.memory_space<hbm>> -> memref<12x8x128xf32, #tpu.memory_space<hbm>>
    tpu.wait_dma2 semaphore(%arg5 : memref<!tpu.dma_semaphore, #tpu.memory_space<semaphore_mem>>) src(%arg4 : memref<12x8x128xf32, #tpu.memory_space<vmem>>) dst(%dma_wait3A_1584 : memref<12x8x128xf32, #tpu.memory_space<hbm>>)
    %dma_wait3A_1585 = arith.constant 0 : i32
    %dma_wait3A_1586 = arith.constant 0 : i32
    %dma_wait3A_1587 = tpu.memref_slice %arg3[%dma_wait3A_1585, %add3A_1200, %dma_wait3A_1586] : memref<12x16384x128xf32, #tpu.memory_space<hbm>> -> memref<12x8x128xf32, #tpu.memory_space<hbm>>
    %dma_wait3A_1588 = arith.constant 0 : i32
    %dma_wait3A_1589 = arith.constant 0 : i32
    %dma_wait3A_1590 = tpu.memref_slice %arg3[%dma_wait3A_1588, %add3A_1200, %dma_wait3A_1589] : memref<12x16384x128xf32, #tpu.memory_space<hbm>> -> memref<12x8x128xf32, #tpu.memory_space<hbm>>
    tpu.wait_dma2 semaphore(%arg5 : memref<!tpu.dma_semaphore, #tpu.memory_space<semaphore_mem>>) src(%arg4 : memref<12x8x128xf32, #tpu.memory_space<vmem>>) dst(%dma_wait3A_1590 : memref<12x8x128xf32, #tpu.memory_space<hbm>>)
    return
  }
}

</mosaic_0001>

<sc_bundles>
// kernel: kernel.3.cloned.1.call-start
scs
__scs_entry_jumppad:
0x0: {  	(pc) =	sbr.rel $0x88, $3  }
0x1: {  	(tag) =	ssettag $0x0;
	lr =	simm.s32 $0x1  }
0x2: {  	[smem:$0x3FA0] =	sst lr;
	_ =	strace $0xD0000000  }
0x3: {  	_ = 	snop  }
0x4: {  	_ = 	snop  }
0x5: {  	_ = 	snop  }
0x6: {  	_ = 	snop  }
0x7: {  	_ = 	snop  }
__scs_overlays_trampoline_lowered:
0x8: {  	[smem:$0x3FAF] =	sst s0  }
0x9: {  	[smem:$0x3FB0] =	sst s1  }
0xa: {  	[smem:$0x3FB1] =	sst s2  }
0xb: {  	[smem:$0x3FB2] =	sst s3  }
0xc: {  	[smem:$0x3FB3] =	sst s4  }
0xd: {  	[smem:$0x3FB4] =	sst s5  }
0xe: {  	[smem:$0x3FB5] =	sst s6  }
0xf: {  	[smem:$0x3FB6] =	sst s7  }
0x10: {  	[smem:$0x3FB7] =	sst s8  }
0x11: {  	[smem:$0x3FB8] =	sst s9;
	s0 =	simm.s32 @!p0 $0x0  }
0x12: {  	s1 =	sld [smem:$0x3F9E];
	s0 =	simm.s32 @p0 $0x1  }
0x13: {  	[smem:$0x3FB9] =	sst s0;
	s0 =	simm.s32 @!p1 $0x0  }
0x14: {  	s2 =	sld [smem:$0x3F9D];
	s0 =	simm.s32 @p1 $0x1  }
0x15: {  	[smem:$0x3FBA] =	sst s0;
	s0 =	simm.s32 @!p2 $0x0  }
0x16: {  	s3 =	sld [smem:$0x3FDB];
	s0 =	simm.s32 @p2 $0x1  }
0x17: {  	s4 =	simm.s32 $0x1BF5;
	[smem:$0x3FBC] =	sst s0  }
0x18: {  	s0 =	sld [smem:$0x3F9F];
	_ =	swait.ge [sflag:s4], $0x0  }
0x19: {  	s7 =	sld [smem:$0x3FA0]  }
0x1a: {  	s8 =	sadd.s32 $0xFFFFE003, lr  }
0x1b: {  	s9 =	sadd.s32 $0xFFFFFEF7, lr;
	s5 =	simm.s32 $0xFFFFFFFF;
	p2 =	slt.u32 s8, $0xFFFFF086  }
0x1c: {  	p1 =	slt.u32 s9, $0xF7A;
	s5 =	simm.s32 @!p2 $0x0  }
0x1d: {  	s5 =	simm.s32 @p1 $0x1;
	p0 =	seq.s32 s7, s2  }
0x1e: {  	s7 =	smul.u32 @!p0 $0xF7A, s2;
	p2 =	seq.s32 @!p0 s5, $0x0  }
0x1f: {  	s9 =	smul.u32 $0xF7A, s1;
	s8 =	simm.s32 @!p0 $0x1BF5;
	p2 =	por !p2, p0  }
0x20: {  	[sflag:s8] =	ssyncset.s32 @!p0 $0xFFFFF086;
	s6 =	sadd.s32 @!p0 s3, s7;
	s7 =	simm.s32 @!p0 $0x108  }
0x21: {  	s3 =	sadd.s32 s3, s9;
	s6 =	sadd.s32 @!p0 $0x88, s6;
	s7 =	simm.s32 @p2 $0x1082  }
0x22: {  	[simem:s7], [sflag:s8] =	dma.local @!p0 [hbm:s6], $0xF7A  }
0x23: {  	s9 =	sor.u32 $0xD0000000, s2;
	s6 =	simm.s32 $0x108;
	_ =	swait.ge @!p0 [sflag:s8], $0x0  }
0x24: {  	s3 =	sadd.s32 $0x88, s3;
	s6 =	simm.s32 @!p1 $0x1082;
	[sflag:s4] =	ssyncset.s32 $0xFFFFF086  }
0x25: {  	[simem:s6], [sflag:s4] =	dma.local [hbm:s3], $0xF7A  }
0x26: {  	[smem:$0x3FA0] =	sst s1;
	(tag) =	ssettag s2;
	_ =	strace s9  }
0x27: {  	s1 =	sld [smem:$0x3FB0]  }
0x28: {  	s2 =	sld [smem:$0x3FB1]  }
0x29: {  	s4 =	sld [smem:$0x3FB3]  }
0x2a: {  	p0 =	seq.s32 s5, $0x0;
	s5 =	sld [smem:$0x3FB4]  }
0x2b: {  	s6 =	sld [smem:$0x3FB5]  }
0x2c: {  	s7 =	sld [smem:$0x3FB6]  }
0x2d: {  	s3 =	simm.s32 $0x108;
	s8 =	sld [smem:$0x3FB7]  }
0x2e: {  	s3 =	simm.s32 @!p0 $0x1082;
	s9 =	sld [smem:$0x3FB8]  }
0x2f: {  	lr =	sadd.s32 s0, s3;
	s0 =	sld [smem:$0x3FAF]  }
0x30: {  	s3 =	sld [smem:$0x3FB2]  }
0x31: {  	[smem:$0x3FBB] =	sst s10  }
0x32: {  	s10 =	sld [smem:$0x3FB9];
	_ =	sdelay $0x3  }
0x33: {  	p0 =	seq.s32 s10, $0x1;
	s10 =	sld [smem:$0x3FBB];
	_ =	sdelay $0x3  }
0x34: {  	[smem:$0x3FBB] =	sst s10  }
0x35: {  	s10 =	sld [smem:$0x3FBA];
	_ =	sdelay $0x3  }
0x36: {  	p1 =	seq.s32 s10, $0x1;
	s10 =	sld [smem:$0x3FBB];
	_ =	sdelay $0x3  }
0x37: {  	[smem:$0x3FBB] =	sst s10  }
0x38: {  	s10 =	sld [smem:$0x3FBC]  }
0x39: {  	_ = 	snop;
	(pc) =	sbr.ind lr, $3  }
0x3a: {  	_ = 	snop  }
0x3b: {  	_ = 	snop  }
0x3c: {  	p2 =	seq.s32 s10, $0x1;
	s10 =	sld [smem:$0x3FBB]  }
0x3d: {  	_ =	shalt  }
0x3e: {  	_ =	shalt  }
0x3f: {  	_ =	shalt  }
0x40: {  	_ =	shalt  }
0x41: {  	_ =	shalt  }
0x42: {  	_ =	shalt  }
0x43: {  	_ =	shalt  }
0x44: {  	_ =	shalt  }
0x45: {  	_ =	shalt  }
0x46: {  	_ =	shalt  }
0x47: {  	_ =	shalt  }
0x48: {  	_ =	shalt  }
0x49: {  	_ =	shalt  }
0x4a: {  	_ =	shalt  }
0x4b: {  	_ =	shalt  }
0x4c: {  	_ =	shalt  }
0x4d: {  	_ =	shalt  }
0x4e: {  	_ =	shalt  }
0x4f: {  	_ =	shalt  }
0x50: {  	_ =	shalt  }
0x51: {  	_ =	shalt  }
0x52: {  	_ =	shalt  }
0x53: {  	_ =	shalt  }
0x54: {  	_ =	shalt  }
0x55: {  	_ =	shalt  }
0x56: {  	_ =	shalt  }
0x57: {  	_ =	shalt  }
0x58: {  	_ =	shalt  }
0x59: {  	_ =	shalt  }
0x5a: {  	_ =	shalt  }
0x5b: {  	_ =	shalt  }
0x5c: {  	_ =	shalt  }
0x5d: {  	_ =	shalt  }
0x5e: {  	_ =	shalt  }
0x5f: {  	_ =	shalt  }
0x60: {  	_ =	shalt  }
0x61: {  	_ =	shalt  }
0x62: {  	_ =	shalt  }
0x63: {  	_ =	shalt  }
0x64: {  	_ =	shalt  }
0x65: {  	_ =	shalt  }
0x66: {  	_ =	shalt  }
0x67: {  	_ =	shalt  }
0x68: {  	_ =	shalt  }
0x69: {  	_ =	shalt  }
0x6a: {  	_ =	shalt  }
0x6b: {  	_ =	shalt  }
0x6c: {  	_ =	shalt  }
0x6d: {  	_ =	shalt  }
0x6e: {  	_ =	shalt  }
0x6f: {  	_ =	shalt  }
0x70: {  	_ =	shalt  }
0x71: {  	_ =	shalt  }
0x72: {  	_ =	shalt  }
0x73: {  	_ =	shalt  }
0x74: {  	_ =	shalt  }
0x75: {  	_ =	shalt  }
0x76: {  	_ =	shalt  }
0x77: {  	_ =	shalt  }
0x78: {  	_ =	shalt  }
0x79: {  	_ =	shalt  }
0x7a: {  	_ =	shalt  }
0x7b: {  	_ =	shalt  }
0x7c: {  	_ =	shalt  }
0x7d: {  	_ =	shalt  }
0x7e: {  	_ =	shalt  }
0x7f: {  	_ =	shalt  }
0x80: {  	_ =	shalt  }
0x81: {  	_ =	shalt  }
0x82: {  	_ =	shalt  }
0x83: {  	_ =	shalt  }
0x84: {  	_ =	shalt  }
0x85: {  	_ =	shalt  }
0x86: {  	_ =	shalt  }
0x87: {  	_ =	shalt  }
.Lfunc_end0:
.L_simem_size_0:
called_computation_lowered:
.L_overlay_start_0:
0x88: {  	s2 =	sld [smem:$0x3FD9]  }
0x89: {  	s3 =	sld [smem:$0x3FFE];
	_ =	sdelay $0x1  }
0x8a: {  	s1 =	srdreg.scid  }
0x8b: {  	s0 =	sand.u32 $0x1, s1  }
0x8c: {  	s18 =	sshll.u32 s0, $0xA;
	s2 =	sadd.s32 s3, s2  }
0x8d: {  	s2 =	sadd.s32 s2, s18  }
0x8e: {  	[smem:$0x3FC7] =	sst s2  }
0x8f: {  	_ = 	snop  }
0x90: {  	s2 =	sld [smem:$0x3FC9]  }
0x91: {  	s19 =	sld [smem:$0x3FD0];
	(tm) =	ssettm $0x1  }
0x92: {  	s4 =	sld [smem:$0x3FFB];
	_ =	sdelay $0x3  }
0x93: {  	_ =	strace s4  }
0x94: {  	s4 =	sld [smem:$0x3FFC];
	_ =	sdelay $0x3  }
0x95: {  	_ =	strace s4  }
0x96: {  	s4 =	sld [smem:$0x3FFD];
	_ =	sdelay $0x3  }
0x97: {  	_ =	strace s4  }
0x98: {  	_ =	strace $0x8FFFFFFF  }
0x99: {  	s20 =	sld [smem:$0x3FDB];
	_ =	sdelay $0x1  }
0x9a: {  	s5 =	simm.s32 $_scs_section_size  }
0x9b: {  	s6 =	simm.s32 $_size__tile_overlayer_lowered;
	s7 =	simm.s32 $_tile_overlayer_lowered  }
0x9c: {  	s23 =	simm.s32 $0x1BFF;
	s22 =	sshll.u32 s7, $0x1;
	s4 =	sadd.s32 s5, s20  }
0x9d: {  	s8 =	simm.s32 $0x0;
	s21 =	sshll.u32 s6, $0x1;
	s6 =	sadd.s32 s22, s4  }
0x9e: {  	[timem:s8], [sflag:s23] =	dma.local [hbm:s6], s21  }
0x9f: {  	_ =	swait.ge [sflag:s23], s21  }
0xa0: {  	s5 =	ssub.s32 $0x0, s21;
	[sflag:s23] =	ssyncset.done $0x0  }
0xa1: {  	[sflag:s23] =	ssyncadd.s32 s5;
	_ =	sdelay $0x1  }
0xa2: {  	s24 =	simm.s32 $0x1B8B  }
0xa3: {  	_ =	swait.ge [sflag:s24], $0x1  }
0xa4: {  	[sflag:s24] =	ssyncset.done $0x0  }
0xa5: {  	s25 =	simm.s32 $0x1B8E;
	[sflag:s24] =	ssyncadd.s32 $0xFFFFFFFF  }
0xa6: {  	s26 =	simm.s32 $execute0_lowered;
	[smem:$0x3FD2] =	sst s25  }
0xa7: {  	s5 =	sshll.u32 s26, $0x1;
	_ =	strace $0x80000046;
	[dreg:$0x1] =	wrdreg $0xFFFFFFFF  }
0xa8: {  	s28 =	simm.s32 $_size_execute0_lowered;
	s4 =	sadd.s32 s4, s5;
	[dreg:$0x0] =	wrdreg $0x0  }
0xa9: {  	s5 =	sshll.u32 s28, $0x1;
	[dreg:$0x2] =	wrdreg s4  }
0xaa: {  	[dreg:$0x3] =	wrdreg s5  }
0xab: {  	[dreg:$0x4] =	wrdreg $0xC0  }
0xac: {  	_ =	task [dreg:s8], $0x5FFFF  }
0xad: {  	[dreg:$0x1] =	wrdreg $0xFFFFFFFF  }
0xae: {  	[dreg:$0x0] =	wrdreg $0x60  }
0xaf: {  	[dreg:$0x2] =	wrdreg s2  }
0xb0: {  	[dreg:$0x3] =	wrdreg s19  }
0xb1: {  	[dreg:$0x4] =	wrdreg $0x9  }
0xb2: {  	_ =	task.clear_ibuf [dreg:s8], $0x5FFFF;
	_ =	strace $0x90000046  }
0xb3: {  	s29 =	simm.s32 $0x9;
	_ =	strace $0x80000048  }
0xb4: {  	_ =	swait.ge [sflag:s29], $0x1  }
0xb5: {  	[sflag:s29] =	ssyncadd.s32 $0xFFFFFFFF  }
0xb6: {  	_ =	strace $0x90000048  }
0xb7: {  	_ =	sfence  }
0xb8: {  	s30 =	sld [smem:$0x0];
	_ =	sdelay $0x2  }
0xb9: {  	s31 =	sshll.u32 s1, $0xD;
	s1 =	sshrl.u32 s1, $0x2  }
0xba: {  	s3 =	sand.u32 $0x4000, s31;
	s1 =	sadd.s32 s1, s30  }
0xbb: {  	s0 =	sor.u32 s3, s0;
	s1 =	sshll.u32 s1, $0x11  }
0xbc: {  	s0 =	sor.u32 s1, s0  }
0xbd: {  	s0 =	sadd.s32 $0x8F2B, s0  }
0xbe: {  	[sflag:s0] =	ssyncadd.remote.s32 $0x1  }
0xbf: {  	_ =	sfence.sel $0xFFFF  }
0xc0: {  	[dreg:$0x0] =	wrdreg $0xFFFFFFFF;
	(pc) =	sbr.abs _section_cstart, $3  }
0xc1: {  	[dreg:$0x1] =	wrdreg $0xFFFFFFFF  }
0xc2: {  	_ =	task.clear_ibuf [dreg:s8], $0x2FFFF;
	_ =	strace $0x9FFFFFFF  }
0xc3: {  	(tm) =	ssettm $0x7FFFFFFF  }
tec
execute0_lowered:
.L_overlay_start_1:
0x0: {  	(tag) =	ssettag $0x1  }
0x1: {  	s1 =	srdreg.scid  }
0x2: {  	s2 =	stileid.u32;
	s1 =	sand.u32 $0x1, s1  }
0x3: {  	s2 =	sshll.u32 s2, $0xE;
	s4 =	sshll.u32 s1, $0xD  }
0x4: {  	s0 =	rddreg [dreg:$0x1];
	s2 =	sor.u32 s4, s2  }
0x5: {  	s21 =	rddreg [dreg:$0x0];
	s3 =	simm.s32 $0x0;
	s4 =	sadd.s32 s0, s2  }
0x6: {  	[smem:$0x7FF] =	sst s3;
	s24 =	sadd.s32 $0x80, s4  }
0x7: {  	_ =	strace $0x80000047;
	s25 =	sadd.s32 $0x100, s4;
	[dreg:$0x3] =	wrdreg s24  }
0x8: {  	s26 =	sadd.s32 $0x180, s4;
	[dreg:$0x4] =	wrdreg s25  }
0x9: {  	s1 =	ssub.s32 $0x2, s1;
	s28 =	sadd.s32 $0x200, s4;
	[dreg:$0x5] =	wrdreg s26  }
0xa: {  	s5 =	sshrl.u32 s1, $0x1;
	s2 =	sadd.s32 $0x280, s4;
	[dreg:$0x6] =	wrdreg s28  }
0xb: {  	s23 =	ssub.s32 s1, s5;
	s5 =	sadd.s32 $0x300, s4;
	[dreg:$0x7] =	wrdreg s2  }
0xc: {  	s6 =	sadd.s32 $0x380, s4;
	[dreg:$0x8] =	wrdreg s5  }
0xd: {  	s7 =	sadd.s32 $0x400, s4;
	[dreg:$0x9] =	wrdreg s6  }
0xe: {  	s8 =	sadd.s32 $0x480, s4;
	[dreg:$0xa] =	wrdreg s7  }
0xf: {  	s9 =	sadd.s32 $0x500, s4;
	[dreg:$0xb] =	wrdreg s8  }
0x10: {  	s10 =	sadd.s32 $0x580, s4;
	[dreg:$0xc] =	wrdreg s9  }
0x11: {  	s11 =	sadd.s32 $0x600, s4;
	[dreg:$0xd] =	wrdreg s10  }
0x12: {  	s12 =	sadd.s32 $0x680, s4;
	[dreg:$0xe] =	wrdreg s11  }
0x13: {  	s13 =	sadd.s32 $0x700, s4;
	[dreg:$0xf] =	wrdreg s12  }
0x14: {  	s14 =	sadd.s32 $0x780, s4;
	[dreg:$0x10] =	wrdreg s13  }
0x15: {  	s15 =	sadd.s32 $0x800, s4;
	[dreg:$0x11] =	wrdreg s14  }
0x16: {  	s16 =	sadd.s32 $0x880, s4;
	[dreg:$0x12] =	wrdreg s15  }
0x17: {  	s17 =	sadd.s32 $0x900, s4;
	[dreg:$0x13] =	wrdreg s16  }
0x18: {  	s18 =	sadd.s32 $0x980, s4;
	[dreg:$0x14] =	wrdreg s17  }
0x19: {  	s19 =	sadd.s32 $0xA00, s4;
	[dreg:$0x15] =	wrdreg s18  }
0x1a: {  	s0 =	smax.u32 s23, $0x1;
	[dreg:$0x16] =	wrdreg s19  }
0x1b: {  	s20 =	sadd.s32 $0xA80, s4;
	[dreg:$0x17] =	wrdreg s0  }
0x1c: {  	s22 =	sadd.s32 $0xB00, s4;
	[dreg:$0x18] =	wrdreg s20  }
0x1d: {  	s23 =	sadd.s32 $0xB80, s4;
	[dreg:$0x19] =	wrdreg s22  }
0x1e: {  	s1 =	sadd.s32 $0xE00, s4;
	[dreg:$0x1a] =	wrdreg s23  }
0x1f: {  	s24 =	sadd.s32 $0xC00, s4;
	[dreg:$0x1f] =	wrdreg s1  }
0x20: {  	s25 =	sadd.s32 $0xC80, s4;
	[dreg:$0x1b] =	wrdreg s24  }
0x21: {  	s26 =	sadd.s32 $0xD00, s4;
	[dreg:$0x1c] =	wrdreg s25  }
0x22: {  	s28 =	sadd.s32 $0xD80, s4;
	[dreg:$0x1d] =	wrdreg s26  }
0x23: {  	s2 =	sadd.s32 $0xE80, s4;
	[dreg:$0x1e] =	wrdreg s28  }
0x24: {  	s5 =	sadd.s32 $0xF00, s4;
	[smem:$0x7E7] =	sst s2  }
0x25: {  	s6 =	sadd.s32 $0xF80, s4;
	[smem:$0x7E8] =	sst s5  }
0x26: {  	s7 =	sadd.s32 $0x1000, s4;
	[smem:$0x7E9] =	sst s6  }
0x27: {  	s8 =	sadd.s32 $0x1080, s4;
	[smem:$0x7EA] =	sst s7  }
0x28: {  	s9 =	sadd.s32 $0x1100, s4;
	[smem:$0x7EB] =	sst s8  }
0x29: {  	s10 =	sadd.s32 $0x1180, s4;
	[smem:$0x7EC] =	sst s9  }
0x2a: {  	s11 =	sadd.s32 $0x1200, s4;
	[smem:$0x7ED] =	sst s10  }
0x2b: {  	s12 =	sadd.s32 $0x1280, s4;
	[smem:$0x7EE] =	sst s11  }
0x2c: {  	s13 =	sadd.s32 $0x1300, s4;
	[smem:$0x7EF] =	sst s12  }
0x2d: {  	s14 =	sadd.s32 $0x1380, s4;
	[smem:$0x7F0] =	sst s13  }
0x2e: {  	s15 =	sadd.s32 $0x1400, s4;
	[smem:$0x7F1] =	sst s14  }
0x2f: {  	s16 =	sadd.s32 $0x1480, s4;
	[smem:$0x7F2] =	sst s15  }
0x30: {  	s17 =	sadd.s32 $0x1500, s4;
	[smem:$0x7F3] =	sst s16  }
0x31: {  	s18 =	sadd.s32 $0x1580, s4;
	[smem:$0x7F4] =	sst s17  }
0x32: {  	s19 =	sadd.s32 $0x1600, s4;
	[smem:$0x7F5] =	sst s18  }
0x33: {  	s29 =	sadd.s32 $0x1A00, s4;
	s20 =	sadd.s32 $0x1680, s4;
	[smem:$0x7F6] =	sst s19  }
0x34: {  	s30 =	sadd.s32 $0x1A80, s4;
	s22 =	sadd.s32 $0x1700, s4;
	[smem:$0x7F7] =	sst s20  }
0x35: {  	s31 =	sadd.s32 $0x1B00, s4;
	s23 =	sadd.s32 $0x1780, s4;
	[smem:$0x7F8] =	sst s22  }
0x36: {  	s0 =	sadd.s32 $0x1B80, s4;
	s1 =	sadd.s32 $0x1C00, s4;
	[smem:$0x7F9] =	sst s23  }
0x37: {  	s24 =	sadd.s32 $0x1800, s4;
	s25 =	sadd.s32 $0x1880, s4;
	s26 =	sadd.s32 $0x1900, s4  }
0x38: {  	s28 =	sadd.s32 $0x1980, s4;
	s2 =	sadd.s32 $0x1C80, s4;
	s5 =	sadd.s32 $0x1D00, s4  }
0x39: {  	s6 =	sadd.s32 $0x1D80, s4;
	s7 =	sadd.s32 $0x1E00, s4;
	s8 =	sadd.s32 $0x1E80, s4  }
0x3a: {  	s9 =	sadd.s32 $0x1F00, s4;
	s10 =	sadd.s32 $0x1F80, s4;
	s11 =	sadd.s32 $0x10, s21  }
0x3b: {  	s12 =	sadd.s32 $0x20, s21;
	s13 =	sadd.s32 $0x30, s21;
	s14 =	sadd.s32 $0x40, s21  }
0x3c: {  	s15 =	sadd.s32 $0x50, s21;
	s16 =	sadd.s32 $0x60, s21;
	s17 =	sadd.s32 $0x70, s21  }
0x3d: {  	s18 =	sadd.s32 $0x80, s21;
	s19 =	sadd.s32 $0x90, s21;
	[smem:$0x7FA] =	sst s24  }
0x3e: {  	s20 =	sadd.s32 $0xA0, s21;
	s21 =	sadd.s32 $0xB0, s21;
	[smem:$0x7FB] =	sst s25  }
0x3f: {  	s22 =	simm.s32 $0x400;
	s23 =	simm.s32 $0x1;
	[smem:$0x7FC] =	sst s26  }
0x40: {  	[smem:$0x7FD] =	sst s28;
	s24 =	simm.s32 $0x200000;
	s25 =	simm.s32 $0x0  }
.LBB2_1:
0x41: {  	s26 =	rddreg [dreg:$0x0]  }
0x42: {  	[tilespmem:s3], [sflag:$0x1] =	stream.linear.gather [hbm4b:s26+s3], $0x80, $0x38;
	[tilespmem:$0x3000] =	vst v63  }
0x43: {  	_ = 	snop  }
0x44: {  	[tilespmem:s22], [sflag:$0x1] =	stream.linear.gather [hbm4b:s11+s3], $0x80, $0x38;
	[tilespmem:$0x3000] =	vst v63  }
0x45: {  	s26 =	simm.s32 $0x800  }
0x46: {  	[tilespmem:s26], [sflag:$0x1] =	stream.linear.gather [hbm4b:s12+s3], $0x80, $0x38;
	[tilespmem:$0x3000] =	vst v63  }
0x47: {  	s26 =	simm.s32 $0xC00  }
0x48: {  	[tilespmem:s26], [sflag:$0x1] =	stream.linear.gather [hbm4b:s13+s3], $0x80, $0x38;
	[tilespmem:$0x3000] =	vst v63  }
0x49: {  	s26 =	simm.s32 $0x1000  }
0x4a: {  	[tilespmem:s26], [sflag:$0x1] =	stream.linear.gather [hbm4b:s14+s3], $0x80, $0x38;
	[tilespmem:$0x3000] =	vst v63  }
0x4b: {  	s26 =	simm.s32 $0x1400  }
0x4c: {  	[tilespmem:s26], [sflag:$0x1] =	stream.linear.gather [hbm4b:s15+s3], $0x80, $0x38;
	[tilespmem:$0x3000] =	vst v63  }
0x4d: {  	s26 =	simm.s32 $0x1800  }
0x4e: {  	[tilespmem:s26], [sflag:$0x1] =	stream.linear.gather [hbm4b:s16+s3], $0x80, $0x38;
	[tilespmem:$0x3000] =	vst v63  }
0x4f: {  	s26 =	simm.s32 $0x1C00  }
0x50: {  	[tilespmem:s26], [sflag:$0x1] =	stream.linear.gather [hbm4b:s17+s3], $0x80, $0x38;
	[tilespmem:$0x3000] =	vst v63  }
0x51: {  	s26 =	simm.s32 $0x2000  }
0x52: {  	[tilespmem:s26], [sflag:$0x1] =	stream.linear.gather [hbm4b:s18+s3], $0x80, $0x38;
	[tilespmem:$0x3000] =	vst v63  }
0x53: {  	s26 =	simm.s32 $0x2400  }
0x54: {  	[tilespmem:s26], [sflag:$0x1] =	stream.linear.gather [hbm4b:s19+s3], $0x80, $0x38;
	[tilespmem:$0x3000] =	vst v63  }
0x55: {  	s26 =	simm.s32 $0x2800  }
0x56: {  	[tilespmem:s26], [sflag:$0x1] =	stream.linear.gather [hbm4b:s20+s3], $0x80, $0x38;
	[tilespmem:$0x3000] =	vst v63  }
0x57: {  	s26 =	simm.s32 $0x2C00  }
0x58: {  	[tilespmem:s26], [sflag:$0x1] =	stream.linear.gather [hbm4b:s21+s3], $0x80, $0x38;
	[tilespmem:$0x3000] =	vst v63  }
0x59: {  	_ =	swait.ge [sflag:s23], $0x600  }
0x5a: {  	[sflag:s23] =	ssyncset.done $0x0  }
0x5b: {  	[sflag:s23] =	ssyncadd.s32 $0xFFFFFA00  }
0x5c: {  	v0 =	vld [tilespmem:$0x0];
	_ =	sdelay $0x4  }
0x5d: {  	[tilespmem:$0x1FDF0] =	vst v0;
	v0 =	vld [tilespmem:$0x10];
	_ =	sdelay $0x4  }
0x5e: {  	[tilespmem:$0x1FE00] =	vst v0;
	v0 =	vld [tilespmem:$0x2000];
	_ =	sdelay $0x4  }
0x5f: {  	[tilespmem:$0x1FE10] =	vst v0;
	v0 =	vld [tilespmem:$0x2010];
	_ =	sdelay $0x4  }
0x60: {  	[tilespmem:$0x1FE20] =	vst v0;
	v0 =	vld [tilespmem:$0x2020];
	_ =	sdelay $0x4  }
0x61: {  	[tilespmem:$0x1FE30] =	vst v0;
	v0 =	vld [tilespmem:$0x2030];
	_ =	sdelay $0x4  }
0x62: {  	[tilespmem:$0x1FE40] =	vst v0;
	v0 =	vld [tilespmem:$0x2040];
	_ =	sdelay $0x4  }
0x63: {  	[tilespmem:$0x1FE50] =	vst v0;
	v0 =	vld [tilespmem:$0x2050];
	_ =	sdelay $0x4  }
0x64: {  	[tilespmem:$0x1FE60] =	vst v0;
	v0 =	vld [tilespmem:$0x2060];
	_ =	sdelay $0x4  }
0x65: {  	[tilespmem:$0x1FE70] =	vst v0;
	v0 =	vld [tilespmem:$0x2070];
	_ =	sdelay $0x4  }
0x66: {  	[tilespmem:$0x1FE80] =	vst v0;
	v0 =	vld [tilespmem:$0x2400];
	_ =	sdelay $0x4  }
0x67: {  	[tilespmem:$0x1FE90] =	vst v0;
	v0 =	vld [tilespmem:$0x2410];
	_ =	sdelay $0x4  }
0x68: {  	[tilespmem:$0x1FEA0] =	vst v0;
	v0 =	vld [tilespmem:$0x2420];
	_ =	sdelay $0x4  }
0x69: {  	[tilespmem:$0x1FEB0] =	vst v0;
	v0 =	vld [tilespmem:$0x2430];
	_ =	sdelay $0x4  }
0x6a: {  	[tilespmem:$0x1FEC0] =	vst v0;
	v0 =	vld [tilespmem:$0x2440];
	_ =	sdelay $0x4  }
0x6b: {  	[tilespmem:$0x1FED0] =	vst v0;
	v0 =	vld [tilespmem:$0x2450];
	_ =	sdelay $0x4  }
0x6c: {  	[tilespmem:$0x1FEE0] =	vst v0;
	v0 =	vld [tilespmem:$0x2460];
	_ =	sdelay $0x4  }
0x6d: {  	[tilespmem:$0x1FEF0] =	vst v0;
	v0 =	vld [tilespmem:$0x2470];
	_ =	sdelay $0x2  }
0x6e: {  	v2 =	vld [tilespmem:$0x20]  }
0x6f: {  	v3 =	vld [tilespmem:$0x30]  }
0x70: {  	[tilespmem:$0x1FF00] =	vst v0;
	v0 =	vld [tilespmem:$0x2800]  }
0x71: {  	v4 =	vld [tilespmem:$0x40]  }
0x72: {  	v5 =	vld [tilespmem:$0x50]  }
0x73: {  	v6 =	vld [tilespmem:$0x60]  }
0x74: {  	v7 =	vld [tilespmem:$0x70]  }
0x75: {  	[tilespmem:$0x1FF10] =	vst v0;
	v0 =	vld [tilespmem:$0x2810]  }
0x76: {  	v8 =	vld [tilespmem:$0x400]  }
0x77: {  	v9 =	vld [tilespmem:$0x410]  }
0x78: {  	v10 =	vld [tilespmem:$0x420]  }
0x79: {  	v11 =	vld [tilespmem:$0x430]  }
0x7a: {  	[tilespmem:$0x1FF20] =	vst v0;
	v0 =	vld [tilespmem:$0x2820]  }
0x7b: {  	v12 =	vld [tilespmem:$0x440]  }
0x7c: {  	v13 =	vld [tilespmem:$0x450]  }
0x7d: {  	v14 =	vld [tilespmem:$0x460]  }
0x7e: {  	v15 =	vld [tilespmem:$0x470]  }
0x7f: {  	[tilespmem:$0x1FF30] =	vst v0;
	v0 =	vld [tilespmem:$0x2830]  }
0x80: {  	v16 =	vld [tilespmem:$0x800]  }
0x81: {  	v17 =	vld [tilespmem:$0x810]  }
0x82: {  	v18 =	vld [tilespmem:$0x820]  }
0x83: {  	v19 =	vld [tilespmem:$0x830]  }
0x84: {  	[tilespmem:$0x1FF40] =	vst v0;
	v0 =	vld [tilespmem:$0x2840]  }
0x85: {  	v20 =	vld [tilespmem:$0x840]  }
0x86: {  	v21 =	vld [tilespmem:$0x850]  }
0x87: {  	v22 =	vld [tilespmem:$0x860]  }
0x88: {  	v23 =	vld [tilespmem:$0x870]  }
0x89: {  	[tilespmem:$0x1FF50] =	vst v0;
	v0 =	vld [tilespmem:$0x2850]  }
0x8a: {  	v24 =	vld [tilespmem:$0xC00]  }
0x8b: {  	v25 =	vld [tilespmem:$0xC10]  }
0x8c: {  	v26 =	vld [tilespmem:$0xC20]  }
0x8d: {  	v27 =	vld [tilespmem:$0xC30]  }
0x8e: {  	[tilespmem:$0x1FF60] =	vst v0;
	v0 =	vld [tilespmem:$0x2860]  }
0x8f: {  	v28 =	vld [tilespmem:$0xC40]  }
0x90: {  	v29 =	vld [tilespmem:$0xC50]  }
0x91: {  	v30 =	vld [tilespmem:$0xC60]  }
0x92: {  	v31 =	vld [tilespmem:$0xC70]  }
0x93: {  	[tilespmem:$0x1FF70] =	vst v0;
	v0 =	vld [tilespmem:$0x2870]  }
0x94: {  	v32 =	vld [tilespmem:$0x1000]  }
0x95: {  	v33 =	vld [tilespmem:$0x1010]  }
0x96: {  	v34 =	vld [tilespmem:$0x1020]  }
0x97: {  	v35 =	vld [tilespmem:$0x1030]  }
0x98: {  	[tilespmem:$0x1FF80] =	vst v0;
	v0 =	vld [tilespmem:$0x2C00]  }
0x99: {  	v36 =	vld [tilespmem:$0x1040]  }
0x9a: {  	v37 =	vld [tilespmem:$0x1050]  }
0x9b: {  	v38 =	vld [tilespmem:$0x1060]  }
0x9c: {  	v39 =	vld [tilespmem:$0x1070]  }
0x9d: {  	[tilespmem:$0x1FF90] =	vst v0;
	v0 =	vld [tilespmem:$0x2C10]  }
0x9e: {  	v40 =	vld [tilespmem:$0x1400]  }
0x9f: {  	v41 =	vld [tilespmem:$0x1410]  }
0xa0: {  	v42 =	vld [tilespmem:$0x1420]  }
0xa1: {  	v43 =	vld [tilespmem:$0x1430]  }
0xa2: {  	[tilespmem:$0x1FFA0] =	vst v0;
	v0 =	vld [tilespmem:$0x2C20]  }
0xa3: {  	v44 =	vld [tilespmem:$0x1440]  }
0xa4: {  	v45 =	vld [tilespmem:$0x1450]  }
0xa5: {  	v46 =	vld [tilespmem:$0x1460]  }
0xa6: {  	v47 =	vld [tilespmem:$0x1470]  }
0xa7: {  	[tilespmem:$0x1FFB0] =	vst v0;
	v0 =	vld [tilespmem:$0x2C30]  }
0xa8: {  	v48 =	vld [tilespmem:$0x1800]  }
0xa9: {  	v49 =	vld [tilespmem:$0x1810]  }
0xaa: {  	v50 =	vld [tilespmem:$0x1820]  }
0xab: {  	v51 =	vld [tilespmem:$0x1830]  }
0xac: {  	[tilespmem:$0x1FFC0] =	vst v0;
	v0 =	vld [tilespmem:$0x2C40]  }
0xad: {  	v52 =	vld [tilespmem:$0x1840]  }
0xae: {  	v53 =	vld [tilespmem:$0x1850]  }
0xaf: {  	v54 =	vld [tilespmem:$0x1860]  }
0xb0: {  	v55 =	vld [tilespmem:$0x1870]  }
0xb1: {  	[tilespmem:$0x1FFD0] =	vst v0;
	v0 =	vld [tilespmem:$0x2C50]  }
0xb2: {  	v56 =	vld [tilespmem:$0x1C00]  }
0xb3: {  	v57 =	vld [tilespmem:$0x1C10]  }
0xb4: {  	v58 =	vld [tilespmem:$0x1C20]  }
0xb5: {  	v59 =	vld [tilespmem:$0x1C30]  }
0xb6: {  	[tilespmem:$0x1FFE0] =	vst v0;
	v0 =	vld [tilespmem:$0x2C60]  }
0xb7: {  	v60 =	vld [tilespmem:$0x1C40]  }
0xb8: {  	v61 =	vld [tilespmem:$0x1C50]  }
0xb9: {  	v62 =	vld [tilespmem:$0x1C60]  }
0xba: {  	v63 =	vld [tilespmem:$0x1C70]  }
0xbb: {  	s28 =	simm.s32 $0x200;
	s26 =	simm.s32 $0x0;
	[tilespmem:$0x1FFF0] =	vst v0;
	v0 =	vld [tilespmem:$0x2C70]  }
.LBB2_2:
0xbc: {  	v1 =	vld [tilespmem:$0x1FDF0];
	_ =	sdelay $0x4  }
0xbd: {  	[tilespmem:s26+$0x80] =	vst v1;
	v1 =	vld [tilespmem:$0x1FE00];
	_ =	sdelay $0x4  }
0xbe: {  	[tilespmem:s26+$0x90] =	vst v1;
	v1 =	vld [tilespmem:$0x1FE10];
	_ =	sdelay $0x4  }
0xbf: {  	[tilespmem:s26+$0x2080] =	vst v1;
	v1 =	vld [tilespmem:$0x1FE20];
	_ =	sdelay $0x4  }
0xc0: {  	[tilespmem:s26+$0x2090] =	vst v1;
	v1 =	vld [tilespmem:$0x1FE30];
	_ =	sdelay $0x4  }
0xc1: {  	[tilespmem:s26+$0x20A0] =	vst v1;
	v1 =	vld [tilespmem:$0x1FE40];
	_ =	sdelay $0x4  }
0xc2: {  	[tilespmem:s26+$0x20B0] =	vst v1;
	v1 =	vld [tilespmem:$0x1FE50];
	_ =	sdelay $0x4  }
0xc3: {  	[tilespmem:s26+$0x20C0] =	vst v1;
	v1 =	vld [tilespmem:$0x1FE60];
	_ =	sdelay $0x4  }
0xc4: {  	[tilespmem:s26+$0x20D0] =	vst v1;
	v1 =	vld [tilespmem:$0x1FE70];
	_ =	sdelay $0x4  }
0xc5: {  	[tilespmem:s26+$0x20E0] =	vst v1;
	v1 =	vld [tilespmem:$0x1FE80];
	_ =	sdelay $0x4  }
0xc6: {  	[tilespmem:s26+$0x20F0] =	vst v1;
	v1 =	vld [tilespmem:$0x1FE90];
	_ =	sdelay $0x4  }
0xc7: {  	[tilespmem:s26+$0x2480] =	vst v1;
	v1 =	vld [tilespmem:$0x1FEA0];
	_ =	sdelay $0x4  }
0xc8: {  	[tilespmem:s26+$0x2490] =	vst v1;
	v1 =	vld [tilespmem:$0x1FEB0];
	_ =	sdelay $0x4  }
0xc9: {  	[tilespmem:s26+$0x24A0] =	vst v1;
	v1 =	vld [tilespmem:$0x1FEC0];
	_ =	sdelay $0x4  }
0xca: {  	[tilespmem:s26+$0x24B0] =	vst v1;
	v1 =	vld [tilespmem:$0x1FED0];
	_ =	sdelay $0x4  }
0xcb: {  	[tilespmem:s26+$0x24C0] =	vst v1;
	v1 =	vld [tilespmem:$0x1FEE0];
	_ =	sdelay $0x4  }
0xcc: {  	[tilespmem:s26+$0x24D0] =	vst v1;
	v1 =	vld [tilespmem:$0x1FEF0];
	_ =	sdelay $0x4  }
0xcd: {  	[tilespmem:s26+$0x24E0] =	vst v1;
	v1 =	vld [tilespmem:$0x1FF00];
	_ =	sdelay $0x1  }
0xce: {  	[tilespmem:s26+$0x2CF0] =	vst v0  }
0xcf: {  	[tilespmem:s26+$0xA0] =	vst v2  }
0xd0: {  	[tilespmem:s26+$0xB0] =	vst v3  }
0xd1: {  	[tilespmem:s26+$0x24F0] =	vst v1;
	v1 =	vld [tilespmem:$0x1FF10]  }
0xd2: {  	[tilespmem:s26+$0xC0] =	vst v4  }
0xd3: {  	[tilespmem:s26+$0xD0] =	vst v5  }
0xd4: {  	[tilespmem:s26+$0xE0] =	vst v6  }
0xd5: {  	[tilespmem:s26+$0xF0] =	vst v7  }
0xd6: {  	[tilespmem:s26+$0x2880] =	vst v1;
	v1 =	vld [tilespmem:$0x1FF20]  }
0xd7: {  	[tilespmem:s26+$0x480] =	vst v8  }
0xd8: {  	[tilespmem:s26+$0x490] =	vst v9  }
0xd9: {  	[tilespmem:s26+$0x4A0] =	vst v10  }
0xda: {  	[tilespmem:s26+$0x4B0] =	vst v11  }
0xdb: {  	[tilespmem:s26+$0x2890] =	vst v1;
	v1 =	vld [tilespmem:$0x1FF30]  }
0xdc: {  	[tilespmem:s26+$0x4C0] =	vst v12  }
0xdd: {  	[tilespmem:s26+$0x4D0] =	vst v13  }
0xde: {  	[tilespmem:s26+$0x4E0] =	vst v14  }
0xdf: {  	[tilespmem:s26+$0x4F0] =	vst v15  }
0xe0: {  	[tilespmem:s26+$0x28A0] =	vst v1;
	v1 =	vld [tilespmem:$0x1FF40]  }
0xe1: {  	[tilespmem:s26+$0x880] =	vst v16  }
0xe2: {  	[tilespmem:s26+$0x890] =	vst v17  }
0xe3: {  	[tilespmem:s26+$0x8A0] =	vst v18  }
0xe4: {  	[tilespmem:s26+$0x8B0] =	vst v19  }
0xe5: {  	[tilespmem:s26+$0x28B0] =	vst v1;
	v1 =	vld [tilespmem:$0x1FF50]  }
0xe6: {  	[tilespmem:s26+$0x8C0] =	vst v20  }
0xe7: {  	[tilespmem:s26+$0x8D0] =	vst v21  }
0xe8: {  	[tilespmem:s26+$0x8E0] =	vst v22  }
0xe9: {  	[tilespmem:s26+$0x8F0] =	vst v23  }
0xea: {  	[tilespmem:s26+$0x28C0] =	vst v1;
	v1 =	vld [tilespmem:$0x1FF60]  }
0xeb: {  	[tilespmem:s26+$0xC80] =	vst v24  }
0xec: {  	[tilespmem:s26+$0xC90] =	vst v25  }
0xed: {  	[tilespmem:s26+$0xCA0] =	vst v26  }
0xee: {  	[tilespmem:s26+$0xCB0] =	vst v27  }
0xef: {  	[tilespmem:s26+$0x28D0] =	vst v1;
	v1 =	vld [tilespmem:$0x1FF70]  }
0xf0: {  	[tilespmem:s26+$0xCC0] =	vst v28  }
0xf1: {  	[tilespmem:s26+$0xCD0] =	vst v29  }
0xf2: {  	[tilespmem:s26+$0xCE0] =	vst v30  }
0xf3: {  	[tilespmem:s26+$0xCF0] =	vst v31  }
0xf4: {  	[tilespmem:s26+$0x28E0] =	vst v1;
	v1 =	vld [tilespmem:$0x1FF80]  }
0xf5: {  	[tilespmem:s26+$0x1080] =	vst v32  }
0xf6: {  	[tilespmem:s26+$0x1090] =	vst v33  }
0xf7: {  	[tilespmem:s26+$0x10A0] =	vst v34  }
0xf8: {  	[tilespmem:s26+$0x10B0] =	vst v35  }
0xf9: {  	[tilespmem:s26+$0x28F0] =	vst v1;
	v1 =	vld [tilespmem:$0x1FF90]  }
0xfa: {  	[tilespmem:s26+$0x10C0] =	vst v36  }
0xfb: {  	[tilespmem:s26+$0x10D0] =	vst v37  }
0xfc: {  	[tilespmem:s26+$0x10E0] =	vst v38  }
0xfd: {  	[tilespmem:s26+$0x10F0] =	vst v39  }
0xfe: {  	[tilespmem:s26+$0x2C80] =	vst v1;
	v1 =	vld [tilespmem:$0x1FFA0]  }
0xff: {  	[tilespmem:s26+$0x1480] =	vst v40  }
0x100: {  	[tilespmem:s26+$0x1490] =	vst v41  }
0x101: {  	[tilespmem:s26+$0x14A0] =	vst v42  }
0x102: {  	[tilespmem:s26+$0x14B0] =	vst v43  }
0x103: {  	[tilespmem:s26+$0x2C90] =	vst v1;
	v1 =	vld [tilespmem:$0x1FFB0]  }
0x104: {  	[tilespmem:s26+$0x14C0] =	vst v44  }
0x105: {  	[tilespmem:s26+$0x14D0] =	vst v45  }
0x106: {  	[tilespmem:s26+$0x14E0] =	vst v46  }
0x107: {  	[tilespmem:s26+$0x14F0] =	vst v47  }
0x108: {  	[tilespmem:s26+$0x2CA0] =	vst v1;
	v1 =	vld [tilespmem:$0x1FFC0]  }
0x109: {  	[tilespmem:s26+$0x1880] =	vst v48  }
0x10a: {  	[tilespmem:s26+$0x1890] =	vst v49  }
0x10b: {  	[tilespmem:s26+$0x18A0] =	vst v50  }
0x10c: {  	[tilespmem:s26+$0x18B0] =	vst v51  }
0x10d: {  	[tilespmem:s26+$0x2CB0] =	vst v1;
	v1 =	vld [tilespmem:$0x1FFD0]  }
0x10e: {  	[tilespmem:s26+$0x18C0] =	vst v52  }
0x10f: {  	[tilespmem:s26+$0x18D0] =	vst v53  }
0x110: {  	[tilespmem:s26+$0x18E0] =	vst v54  }
0x111: {  	[tilespmem:s26+$0x18F0] =	vst v55  }
0x112: {  	[tilespmem:s26+$0x2CC0] =	vst v1;
	v1 =	vld [tilespmem:$0x1FFE0]  }
0x113: {  	[tilespmem:s26+$0x1C80] =	vst v56  }
0x114: {  	[tilespmem:s26+$0x1C90] =	vst v57  }
0x115: {  	[tilespmem:s26+$0x1CA0] =	vst v58  }
0x116: {  	[tilespmem:s26+$0x1CB0] =	vst v59  }
0x117: {  	p0 =	sne.s32 s28, $0xC00;
	[tilespmem:s26+$0x2CD0] =	vst v1;
	v1 =	vld [tilespmem:$0x1FFF0]  }
.Ltmp0:
0x118: {  	[tilespmem:s26+$0x1CC0] =	vst v60;
	(pc) =	sbr.rel @p0 .LBB2_2-.Ltmp0, $4  }
0x119: {  	[tilespmem:s26+$0x1CD0] =	vst v61  }
0x11a: {  	[tilespmem:s26+$0x1CE0] =	vst v62  }
0x11b: {  	[tilespmem:s26+$0x1CF0] =	vst v63  }
0x11c: {  	[tilespmem:s26+$0x2CE0] =	vst v1;
	s26 =	sshra.s32 s28, $0x2;
	s28 =	sadd.s32 $0x200, s28  }
0x11d: {  	[tilespmem:s26+$0x2CF0] =	vst v0  }
0x11e: {  	[tilespmem:s26+$0xA0] =	vst v2  }
0x11f: {  	[tilespmem:s26+$0xB0] =	vst v3  }
0x120: {  	[tilespmem:s26+$0xC0] =	vst v4  }
0x121: {  	[tilespmem:s26+$0xD0] =	vst v5  }
0x122: {  	[tilespmem:s26+$0xE0] =	vst v6  }
0x123: {  	[tilespmem:s26+$0xF0] =	vst v7  }
0x124: {  	[tilespmem:s26+$0x480] =	vst v8  }
0x125: {  	[tilespmem:s26+$0x490] =	vst v9  }
0x126: {  	[tilespmem:s26+$0x4A0] =	vst v10  }
0x127: {  	[tilespmem:s26+$0x4B0] =	vst v11  }
0x128: {  	[tilespmem:s26+$0x4C0] =	vst v12  }
0x129: {  	[tilespmem:s26+$0x4D0] =	vst v13  }
0x12a: {  	[tilespmem:s26+$0x4E0] =	vst v14  }
0x12b: {  	[tilespmem:s26+$0x4F0] =	vst v15  }
0x12c: {  	[tilespmem:s26+$0x880] =	vst v16  }
0x12d: {  	[tilespmem:s26+$0x890] =	vst v17  }
0x12e: {  	[tilespmem:s26+$0x8A0] =	vst v18  }
0x12f: {  	[tilespmem:s26+$0x8B0] =	vst v19  }
0x130: {  	[tilespmem:s26+$0x8C0] =	vst v20  }
0x131: {  	[tilespmem:s26+$0x8D0] =	vst v21  }
0x132: {  	[tilespmem:s26+$0x8E0] =	vst v22  }
0x133: {  	[tilespmem:s26+$0x8F0] =	vst v23  }
0x134: {  	[tilespmem:s26+$0xC80] =	vst v24  }
0x135: {  	[tilespmem:s26+$0xC90] =	vst v25  }
0x136: {  	[tilespmem:s26+$0xCA0] =	vst v26  }
0x137: {  	[tilespmem:s26+$0xCB0] =	vst v27  }
0x138: {  	[tilespmem:s26+$0xCC0] =	vst v28  }
0x139: {  	[tilespmem:s26+$0xCD0] =	vst v29  }
0x13a: {  	[tilespmem:s26+$0xCE0] =	vst v30  }
0x13b: {  	[tilespmem:s26+$0xCF0] =	vst v31  }
0x13c: {  	[tilespmem:s26+$0x1080] =	vst v32  }
0x13d: {  	[tilespmem:s26+$0x1090] =	vst v33  }
0x13e: {  	[tilespmem:s26+$0x10A0] =	vst v34  }
0x13f: {  	[tilespmem:s26+$0x10B0] =	vst v35  }
0x140: {  	[tilespmem:s26+$0x10C0] =	vst v36  }
0x141: {  	[tilespmem:s26+$0x10D0] =	vst v37  }
0x142: {  	[tilespmem:s26+$0x10E0] =	vst v38  }
0x143: {  	[tilespmem:s26+$0x10F0] =	vst v39  }
0x144: {  	[tilespmem:s26+$0x1480] =	vst v40  }
0x145: {  	[tilespmem:s26+$0x1490] =	vst v41  }
0x146: {  	[tilespmem:s26+$0x14A0] =	vst v42  }
0x147: {  	[tilespmem:s26+$0x14B0] =	vst v43  }
0x148: {  	[tilespmem:s26+$0x14C0] =	vst v44  }
0x149: {  	[tilespmem:s26+$0x14D0] =	vst v45  }
0x14a: {  	[tilespmem:s26+$0x14E0] =	vst v46  }
0x14b: {  	[tilespmem:s26+$0x14F0] =	vst v47  }
0x14c: {  	[tilespmem:s26+$0x1880] =	vst v48  }
0x14d: {  	[tilespmem:s26+$0x1890] =	vst v49  }
0x14e: {  	[tilespmem:s26+$0x18A0] =	vst v50  }
0x14f: {  	[tilespmem:s26+$0x18B0] =	vst v51  }
0x150: {  	[tilespmem:s26+$0x18C0] =	vst v52  }
0x151: {  	[tilespmem:s26+$0x18D0] =	vst v53  }
0x152: {  	[tilespmem:s26+$0x18E0] =	vst v54  }
0x153: {  	[tilespmem:s26+$0x18F0] =	vst v55  }
0x154: {  	[tilespmem:s26+$0x1C80] =	vst v56  }
0x155: {  	[tilespmem:s26+$0x1C90] =	vst v57  }
0x156: {  	[tilespmem:s26+$0x1CA0] =	vst v58  }
0x157: {  	v0 =	vld [tilespmem:$0x1FDF0];
	[tilespmem:s26+$0x1CB0] =	vst v59  }
0x158: {  	[tilespmem:s26+$0x1CC0] =	vst v60;
	v33 =	vld [tilespmem:$0x1FE10]  }
0x159: {  	[tilespmem:s26+$0x1CD0] =	vst v61;
	v34 =	vld [tilespmem:$0x1FE20]  }
0x15a: {  	[tilespmem:s26+$0x1CE0] =	vst v62;
	v35 =	vld [tilespmem:$0x1FE30]  }
0x15b: {  	[tilespmem:s26+$0x1CF0] =	vst v63;
	v36 =	vld [tilespmem:$0x1FE40]  }
0x15c: {  	v37 =	vld [tilespmem:$0x1FE50];
	[tilespmem:s26+$0x80] =	vst v0  }
0x15d: {  	v38 =	vld [tilespmem:$0x1FE60];
	[tilespmem:s26+$0x2080] =	vst v33  }
0x15e: {  	v39 =	vld [tilespmem:$0x1FE70];
	[tilespmem:s26+$0x2090] =	vst v34  }
0x15f: {  	v40 =	vld [tilespmem:$0x1FE80];
	[tilespmem:s26+$0x20A0] =	vst v35  }
0x160: {  	v41 =	vld [tilespmem:$0x1FE90];
	[tilespmem:s26+$0x20B0] =	vst v36  }
0x161: {  	v42 =	vld [tilespmem:$0x1FEA0];
	[tilespmem:s26+$0x20C0] =	vst v37  }
0x162: {  	v43 =	vld [tilespmem:$0x1FEB0];
	[tilespmem:s26+$0x20D0] =	vst v38  }
0x163: {  	v44 =	vld [tilespmem:$0x1FEC0];
	[tilespmem:s26+$0x20E0] =	vst v39  }
0x164: {  	v45 =	vld [tilespmem:$0x1FED0];
	[tilespmem:s26+$0x20F0] =	vst v40  }
0x165: {  	v46 =	vld [tilespmem:$0x1FEE0];
	[tilespmem:s26+$0x2480] =	vst v41  }
0x166: {  	v47 =	vld [tilespmem:$0x1FEF0];
	[tilespmem:s26+$0x2490] =	vst v42  }
0x167: {  	v48 =	vld [tilespmem:$0x1FF00];
	[tilespmem:s26+$0x24A0] =	vst v43  }
0x168: {  	v49 =	vld [tilespmem:$0x1FF10];
	[tilespmem:s26+$0x24B0] =	vst v44  }
0x169: {  	v50 =	vld [tilespmem:$0x1FF20];
	[tilespmem:s26+$0x24C0] =	vst v45  }
0x16a: {  	v51 =	vld [tilespmem:$0x1FF30];
	[tilespmem:s26+$0x24D0] =	vst v46  }
0x16b: {  	v52 =	vld [tilespmem:$0x1FF40];
	[tilespmem:s26+$0x24E0] =	vst v47  }
0x16c: {  	v53 =	vld [tilespmem:$0x1FF50];
	[tilespmem:s26+$0x24F0] =	vst v48  }
0x16d: {  	v54 =	vld [tilespmem:$0x1FF60];
	[tilespmem:s26+$0x2880] =	vst v49  }
0x16e: {  	v55 =	vld [tilespmem:$0x1FF70];
	[tilespmem:s26+$0x2890] =	vst v50  }
0x16f: {  	v56 =	vld [tilespmem:$0x1FF80];
	[tilespmem:s26+$0x28A0] =	vst v51  }
0x170: {  	v57 =	vld [tilespmem:$0x1FF90];
	[tilespmem:s26+$0x28B0] =	vst v52  }
0x171: {  	v58 =	vld [tilespmem:$0x1FFA0];
	[tilespmem:s26+$0x28C0] =	vst v53  }
0x172: {  	v59 =	vld [tilespmem:$0x1FFB0];
	[tilespmem:s26+$0x28D0] =	vst v54  }
0x173: {  	v60 =	vld [tilespmem:$0x1FFC0];
	[tilespmem:s26+$0x28E0] =	vst v55  }
0x174: {  	v61 =	vld [tilespmem:$0x1FFD0];
	[tilespmem:s26+$0x28F0] =	vst v56  }
0x175: {  	v62 =	vld [tilespmem:$0x1FFE0];
	[tilespmem:s26+$0x2C80] =	vst v57  }
0x176: {  	v63 =	vld [tilespmem:$0x1FFF0];
	[tilespmem:s26+$0x2C90] =	vst v58  }
0x177: {  	v0 =	vld [tilespmem:$0x1FE00];
	[tilespmem:s26+$0x2CA0] =	vst v59  }
0x178: {  	[tilespmem:s26+$0x2CB0] =	vst v60  }
0x179: {  	[tilespmem:s26+$0x2CC0] =	vst v61  }
0x17a: {  	[tilespmem:s26+$0x2CD0] =	vst v62  }
0x17b: {  	[tilespmem:s26+$0x2CE0] =	vst v63  }
0x17c: {  	[tilespmem:s26+$0x90] =	vst v0  }
0x17d: {  	[hbm4b:s4+s22] =	stream.strided.scatter [tilespmem:s3], [sflag:$0x1], $0x3000, s24, s22, $0x38;
	[tilespmem:$0x3000] =	vst v63  }
0x17e: {  	s28 =	rddreg [dreg:$0x3]  }
0x17f: {  	[hbm4b:s28+s22] =	stream.strided.scatter [tilespmem:s3], [sflag:$0x1], $0x3000, s24, s22, $0x38;
	[tilespmem:$0x3000] =	vst v63  }
0x180: {  	s28 =	rddreg [dreg:$0x4]  }
0x181: {  	[hbm4b:s28+s22] =	stream.strided.scatter [tilespmem:s3], [sflag:$0x1], $0x3000, s24, s22, $0x38;
	[tilespmem:$0x3000] =	vst v63  }
0x182: {  	s28 =	rddreg [dreg:$0x5]  }
0x183: {  	[hbm4b:s28+s22] =	stream.strided.scatter [tilespmem:s3], [sflag:$0x1], $0x3000, s24, s22, $0x38;
	[tilespmem:$0x3000] =	vst v63  }
0x184: {  	s28 =	rddreg [dreg:$0x6]  }
0x185: {  	[hbm4b:s28+s22] =	stream.strided.scatter [tilespmem:s3], [sflag:$0x1], $0x3000, s24, s22, $0x38;
	[tilespmem:$0x3000] =	vst v63  }
0x186: {  	s28 =	rddreg [dreg:$0x7]  }
0x187: {  	[hbm4b:s28+s22] =	stream.strided.scatter [tilespmem:s3], [sflag:$0x1], $0x3000, s24, s22, $0x38;
	[tilespmem:$0x3000] =	vst v63  }
0x188: {  	s28 =	rddreg [dreg:$0x8]  }
0x189: {  	[hbm4b:s28+s22] =	stream.strided.scatter [tilespmem:s3], [sflag:$0x1], $0x3000, s24, s22, $0x38;
	[tilespmem:$0x3000] =	vst v63  }
0x18a: {  	s28 =	rddreg [dreg:$0x9]  }
0x18b: {  	[hbm4b:s28+s22] =	stream.strided.scatter [tilespmem:s3], [sflag:$0x1], $0x3000, s24, s22, $0x38;
	[tilespmem:$0x3000] =	vst v63  }
0x18c: {  	s28 =	rddreg [dreg:$0xa]  }
0x18d: {  	[hbm4b:s28+s22] =	stream.strided.scatter [tilespmem:s3], [sflag:$0x1], $0x3000, s24, s22, $0x38;
	[tilespmem:$0x3000] =	vst v63  }
0x18e: {  	s28 =	rddreg [dreg:$0xb]  }
0x18f: {  	[hbm4b:s28+s22] =	stream.strided.scatter [tilespmem:s3], [sflag:$0x1], $0x3000, s24, s22, $0x38;
	[tilespmem:$0x3000] =	vst v63  }
0x190: {  	s28 =	rddreg [dreg:$0xc]  }
0x191: {  	[hbm4b:s28+s22] =	stream.strided.scatter [tilespmem:s3], [sflag:$0x1], $0x3000, s24, s22, $0x38;
	[tilespmem:$0x3000] =	vst v63  }
0x192: {  	s28 =	rddreg [dreg:$0xd]  }
0x193: {  	[hbm4b:s28+s22] =	stream.strided.scatter [tilespmem:s3], [sflag:$0x1], $0x3000, s24, s22, $0x38;
	[tilespmem:$0x3000] =	vst v63  }
0x194: {  	s28 =	rddreg [dreg:$0xe]  }
0x195: {  	[hbm4b:s28+s22] =	stream.strided.scatter [tilespmem:s3], [sflag:$0x1], $0x3000, s24, s22, $0x38;
	[tilespmem:$0x3000] =	vst v63  }
0x196: {  	s28 =	rddreg [dreg:$0xf]  }
0x197: {  	[hbm4b:s28+s22] =	stream.strided.scatter [tilespmem:s3], [sflag:$0x1], $0x3000, s24, s22, $0x38;
	[tilespmem:$0x3000] =	vst v63  }
0x198: {  	s28 =	rddreg [dreg:$0x10]  }
0x199: {  	[hbm4b:s28+s22] =	stream.strided.scatter [tilespmem:s3], [sflag:$0x1], $0x3000, s24, s22, $0x38;
	[tilespmem:$0x3000] =	vst v63  }
0x19a: {  	s28 =	rddreg [dreg:$0x11]  }
0x19b: {  	[hbm4b:s28+s22] =	stream.strided.scatter [tilespmem:s3], [sflag:$0x1], $0x3000, s24, s22, $0x38;
	[tilespmem:$0x3000] =	vst v63  }
0x19c: {  	s28 =	rddreg [dreg:$0x12]  }
0x19d: {  	[hbm4b:s28+s22] =	stream.strided.scatter [tilespmem:s3], [sflag:$0x1], $0x3000, s24, s22, $0x38;
	[tilespmem:$0x3000] =	vst v63  }
0x19e: {  	s28 =	rddreg [dreg:$0x13]  }
0x19f: {  	[hbm4b:s28+s22] =	stream.strided.scatter [tilespmem:s3], [sflag:$0x1], $0x3000, s24, s22, $0x38;
	[tilespmem:$0x3000] =	vst v63  }
0x1a0: {  	s28 =	rddreg [dreg:$0x14]  }
0x1a1: {  	[hbm4b:s28+s22] =	stream.strided.scatter [tilespmem:s3], [sflag:$0x1], $0x3000, s24, s22, $0x38;
	[tilespmem:$0x3000] =	vst v63  }
0x1a2: {  	s28 =	rddreg [dreg:$0x15]  }
0x1a3: {  	[hbm4b:s28+s22] =	stream.strided.scatter [tilespmem:s3], [sflag:$0x1], $0x3000, s24, s22, $0x38;
	[tilespmem:$0x3000] =	vst v63  }
0x1a4: {  	s28 =	rddreg [dreg:$0x16]  }
0x1a5: {  	[hbm4b:s28+s22] =	stream.strided.scatter [tilespmem:s3], [sflag:$0x1], $0x3000, s24, s22, $0x38;
	[tilespmem:$0x3000] =	vst v63  }
0x1a6: {  	s28 =	rddreg [dreg:$0x18]  }
0x1a7: {  	[hbm4b:s28+s22] =	stream.strided.scatter [tilespmem:s3], [sflag:$0x1], $0x3000, s24, s22, $0x38;
	[tilespmem:$0x3000] =	vst v63  }
0x1a8: {  	s28 =	rddreg [dreg:$0x19]  }
0x1a9: {  	[hbm4b:s28+s22] =	stream.strided.scatter [tilespmem:s3], [sflag:$0x1], $0x3000, s24, s22, $0x38;
	[tilespmem:$0x3000] =	vst v63  }
0x1aa: {  	s28 =	rddreg [dreg:$0x1a]  }
0x1ab: {  	[hbm4b:s28+s22] =	stream.strided.scatter [tilespmem:s3], [sflag:$0x1], $0x3000, s24, s22, $0x38;
	[tilespmem:$0x3000] =	vst v63  }
0x1ac: {  	s28 =	rddreg [dreg:$0x1b]  }
0x1ad: {  	[hbm4b:s28+s22] =	stream.strided.scatter [tilespmem:s3], [sflag:$0x1], $0x3000, s24, s22, $0x38;
	[tilespmem:$0x3000] =	vst v63  }
0x1ae: {  	s28 =	rddreg [dreg:$0x1c]  }
0x1af: {  	[hbm4b:s28+s22] =	stream.strided.scatter [tilespmem:s3], [sflag:$0x1], $0x3000, s24, s22, $0x38;
	[tilespmem:$0x3000] =	vst v63  }
0x1b0: {  	s28 =	rddreg [dreg:$0x1d]  }
0x1b1: {  	[hbm4b:s28+s22] =	stream.strided.scatter [tilespmem:s3], [sflag:$0x1], $0x3000, s24, s22, $0x38;
	[tilespmem:$0x3000] =	vst v63  }
0x1b2: {  	s28 =	rddreg [dreg:$0x1e]  }
0x1b3: {  	[hbm4b:s28+s22] =	stream.strided.scatter [tilespmem:s3], [sflag:$0x1], $0x3000, s24, s22, $0x38;
	[tilespmem:$0x3000] =	vst v63  }
0x1b4: {  	s28 =	rddreg [dreg:$0x1f]  }
0x1b5: {  	[hbm4b:s28+s22] =	stream.strided.scatter [tilespmem:s3], [sflag:$0x1], $0x3000, s24, s22, $0x38;
	[tilespmem:$0x3000] =	vst v63  }
0x1b6: {  	s28 =	sld [smem:$0x7E7];
	_ =	sdelay $0x2  }
0x1b7: {  	[hbm4b:s28+s22] =	stream.strided.scatter [tilespmem:s3], [sflag:$0x1], $0x3000, s24, s22, $0x38;
	[tilespmem:$0x3000] =	vst v63  }
0x1b8: {  	s28 =	sld [smem:$0x7E8];
	_ =	sdelay $0x2  }
0x1b9: {  	[hbm4b:s28+s22] =	stream.strided.scatter [tilespmem:s3], [sflag:$0x1], $0x3000, s24, s22, $0x38;
	[tilespmem:$0x3000] =	vst v63  }
0x1ba: {  	s28 =	sld [smem:$0x7E9];
	_ =	sdelay $0x2  }
0x1bb: {  	[hbm4b:s28+s22] =	stream.strided.scatter [tilespmem:s3], [sflag:$0x1], $0x3000, s24, s22, $0x38;
	[tilespmem:$0x3000] =	vst v63  }
0x1bc: {  	s28 =	sld [smem:$0x7EA];
	_ =	sdelay $0x2  }
0x1bd: {  	[hbm4b:s28+s22] =	stream.strided.scatter [tilespmem:s3], [sflag:$0x1], $0x3000, s24, s22, $0x38;
	[tilespmem:$0x3000] =	vst v63  }
0x1be: {  	s28 =	sld [smem:$0x7EB];
	_ =	sdelay $0x2  }
0x1bf: {  	[hbm4b:s28+s22] =	stream.strided.scatter [tilespmem:s3], [sflag:$0x1], $0x3000, s24, s22, $0x38;
	[tilespmem:$0x3000] =	vst v63  }
0x1c0: {  	s28 =	sld [smem:$0x7EC];
	_ =	sdelay $0x2  }
0x1c1: {  	[hbm4b:s28+s22] =	stream.strided.scatter [tilespmem:s3], [sflag:$0x1], $0x3000, s24, s22, $0x38;
	[tilespmem:$0x3000] =	vst v63  }
0x1c2: {  	s28 =	sld [smem:$0x7ED];
	_ =	sdelay $0x2  }
0x1c3: {  	[hbm4b:s28+s22] =	stream.strided.scatter [tilespmem:s3], [sflag:$0x1], $0x3000, s24, s22, $0x38;
	[tilespmem:$0x3000] =	vst v63  }
0x1c4: {  	s28 =	sld [smem:$0x7EE];
	_ =	sdelay $0x2  }
0x1c5: {  	[hbm4b:s28+s22] =	stream.strided.scatter [tilespmem:s3], [sflag:$0x1], $0x3000, s24, s22, $0x38;
	[tilespmem:$0x3000] =	vst v63  }
0x1c6: {  	s28 =	sld [smem:$0x7EF];
	_ =	sdelay $0x2  }
0x1c7: {  	[hbm4b:s28+s22] =	stream.strided.scatter [tilespmem:s3], [sflag:$0x1], $0x3000, s24, s22, $0x38;
	[tilespmem:$0x3000] =	vst v63  }
0x1c8: {  	s28 =	sld [smem:$0x7F0];
	_ =	sdelay $0x2  }
0x1c9: {  	[hbm4b:s28+s22] =	stream.strided.scatter [tilespmem:s3], [sflag:$0x1], $0x3000, s24, s22, $0x38;
	[tilespmem:$0x3000] =	vst v63  }
0x1ca: {  	s28 =	sld [smem:$0x7F1];
	_ =	sdelay $0x2  }
0x1cb: {  	[hbm4b:s28+s22] =	stream.strided.scatter [tilespmem:s3], [sflag:$0x1], $0x3000, s24, s22, $0x38;
	[tilespmem:$0x3000] =	vst v63  }
0x1cc: {  	s28 =	sld [smem:$0x7F2];
	_ =	sdelay $0x2  }
0x1cd: {  	[hbm4b:s28+s22] =	stream.strided.scatter [tilespmem:s3], [sflag:$0x1], $0x3000, s24, s22, $0x38;
	[tilespmem:$0x3000] =	vst v63  }
0x1ce: {  	s28 =	sld [smem:$0x7F3];
	_ =	sdelay $0x2  }
0x1cf: {  	[hbm4b:s28+s22] =	stream.strided.scatter [tilespmem:s3], [sflag:$0x1], $0x3000, s24, s22, $0x38;
	[tilespmem:$0x3000] =	vst v63  }
0x1d0: {  	s28 =	sld [smem:$0x7F4];
	_ =	sdelay $0x2  }
0x1d1: {  	[hbm4b:s28+s22] =	stream.strided.scatter [tilespmem:s3], [sflag:$0x1], $0x3000, s24, s22, $0x38;
	[tilespmem:$0x3000] =	vst v63  }
0x1d2: {  	s28 =	sld [smem:$0x7F5];
	_ =	sdelay $0x2  }
0x1d3: {  	[hbm4b:s28+s22] =	stream.strided.scatter [tilespmem:s3], [sflag:$0x1], $0x3000, s24, s22, $0x38;
	[tilespmem:$0x3000] =	vst v63  }
0x1d4: {  	s28 =	sld [smem:$0x7F6];
	_ =	sdelay $0x2  }
0x1d5: {  	[hbm4b:s28+s22] =	stream.strided.scatter [tilespmem:s3], [sflag:$0x1], $0x3000, s24, s22, $0x38;
	[tilespmem:$0x3000] =	vst v63  }
0x1d6: {  	s28 =	sld [smem:$0x7F7];
	_ =	sdelay $0x2  }
0x1d7: {  	[hbm4b:s28+s22] =	stream.strided.scatter [tilespmem:s3], [sflag:$0x1], $0x3000, s24, s22, $0x38;
	[tilespmem:$0x3000] =	vst v63  }
0x1d8: {  	s28 =	sld [smem:$0x7F8];
	_ =	sdelay $0x2  }
0x1d9: {  	[hbm4b:s28+s22] =	stream.strided.scatter [tilespmem:s3], [sflag:$0x1], $0x3000, s24, s22, $0x38;
	[tilespmem:$0x3000] =	vst v63  }
0x1da: {  	s28 =	sld [smem:$0x7F9];
	_ =	sdelay $0x2  }
0x1db: {  	[hbm4b:s28+s22] =	stream.strided.scatter [tilespmem:s3], [sflag:$0x1], $0x3000, s24, s22, $0x38;
	[tilespmem:$0x3000] =	vst v63  }
0x1dc: {  	s28 =	sld [smem:$0x7FA];
	_ =	sdelay $0x2  }
0x1dd: {  	[hbm4b:s28+s22] =	stream.strided.scatter [tilespmem:s3], [sflag:$0x1], $0x3000, s24, s22, $0x38;
	[tilespmem:$0x3000] =	vst v63  }
0x1de: {  	s28 =	sld [smem:$0x7FB];
	_ =	sdelay $0x2  }
0x1df: {  	[hbm4b:s28+s22] =	stream.strided.scatter [tilespmem:s3], [sflag:$0x1], $0x3000, s24, s22, $0x38;
	[tilespmem:$0x3000] =	vst v63  }
0x1e0: {  	s28 =	sld [smem:$0x7FC];
	_ =	sdelay $0x2  }
0x1e1: {  	[hbm4b:s28+s22] =	stream.strided.scatter [tilespmem:s3], [sflag:$0x1], $0x3000, s24, s22, $0x38;
	[tilespmem:$0x3000] =	vst v63  }
0x1e2: {  	s28 =	sld [smem:$0x7FD];
	_ =	sdelay $0x2  }
0x1e3: {  	[hbm4b:s28+s22] =	stream.strided.scatter [tilespmem:s3], [sflag:$0x1], $0x3000, s24, s22, $0x38;
	[tilespmem:$0x3000] =	vst v63  }
0x1e4: {  	_ = 	snop  }
0x1e5: {  	[hbm4b:s29+s22] =	stream.strided.scatter [tilespmem:s3], [sflag:$0x1], $0x3000, s24, s22, $0x38;
	[tilespmem:$0x3000] =	vst v63  }
0x1e6: {  	_ = 	snop  }
0x1e7: {  	[hbm4b:s30+s22] =	stream.strided.scatter [tilespmem:s3], [sflag:$0x1], $0x3000, s24, s22, $0x38;
	[tilespmem:$0x3000] =	vst v63  }
0x1e8: {  	_ = 	snop  }
0x1e9: {  	[hbm4b:s31+s22] =	stream.strided.scatter [tilespmem:s3], [sflag:$0x1], $0x3000, s24, s22, $0x38;
	[tilespmem:$0x3000] =	vst v63  }
0x1ea: {  	_ = 	snop  }
0x1eb: {  	[hbm4b:s0+s22] =	stream.strided.scatter [tilespmem:s3], [sflag:$0x1], $0x3000, s24, s22, $0x38;
	[tilespmem:$0x3000] =	vst v63  }
0x1ec: {  	_ = 	snop  }
0x1ed: {  	[hbm4b:s1+s22] =	stream.strided.scatter [tilespmem:s3], [sflag:$0x1], $0x3000, s24, s22, $0x38;
	[tilespmem:$0x3000] =	vst v63  }
0x1ee: {  	_ = 	snop  }
0x1ef: {  	[hbm4b:s2+s22] =	stream.strided.scatter [tilespmem:s3], [sflag:$0x1], $0x3000, s24, s22, $0x38;
	[tilespmem:$0x3000] =	vst v63  }
0x1f0: {  	_ = 	snop  }
0x1f1: {  	[hbm4b:s5+s22] =	stream.strided.scatter [tilespmem:s3], [sflag:$0x1], $0x3000, s24, s22, $0x38;
	[tilespmem:$0x3000] =	vst v63  }
0x1f2: {  	_ = 	snop  }
0x1f3: {  	[hbm4b:s6+s22] =	stream.strided.scatter [tilespmem:s3], [sflag:$0x1], $0x3000, s24, s22, $0x38;
	[tilespmem:$0x3000] =	vst v63  }
0x1f4: {  	_ = 	snop  }
0x1f5: {  	[hbm4b:s7+s22] =	stream.strided.scatter [tilespmem:s3], [sflag:$0x1], $0x3000, s24, s22, $0x38;
	[tilespmem:$0x3000] =	vst v63  }
0x1f6: {  	_ = 	snop  }
0x1f7: {  	[hbm4b:s8+s22] =	stream.strided.scatter [tilespmem:s3], [sflag:$0x1], $0x3000, s24, s22, $0x38;
	[tilespmem:$0x3000] =	vst v63  }
0x1f8: {  	_ = 	snop  }
0x1f9: {  	[hbm4b:s9+s22] =	stream.strided.scatter [tilespmem:s3], [sflag:$0x1], $0x3000, s24, s22, $0x38;
	[tilespmem:$0x3000] =	vst v63  }
0x1fa: {  	_ = 	snop  }
0x1fb: {  	[hbm4b:s10+s22] =	stream.strided.scatter [tilespmem:s3], [sflag:$0x1], $0x3000, s24, s22, $0x38;
	[tilespmem:$0x3000] =	vst v63  }
0x1fc: {  	_ =	swait.ge [sflag:s23], $0x3000  }
0x1fd: {  	[sflag:s23] =	ssyncset.done $0x0  }
0x1fe: {  	[sflag:s23] =	ssyncadd.s32 $0xFFFFD000  }
0x1ff: {  	_ =	swait.ge [sflag:s23], $0x3000  }
0x200: {  	[sflag:s23] =	ssyncset.done $0x0  }
0x201: {  	[sflag:s23] =	ssyncadd.s32 $0xFFFFD000  }
0x202: {  	_ =	swait.ge [sflag:s23], $0x3000  }
0x203: {  	[sflag:s23] =	ssyncset.done $0x0  }
0x204: {  	[sflag:s23] =	ssyncadd.s32 $0xFFFFD000  }
0x205: {  	_ =	swait.ge [sflag:s23], $0x3000  }
0x206: {  	[sflag:s23] =	ssyncset.done $0x0  }
0x207: {  	[sflag:s23] =	ssyncadd.s32 $0xFFFFD000  }
0x208: {  	_ =	swait.ge [sflag:s23], $0x3000  }
0x209: {  	[sflag:s23] =	ssyncset.done $0x0  }
0x20a: {  	[sflag:s23] =	ssyncadd.s32 $0xFFFFD000  }
0x20b: {  	_ =	swait.ge [sflag:s23], $0x3000  }
0x20c: {  	[sflag:s23] =	ssyncset.done $0x0  }
0x20d: {  	[sflag:s23] =	ssyncadd.s32 $0xFFFFD000  }
0x20e: {  	_ =	swait.ge [sflag:s23], $0x3000  }
0x20f: {  	[sflag:s23] =	ssyncset.done $0x0  }
0x210: {  	[sflag:s23] =	ssyncadd.s32 $0xFFFFD000  }
0x211: {  	_ =	swait.ge [sflag:s23], $0x3000  }
0x212: {  	[sflag:s23] =	ssyncset.done $0x0  }
0x213: {  	[sflag:s23] =	ssyncadd.s32 $0xFFFFD000  }
0x214: {  	_ =	swait.ge [sflag:s23], $0x3000  }
0x215: {  	[sflag:s23] =	ssyncset.done $0x0  }
0x216: {  	[sflag:s23] =	ssyncadd.s32 $0xFFFFD000  }
0x217: {  	_ =	swait.ge [sflag:s23], $0x3000  }
0x218: {  	[sflag:s23] =	ssyncset.done $0x0  }
0x219: {  	[sflag:s23] =	ssyncadd.s32 $0xFFFFD000  }
0x21a: {  	_ =	swait.ge [sflag:s23], $0x3000  }
0x21b: {  	[sflag:s23] =	ssyncset.done $0x0  }
0x21c: {  	[sflag:s23] =	ssyncadd.s32 $0xFFFFD000  }
0x21d: {  	_ =	swait.ge [sflag:s23], $0x3000  }
0x21e: {  	[sflag:s23] =	ssyncset.done $0x0  }
0x21f: {  	[sflag:s23] =	ssyncadd.s32 $0xFFFFD000  }
0x220: {  	_ =	swait.ge [sflag:s23], $0x3000  }
0x221: {  	[sflag:s23] =	ssyncset.done $0x0  }
0x222: {  	[sflag:s23] =	ssyncadd.s32 $0xFFFFD000  }
0x223: {  	_ =	swait.ge [sflag:s23], $0x3000  }
0x224: {  	[sflag:s23] =	ssyncset.done $0x0  }
0x225: {  	[sflag:s23] =	ssyncadd.s32 $0xFFFFD000  }
0x226: {  	_ =	swait.ge [sflag:s23], $0x3000  }
0x227: {  	[sflag:s23] =	ssyncset.done $0x0  }
0x228: {  	[sflag:s23] =	ssyncadd.s32 $0xFFFFD000  }
0x229: {  	_ =	swait.ge [sflag:s23], $0x3000  }
0x22a: {  	[sflag:s23] =	ssyncset.done $0x0  }
0x22b: {  	[sflag:s23] =	ssyncadd.s32 $0xFFFFD000  }
0x22c: {  	_ =	swait.ge [sflag:s23], $0x3000  }
0x22d: {  	[sflag:s23] =	ssyncset.done $0x0  }
0x22e: {  	[sflag:s23] =	ssyncadd.s32 $0xFFFFD000  }
0x22f: {  	_ =	swait.ge [sflag:s23], $0x3000  }
0x230: {  	[sflag:s23] =	ssyncset.done $0x0  }
0x231: {  	[sflag:s23] =	ssyncadd.s32 $0xFFFFD000  }
0x232: {  	_ =	swait.ge [sflag:s23], $0x3000  }
0x233: {  	[sflag:s23] =	ssyncset.done $0x0  }
0x234: {  	[sflag:s23] =	ssyncadd.s32 $0xFFFFD000  }
0x235: {  	_ =	swait.ge [sflag:s23], $0x3000  }
0x236: {  	[sflag:s23] =	ssyncset.done $0x0  }
0x237: {  	[sflag:s23] =	ssyncadd.s32 $0xFFFFD000  }
0x238: {  	_ =	swait.ge [sflag:s23], $0x3000  }
0x239: {  	[sflag:s23] =	ssyncset.done $0x0  }
0x23a: {  	[sflag:s23] =	ssyncadd.s32 $0xFFFFD000  }
0x23b: {  	_ =	swait.ge [sflag:s23], $0x3000  }
0x23c: {  	[sflag:s23] =	ssyncset.done $0x0  }
0x23d: {  	[sflag:s23] =	ssyncadd.s32 $0xFFFFD000  }
0x23e: {  	_ =	swait.ge [sflag:s23], $0x3000  }
0x23f: {  	[sflag:s23] =	ssyncset.done $0x0  }
0x240: {  	[sflag:s23] =	ssyncadd.s32 $0xFFFFD000  }
0x241: {  	_ =	swait.ge [sflag:s23], $0x3000  }
0x242: {  	[sflag:s23] =	ssyncset.done $0x0  }
0x243: {  	[sflag:s23] =	ssyncadd.s32 $0xFFFFD000  }
0x244: {  	_ =	swait.ge [sflag:s23], $0x3000  }
0x245: {  	[sflag:s23] =	ssyncset.done $0x0  }
0x246: {  	[sflag:s23] =	ssyncadd.s32 $0xFFFFD000  }
0x247: {  	_ =	swait.ge [sflag:s23], $0x3000  }
0x248: {  	[sflag:s23] =	ssyncset.done $0x0  }
0x249: {  	[sflag:s23] =	ssyncadd.s32 $0xFFFFD000  }
0x24a: {  	_ =	swait.ge [sflag:s23], $0x3000  }
0x24b: {  	[sflag:s23] =	ssyncset.done $0x0  }
0x24c: {  	[sflag:s23] =	ssyncadd.s32 $0xFFFFD000  }
0x24d: {  	_ =	swait.ge [sflag:s23], $0x3000  }
0x24e: {  	[sflag:s23] =	ssyncset.done $0x0  }
0x24f: {  	[sflag:s23] =	ssyncadd.s32 $0xFFFFD000  }
0x250: {  	_ =	swait.ge [sflag:s23], $0x3000  }
0x251: {  	[sflag:s23] =	ssyncset.done $0x0  }
0x252: {  	[sflag:s23] =	ssyncadd.s32 $0xFFFFD000  }
0x253: {  	_ =	swait.ge [sflag:s23], $0x3000  }
0x254: {  	[sflag:s23] =	ssyncset.done $0x0  }
0x255: {  	[sflag:s23] =	ssyncadd.s32 $0xFFFFD000  }
0x256: {  	_ =	swait.ge [sflag:s23], $0x3000  }
0x257: {  	[sflag:s23] =	ssyncset.done $0x0  }
0x258: {  	[sflag:s23] =	ssyncadd.s32 $0xFFFFD000  }
0x259: {  	_ =	swait.ge [sflag:s23], $0x3000  }
0x25a: {  	[sflag:s23] =	ssyncset.done $0x0  }
0x25b: {  	[sflag:s23] =	ssyncadd.s32 $0xFFFFD000  }
0x25c: {  	_ =	swait.ge [sflag:s23], $0x3000  }
0x25d: {  	[sflag:s23] =	ssyncset.done $0x0  }
0x25e: {  	[sflag:s23] =	ssyncadd.s32 $0xFFFFD000  }
0x25f: {  	_ =	swait.ge [sflag:s23], $0x3000  }
0x260: {  	[sflag:s23] =	ssyncset.done $0x0  }
0x261: {  	[sflag:s23] =	ssyncadd.s32 $0xFFFFD000  }
0x262: {  	_ =	swait.ge [sflag:s23], $0x3000  }
0x263: {  	[sflag:s23] =	ssyncset.done $0x0  }
0x264: {  	[sflag:s23] =	ssyncadd.s32 $0xFFFFD000  }
0x265: {  	_ =	swait.ge [sflag:s23], $0x3000  }
0x266: {  	[sflag:s23] =	ssyncset.done $0x0  }
0x267: {  	[sflag:s23] =	ssyncadd.s32 $0xFFFFD000  }
0x268: {  	_ =	swait.ge [sflag:s23], $0x3000  }
0x269: {  	[sflag:s23] =	ssyncset.done $0x0  }
0x26a: {  	[sflag:s23] =	ssyncadd.s32 $0xFFFFD000  }
0x26b: {  	_ =	swait.ge [sflag:s23], $0x3000  }
0x26c: {  	[sflag:s23] =	ssyncset.done $0x0  }
0x26d: {  	[sflag:s23] =	ssyncadd.s32 $0xFFFFD000  }
0x26e: {  	_ =	swait.ge [sflag:s23], $0x3000  }
0x26f: {  	[sflag:s23] =	ssyncset.done $0x0  }
0x270: {  	[sflag:s23] =	ssyncadd.s32 $0xFFFFD000  }
0x271: {  	_ =	swait.ge [sflag:s23], $0x3000  }
0x272: {  	[sflag:s23] =	ssyncset.done $0x0  }
0x273: {  	[sflag:s23] =	ssyncadd.s32 $0xFFFFD000  }
0x274: {  	_ =	swait.ge [sflag:s23], $0x3000  }
0x275: {  	[sflag:s23] =	ssyncset.done $0x0  }
0x276: {  	[sflag:s23] =	ssyncadd.s32 $0xFFFFD000  }
0x277: {  	_ =	swait.ge [sflag:s23], $0x3000  }
0x278: {  	[sflag:s23] =	ssyncset.done $0x0  }
0x279: {  	[sflag:s23] =	ssyncadd.s32 $0xFFFFD000  }
0x27a: {  	_ =	swait.ge [sflag:s23], $0x3000  }
0x27b: {  	[sflag:s23] =	ssyncset.done $0x0  }
0x27c: {  	[sflag:s23] =	ssyncadd.s32 $0xFFFFD000  }
0x27d: {  	_ =	swait.ge [sflag:s23], $0x3000  }
0x27e: {  	[sflag:s23] =	ssyncset.done $0x0  }
0x27f: {  	[sflag:s23] =	ssyncadd.s32 $0xFFFFD000  }
0x280: {  	_ =	swait.ge [sflag:s23], $0x3000  }
0x281: {  	[sflag:s23] =	ssyncset.done $0x0  }
0x282: {  	[sflag:s23] =	ssyncadd.s32 $0xFFFFD000  }
0x283: {  	_ =	swait.ge [sflag:s23], $0x3000  }
0x284: {  	[sflag:s23] =	ssyncset.done $0x0  }
0x285: {  	[sflag:s23] =	ssyncadd.s32 $0xFFFFD000  }
0x286: {  	_ =	swait.ge [sflag:s23], $0x3000  }
0x287: {  	[sflag:s23] =	ssyncset.done $0x0  }
0x288: {  	[sflag:s23] =	ssyncadd.s32 $0xFFFFD000  }
0x289: {  	_ =	swait.ge [sflag:s23], $0x3000  }
0x28a: {  	[sflag:s23] =	ssyncset.done $0x0  }
0x28b: {  	[sflag:s23] =	ssyncadd.s32 $0xFFFFD000  }
0x28c: {  	_ =	swait.ge [sflag:s23], $0x3000  }
0x28d: {  	[sflag:s23] =	ssyncset.done $0x0  }
0x28e: {  	[sflag:s23] =	ssyncadd.s32 $0xFFFFD000  }
0x28f: {  	_ =	swait.ge [sflag:s23], $0x3000  }
0x290: {  	[sflag:s23] =	ssyncset.done $0x0  }
0x291: {  	[sflag:s23] =	ssyncadd.s32 $0xFFFFD000  }
0x292: {  	_ =	swait.ge [sflag:s23], $0x3000  }
0x293: {  	[sflag:s23] =	ssyncset.done $0x0  }
0x294: {  	[sflag:s23] =	ssyncadd.s32 $0xFFFFD000  }
0x295: {  	_ =	swait.ge [sflag:s23], $0x3000  }
0x296: {  	[sflag:s23] =	ssyncset.done $0x0  }
0x297: {  	[sflag:s23] =	ssyncadd.s32 $0xFFFFD000  }
0x298: {  	_ =	swait.ge [sflag:s23], $0x3000  }
0x299: {  	[sflag:s23] =	ssyncset.done $0x0  }
0x29a: {  	[sflag:s23] =	ssyncadd.s32 $0xFFFFD000  }
0x29b: {  	_ =	swait.ge [sflag:s23], $0x3000  }
0x29c: {  	[sflag:s23] =	ssyncset.done $0x0  }
0x29d: {  	[sflag:s23] =	ssyncadd.s32 $0xFFFFD000  }
0x29e: {  	_ =	swait.ge [sflag:s23], $0x3000  }
0x29f: {  	[sflag:s23] =	ssyncset.done $0x0  }
0x2a0: {  	[sflag:s23] =	ssyncadd.s32 $0xFFFFD000  }
0x2a1: {  	_ =	swait.ge [sflag:s23], $0x3000  }
0x2a2: {  	[sflag:s23] =	ssyncset.done $0x0  }
0x2a3: {  	[sflag:s23] =	ssyncadd.s32 $0xFFFFD000  }
0x2a4: {  	_ =	swait.ge [sflag:s23], $0x3000  }
0x2a5: {  	[sflag:s23] =	ssyncset.done $0x0  }
0x2a6: {  	[sflag:s23] =	ssyncadd.s32 $0xFFFFD000  }
0x2a7: {  	_ =	swait.ge [sflag:s23], $0x3000  }
0x2a8: {  	[sflag:s23] =	ssyncset.done $0x0  }
0x2a9: {  	[sflag:s23] =	ssyncadd.s32 $0xFFFFD000  }
0x2aa: {  	_ =	swait.ge [sflag:s23], $0x3000  }
0x2ab: {  	[sflag:s23] =	ssyncset.done $0x0  }
0x2ac: {  	[sflag:s23] =	ssyncadd.s32 $0xFFFFD000  }
0x2ad: {  	_ =	swait.ge [sflag:s23], $0x3000  }
0x2ae: {  	[sflag:s23] =	ssyncset.done $0x0  }
0x2af: {  	[sflag:s23] =	ssyncadd.s32 $0xFFFFD000  }
0x2b0: {  	_ =	swait.ge [sflag:s23], $0x3000  }
0x2b1: {  	[sflag:s23] =	ssyncset.done $0x0  }
0x2b2: {  	[sflag:s23] =	ssyncadd.s32 $0xFFFFD000  }
0x2b3: {  	_ =	swait.ge [sflag:s23], $0x3000  }
0x2b4: {  	[sflag:s23] =	ssyncset.done $0x0  }
0x2b5: {  	[sflag:s23] =	ssyncadd.s32 $0xFFFFD000  }
0x2b6: {  	_ =	swait.ge [sflag:s23], $0x3000  }
0x2b7: {  	[sflag:s23] =	ssyncset.done $0x0  }
0x2b8: {  	[sflag:s23] =	ssyncadd.s32 $0xFFFFD000  }
0x2b9: {  	_ =	swait.ge [sflag:s23], $0x3000  }
0x2ba: {  	s25 =	sadd.s32 $0x1, s25;
	s28 =	rddreg [dreg:$0x17]  }
0x2bb: {  	p0 =	sne.s32 s25, s28  }
.Ltmp1:
0x2bc: {  	_ = 	snop;
	(pc) =	sbr.rel @p0 .LBB2_1-.Ltmp1, $3  }
0x2bd: {  	_ =	sdelay $0x1  }
0x2be: {  	[sflag:s23] =	ssyncset.done $0x0  }
0x2bf: {  	[sflag:s23] =	ssyncadd.s32 $0xFFFFD000  }
0x2c0: {  	_ =	sfence.sel $0x180000  }
0x2c1: {  	[bflag:$0x0] =	sbarrier.arrive $0xFFFF  }
0x2c2: {  	_ =	strace $0x90000047  }
0x2c3: {  	s0 =	stileid.u32;
	[bflag:$0x2] =	sbarrier.arrive $0xFFFF  }
0x2c4: {  	p0 =	sne.s32 s0, $0x0;
	s0 =	rddreg [dreg:$0x2]  }
0x2c5: {  	s0 =	sadd.s32 @!p0 $0x100000, s0  }
0x2c6: {  	[sflag:s0] =	ssyncadd.tile.s32 @!p0 $0x1;
	_ =	shalt  }
.Lfunc_end2:
_tile_overlayer_lowered:
.L_overlay_start_2:
0x2c7: {  	(tag) =	ssettag $0x2  }
0x2c8: {  	s0 =	rddreg [dreg:$0x0];
	s2 =	stileid.u32  }
0x2c9: {  	s1 =	rddreg [dreg:$0x1];
	p0 =	sne.s32 s2, $0x0  }
0x2ca: {  	s3 =	rddreg [dreg:$0x2];
	[bflag:$0x3] =	sbarrier.arrive $0xFFFF;
	s2 =	simm.s32 @!p0 $0x1C02  }
0x2cb: {  	[timem:s3], [sflag:s2] =	dma.local @!p0 [hbm:s0], s1  }
0x2cc: {  	s0 =	simm.s32 @!p0 $0x2  }
0x2cd: {  	_ =	swait.ge @!p0 [sflag:s0], s1  }
0x2ce: {  	s1 =	ssub.s32 @!p0 $0x0, s1;
	[sflag:s0] =	ssyncset.done @!p0 $0x0  }
0x2cf: {  	[sflag:s0] =	ssyncadd.s32 @!p0 s1  }
0x2d0: {  	[bflag:$0x3] =	sbarrier.arrive $0xFFFF  }
0x2d1: {  	_ =	shalt  }

</sc_bundles>
